<compile_context>
chip_gen: v7x
topology: tpu7x:2x2x1
jax: 0.10.2.dev20260603
libtpu: 0.0.44.dev20260713+nightly
codegen_flags: <defaults>
</compile_context>

<pallas_src>
import functools

import jax
import jax.numpy as jnp
from jax import lax
from jax.experimental import pallas as pl
from jax.experimental.pallas import tpu as pltpu
from jax.experimental.pallas import tpu_sc as plsc

N = 10000
E = 320000
D = 128

NTILE = 16
NSC = 2
NW = NTILE * NSC
NPAD = 10240
H = NPAD // 2
ROWS_PER_TILE = NPAD // NTILE
ACC_PER_TILE = H // NTILE
CHUNK = 128
NCHUNK = 80
ACHUNK = 32
ECHUNK = 640
TPAD = 10048
TPIECE = TPAD // 64
EPAD = ECHUNK * ACHUNK * NTILE

BLK = 512
GRID = NPAD // BLK

_mesh = functools.partial(
    plsc.VectorSubcoreMesh, core_axis_name="c", subcore_axis_name="s"
)


def _agg_body(h2_hbm, eidx_hbm, zeros_hbm, out_hbm, i0, i1, i2, i3,
              rows0, rows1, table_sh, acc_sh,
              is0, is1, is2, is3, ss0, ss1):
    c = lax.axis_index("c")
    s = lax.axis_index("s")

    def stage_in(i, carry):
        p = i * NTILE + s

        @pl.when(p < TPIECE)
        def _():
            o = pl.multiple_of(p * 64, 64)
            pltpu.sync_copy(h2_hbm.at[pl.ds(o, 64)],
                            table_sh.at[pl.ds(o, 64)])

        return carry

    lax.fori_loop(0, (TPIECE + NTILE - 1) // NTILE, stage_in, 0)

    def stage_zero(i, carry):
        o = s * ACC_PER_TILE + i * 64
        pltpu.sync_copy(zeros_hbm.at[pl.ds(o, 64)],
                        acc_sh.at[pl.ds(o, 64)])
        return carry

    lax.fori_loop(0, ACC_PER_TILE // 64, stage_zero, 0)
    plsc.subcore_barrier()

    iq = [i0, i1, i2, i3]
    isem = [is0, is1, is2, is3]
    rows = [rows0, rows1]
    ssem = [ss0, ss1]

    pltpu.async_copy(eidx_hbm.at[c, s, 0], iq[0], isem[0])
    pltpu.async_copy(eidx_hbm.at[c, s, 1], iq[1], isem[1])
    for g in (0, 1):
        pltpu.async_copy(eidx_hbm.at[c, s, g + 2], iq[g + 2], isem[g + 2])
        pltpu.make_async_copy(eidx_hbm.at[c, s, g], iq[g], isem[g]).wait()
        pltpu.sync_copy(table_sh.at[iq[g].at[0]], rows[g])
        pltpu.async_copy(rows[g], acc_sh.at[iq[g].at[1]], ssem[g], add=True)

    def phase(gi, j):
        q = j % 4
        r = j % 2
        q2 = (j + 2) % 4
        pltpu.make_async_copy(rows[r], acc_sh.at[iq[q].at[1]],
                              ssem[r]).wait()
        pltpu.async_copy(eidx_hbm.at[c, s, gi + 2], iq[q2], isem[q2])
        pltpu.make_async_copy(eidx_hbm.at[c, s, gi], iq[q], isem[q]).wait()
        pltpu.sync_copy(table_sh.at[iq[q].at[0]], rows[r])
        pltpu.async_copy(rows[r], acc_sh.at[iq[q].at[1]], ssem[r], add=True)

    def body(i, carry):
        base = 2 + i * 4
        for k in range(4):
            phase(base + k, (2 + k) % 4)
        return carry

    lax.fori_loop(0, (ECHUNK - 4) // 4, body, 0)
    for g in range(ECHUNK - 2, ECHUNK):
        j = g % 4
        q = j % 4
        r = j % 2
        pltpu.make_async_copy(rows[r], acc_sh.at[iq[q].at[1]],
                              ssem[r]).wait()
        pltpu.make_async_copy(eidx_hbm.at[c, s, g], iq[q], isem[q]).wait()
        pltpu.sync_copy(table_sh.at[iq[q].at[0]], rows[r])
        pltpu.async_copy(rows[r], acc_sh.at[iq[q].at[1]], ssem[r], add=True)
    for r in (0, 1):
        g = ECHUNK - 2 + r
        pltpu.make_async_copy(rows[r], acc_sh.at[iq[g % 4].at[1]],
                              ssem[r]).wait()
    plsc.subcore_barrier()

    def stage_out(i, carry):
        o = s * ACC_PER_TILE + i * 64
        pltpu.sync_copy(acc_sh.at[pl.ds(o, 64)],
                        out_hbm.at[c, pl.ds(o, 64)])
        return carry

    lax.fori_loop(0, ACC_PER_TILE // 64, stage_out, 0)


_agg_call = functools.partial(
    pl.kernel,
    out_type=jax.ShapeDtypeStruct((NSC, H, D), jnp.float32),
    mesh=_mesh(),
    scratch_types=(
        [pltpu.VMEM((2, ACHUNK), jnp.int32) for _ in range(4)]
        + [pltpu.VMEM((ACHUNK, D), jnp.float32) for _ in range(2)]
        + [pltpu.VMEM_SHARED((TPAD, D), jnp.float32),
           pltpu.VMEM_SHARED((H, D), jnp.float32)]
        + [pltpu.SemaphoreType.DMA for _ in range(6)]
    ),
)(_agg_body)


def _deg_body(ones_hbm, dst3_hbm, zeros_hbm, out_hbm,
              dst_all, rows0, deg_sh, ssem):
    c = lax.axis_index("c")
    s = lax.axis_index("s")
    w = s * NSC + c
    pltpu.sync_copy(ones_hbm, rows0)
    pltpu.sync_copy(
        zeros_hbm.at[pl.ds(s * ROWS_PER_TILE, ROWS_PER_TILE)],
        deg_sh.at[pl.ds(s * ROWS_PER_TILE, ROWS_PER_TILE)],
    )
    plsc.subcore_barrier()
    pltpu.sync_copy(dst3_hbm.at[w], dst_all)

    def body(i, carry):
        for j in range(4):
            pltpu.async_copy(rows0, deg_sh.at[dst_all.at[i * 4 + j]], ssem,
                             add=True)
        for j in range(4):
            pltpu.make_async_copy(rows0, deg_sh.at[dst_all.at[i * 4 + j]],
                                  ssem).wait()
        return carry

    lax.fori_loop(0, NCHUNK // 4, body, 0)
    plsc.subcore_barrier()
    pltpu.sync_copy(
        deg_sh.at[pl.ds(s * ROWS_PER_TILE, ROWS_PER_TILE)],
        out_hbm.at[c, pl.ds(s * ROWS_PER_TILE, ROWS_PER_TILE)],
    )


_deg_call = functools.partial(
    pl.kernel,
    out_type=jax.ShapeDtypeStruct((NSC, NPAD, D), jnp.float32),
    mesh=_mesh(),
    scratch_types=[
        pltpu.VMEM((NCHUNK, CHUNK), jnp.int32),
        pltpu.VMEM((CHUNK, D), jnp.float32),
        pltpu.VMEM_SHARED((NPAD, D), jnp.float32),
        pltpu.SemaphoreType.DMA,
    ],
)(_deg_body)


def _dinv(degp_ref):
    deg = degp_ref[0, :, 0:1] + degp_ref[1, :, 0:1] + 1.0
    return lax.rsqrt(deg)


def _tc1_body(degp_ref, x_ref, w1_ref, h2_ref):
    h = jnp.dot(x_ref[...], w1_ref[...], preferred_element_type=jnp.float32)
    h2_ref[...] = h * _dinv(degp_ref)


def _tc2_body(degp_ref, h2_ref, p_ref, b1_ref, w2_ref, h2b_ref):
    dinv = _dinv(degp_ref)
    acc = h2_ref[...] + p_ref[...]
    out1 = jnp.maximum(acc * dinv + b1_ref[...], 0.0)
    h2b_ref[...] = (
        jnp.dot(out1, w2_ref[...], preferred_element_type=jnp.float32) * dinv
    )


def _tc3_body(degp_ref, h2b_ref, q_ref, b2_ref, wd_ref, bd_ref,
              scores_ref, h_ref):
    dinv = _dinv(degp_ref)
    acc = h2b_ref[...] + q_ref[...]
    hh = jnp.maximum(acc * dinv + b2_ref[...], 0.0)
    h_ref[...] = hh
    scores_ref[...] = (
        jnp.dot(hh, wd_ref[...], preferred_element_type=jnp.float32)
        + bd_ref[...]
    )


_deg_spec = pl.BlockSpec((NSC, BLK, D), lambda i: (0, i, 0))
_row_spec = pl.BlockSpec((BLK, D), lambda i: (i, 0))
_mat_spec = pl.BlockSpec((D, D), lambda i: (0, 0))
_vec_spec = pl.BlockSpec((1, D), lambda i: (0, 0))
_row_out = jax.ShapeDtypeStruct((NPAD, D), jnp.float32)


def _tc1(degp, x, W1):
    return pl.pallas_call(
        _tc1_body,
        grid=(GRID,),
        in_specs=[_deg_spec, _row_spec, _mat_spec],
        out_specs=_row_spec,
        out_shape=_row_out,
    )(degp, x, W1)


def _tc2(degp, h2, p, b1, W2):
    return pl.pallas_call(
        _tc2_body,
        grid=(GRID,),
        in_specs=[_deg_spec, _row_spec, _row_spec, _vec_spec, _mat_spec],
        out_specs=_row_spec,
        out_shape=_row_out,
    )(degp, h2, p, b1, W2)


def _tc3(degp, h2b, q, b2, Wd, bd):
    return pl.pallas_call(
        _tc3_body,
        grid=(GRID,),
        in_specs=[_deg_spec, _row_spec, _row_spec, _vec_spec, _mat_spec,
                  _vec_spec],
        out_specs=(_row_spec, _row_spec),
        out_shape=(_row_out, _row_out),
    )(degp, h2b, q, b2, Wd, bd)


def kernel(x, edge_index, W1, b1, W2, b2, Wd, bd):
    x_pad = jnp.zeros((NPAD, D), jnp.float32).at[1:N + 1].set(x)
    pad_e = EPAD - E
    src1 = jnp.concatenate(
        [edge_index[0] + 1, jnp.full((pad_e,), N + 1, jnp.int32)])
    dst1 = jnp.concatenate(
        [edge_index[1] + 1, jnp.full((pad_e,), N + 1, jnp.int32)])
    dst3 = dst1.reshape(NW, NCHUNK, CHUNK)
    in0 = dst1 < H
    srcr = src1.reshape(NTILE, ECHUNK, 1, ACHUNK)
    d0 = jnp.where(in0, dst1, 0).reshape(NTILE, ECHUNK, 1, ACHUNK)
    d1 = jnp.where(in0, H - 1, dst1 - H).reshape(NTILE, ECHUNK, 1, ACHUNK)
    eidx = jnp.stack([
        jnp.concatenate([srcr, d0], axis=2),
        jnp.concatenate([srcr, d1], axis=2),
    ])
    zeros = jnp.zeros((NPAD, D), jnp.float32)
    ones_blk = jnp.ones((CHUNK, D), jnp.float32)

    degp = _deg_call(ones_blk, dst3, zeros)
    h2 = _tc1(degp, x_pad, W1)
    p = _agg_call(h2, eidx, zeros).reshape(NPAD, D)
    h2b = _tc2(degp, h2, p, b1.reshape(1, D), W2)
    q = _agg_call(h2b, eidx, zeros).reshape(NPAD, D)
    scores_pad, h_pad = _tc3(degp, h2b, q, b2.reshape(1, D), Wd,
                             bd.reshape(1, D))
    return scores_pad[1:N + 1], h_pad[1:N + 1]

# --- scband reference (transcript-rebuilt; emitter-appended) ---
"""Pipeline reference for scband-pretrained-model-85899345920584 (READ-ONLY COPY).

The authoritative reference and input builder live on the scoring server;
editing this copy changes nothing except your own understanding.
"""

import jax, jax.numpy as jnp
import numpy as np

N = 10000
E = 320000
D_IN = 128
D_HID = 128
D_OUT = 128


def _gcn_layer(x, edge_index, W, b):
    # PyG GCNConv: add self-loops, symmetric normalization D^-1/2 A_hat D^-1/2, then X W + bias
    n = x.shape[0]
    loop = jnp.arange(n, dtype=edge_index.dtype)
    src = jnp.concatenate([edge_index[0], loop])
    dst = jnp.concatenate([edge_index[1], loop])
    deg = jnp.zeros((n,), dtype=x.dtype).at[dst].add(1.0)
    deg_inv_sqrt = jnp.where(deg > 0, deg ** -0.5, 0.0)
    norm = deg_inv_sqrt[src] * deg_inv_sqrt[dst]
    h = x @ W
    msg = h[src] * norm[:, None]
    out = jnp.zeros((n, h.shape[1]), dtype=x.dtype).at[dst].add(msg)
    return out + b


def setup_inputs(seed: int = 0) -> dict:
    key = jax.random.key(seed)
    ks = jax.random.split(key, 8)
    x = jax.random.normal(ks[0], (N, D_IN), dtype=jnp.float32)
    edge_index = jax.random.randint(ks[1], (2, E), 0, N, dtype=jnp.int32)
    s1 = 1.0 / np.sqrt(D_IN)
    s2 = 1.0 / np.sqrt(D_HID)
    W1 = jax.random.normal(ks[2], (D_IN, D_HID), dtype=jnp.float32) * s1
    b1 = jnp.zeros((D_HID,), dtype=jnp.float32)
    W2 = jax.random.normal(ks[3], (D_HID, D_HID), dtype=jnp.float32) * s2
    b2 = jnp.zeros((D_HID,), dtype=jnp.float32)
    Wd = jax.random.normal(ks[4], (D_HID, D_OUT), dtype=jnp.float32) * s2
    bd = jnp.zeros((D_OUT,), dtype=jnp.float32)
    return {"x": x, "edge_index": edge_index, "W1": W1, "b1": b1, "W2": W2, "b2": b2, "Wd": Wd, "bd": bd}


def reference(x, edge_index, W1, b1, W2, b2, Wd, bd):
    # node_forward with batch=None, decoder=True, output_embeds=True, dropout=0 (no-op), no BN
    h = _gcn_layer(x, edge_index, W1, b1)
    h = jax.nn.relu(h)
    h = _gcn_layer(h, edge_index, W2, b2)
    h = jax.nn.relu(h)
    scores = h @ Wd + bd
    return (scores, h)

if __name__ == "__main__":
    import jax
    _d = setup_inputs()
    print(jax.jit(kernel)(*tuple(_d.values())))

</pallas_src>

<mosaic_0001>
#map = affine_map<(d0, d1) -> (0, 0)>
#map1 = affine_map<(d0, d1) -> (0, 0, 0, 0, 0)>
#map2 = affine_map<(d0, d1) -> (0, 0, 0)>
module attributes {stable_mosaic.version = 14 : i64} {
  func.func @_agg_body(%arg0: i32, %arg1: i32, %arg2: memref<10240x128xf32, #tpu.memory_space<hbm>>, %arg3: memref<2x16x640x2x32xi32, #tpu.memory_space<hbm>>, %arg4: memref<10240x128xf32, #tpu.memory_space<hbm>>, %arg5: memref<2x5120x128xf32, #tpu.memory_space<hbm>>, %arg6: memref<2x32xi32, #tpu.memory_space<vmem>>, %arg7: memref<2x32xi32, #tpu.memory_space<vmem>>, %arg8: memref<2x32xi32, #tpu.memory_space<vmem>>, %arg9: memref<2x32xi32, #tpu.memory_space<vmem>>, %arg10: memref<32x128xf32, #tpu.memory_space<vmem>>, %arg11: memref<32x128xf32, #tpu.memory_space<vmem>>, %arg12: memref<10048x128xf32, #tpu.memory_space<vmem_shared>>, %arg13: memref<5120x128xf32, #tpu.memory_space<vmem_shared>>, %arg14: memref<!tpu.dma_semaphore, #tpu.memory_space<semaphore_mem>>, %arg15: memref<!tpu.dma_semaphore, #tpu.memory_space<semaphore_mem>>, %arg16: memref<!tpu.dma_semaphore, #tpu.memory_space<semaphore_mem>>, %arg17: memref<!tpu.dma_semaphore, #tpu.memory_space<semaphore_mem>>, %arg18: memref<!tpu.dma_semaphore, #tpu.memory_space<semaphore_mem>>, %arg19: memref<!tpu.dma_semaphore, #tpu.memory_space<semaphore_mem>>) attributes {dimension_semantics = [#tpu.dimension_semantics<core_parallel>, #tpu.dimension_semantics<subcore_parallel>], iteration_bounds = array<i64: 2, 16>, scalar_prefetch = 0 : i64, scratch_operands = 14 : i64, tpu.core_type = #tpu.core_type<sc_vector_subcore>, window_params = [{transform_indices = #map}, {transform_indices = #map1}, {transform_indices = #map}, {transform_indices = #map2}]} {
    %scan3A = arith.constant 0 : i32
    %scan3A_0 = arith.constant 0 : i32
    %scan3A_1 = arith.constant 10 : i32
    %scan3A_2 = arith.addi %scan3A_0, %scan3A_1 : i32
    %scan3A_3 = arith.constant 1 : i32
    scf.for %scan3A_153 = %scan3A_0 to %scan3A_2 step %scan3A_3  : i32 {
      %mul3A = arith.constant 16 : i32
      %mul3A_154 = arith.muli %scan3A_153, %mul3A : i32
      %add3A = arith.addi %mul3A_154, %arg1 : i32
      %lt3A = arith.constant 157 : i32
      %lt3A_155 = arith.cmpi slt, %add3A, %lt3A : i32
      %convert_element_type3A = arith.extui %lt3A_155 : i1 to i32
      %cond3A = arith.constant 0 : i32
      %cond3A_156 = arith.cmpi ne, %convert_element_type3A, %cond3A : i32
      scf.if %cond3A_156 {
        %mul3A_157 = arith.constant 64 : i32
        %mul3A_158 = arith.muli %add3A, %mul3A_157 : i32
        %multiple_of3A = tpu.assume_multiple %mul3A_158, 64 : i32
        "tpu.region"() ({
          %run_scoped3A_159 = tpu.sem_alloc : memref<!tpu.dma_semaphore, #tpu.memory_space<semaphore_mem>>
          %dma_start3A_160 = arith.constant 0 : i32
          %dma_start3A_161 = tpu.memref_slice %arg12[%multiple_of3A, %dma_start3A_160] : memref<10048x128xf32, #tpu.memory_space<vmem_shared>> -> memref<64x128xf32, #tpu.memory_space<vmem_shared>>
          %dma_start3A_162 = arith.constant 0 : i32
          %dma_start3A_163 = tpu.memref_slice %arg2[%multiple_of3A, %dma_start3A_162] : memref<10240x128xf32, #tpu.memory_space<hbm>> -> memref<64x128xf32, #tpu.memory_space<hbm>>
          tpu.enqueue_dma source(%dma_start3A_163 : memref<64x128xf32, #tpu.memory_space<hbm>>) target(%dma_start3A_161 : memref<64x128xf32, #tpu.memory_space<vmem_shared>>) target_semaphore(%run_scoped3A_159 : memref<!tpu.dma_semaphore, #tpu.memory_space<semaphore_mem>>)
          %dma_wait3A_164 = arith.constant 0 : i32
          %dma_wait3A_165 = tpu.memref_slice %arg12[%multiple_of3A, %dma_wait3A_164] : memref<10048x128xf32, #tpu.memory_space<vmem_shared>> -> memref<64x128xf32, #tpu.memory_space<vmem_shared>>
          %dma_wait3A_166 = arith.constant 0 : i32
          %dma_wait3A_167 = tpu.memref_slice %arg2[%multiple_of3A, %dma_wait3A_166] : memref<10240x128xf32, #tpu.memory_space<hbm>> -> memref<64x128xf32, #tpu.memory_space<hbm>>
          tpu.wait_dma2 semaphore(%run_scoped3A_159 : memref<!tpu.dma_semaphore, #tpu.memory_space<semaphore_mem>>) src(%dma_wait3A_167 : memref<64x128xf32, #tpu.memory_space<hbm>>) dst(%dma_wait3A_165 : memref<64x128xf32, #tpu.memory_space<vmem_shared>>)
          tpu.yield
        }) : () -> ()
      } else {
      }
    }
    %scan3A_4 = arith.constant 10 : i32
    %scan3A_5 = arith.constant 0 : i32
    %scan3A_6 = arith.constant 0 : i32
    %scan3A_7 = arith.constant 5 : i32
    %scan3A_8 = arith.addi %scan3A_6, %scan3A_7 : i32
    %scan3A_9 = arith.constant 1 : i32
    scf.for %scan3A_153 = %scan3A_6 to %scan3A_8 step %scan3A_9  : i32 {
      %mul3A = arith.constant 320 : i32
      %mul3A_154 = arith.muli %arg1, %mul3A : i32
      %mul3A_155 = arith.constant 64 : i32
      %mul3A_156 = arith.muli %scan3A_153, %mul3A_155 : i32
      %add3A = arith.addi %mul3A_154, %mul3A_156 : i32
      "tpu.region"() ({
        %run_scoped3A_157 = tpu.sem_alloc : memref<!tpu.dma_semaphore, #tpu.memory_space<semaphore_mem>>
        %dma_start3A_158 = arith.constant 0 : i32
        %dma_start3A_159 = tpu.memref_slice %arg13[%add3A, %dma_start3A_158] : memref<5120x128xf32, #tpu.memory_space<vmem_shared>> -> memref<64x128xf32, #tpu.memory_space<vmem_shared>>
        %dma_start3A_160 = arith.constant 0 : i32
        %dma_start3A_161 = tpu.memref_slice %arg4[%add3A, %dma_start3A_160] : memref<10240x128xf32, #tpu.memory_space<hbm>> -> memref<64x128xf32, #tpu.memory_space<hbm>>
        tpu.enqueue_dma source(%dma_start3A_161 : memref<64x128xf32, #tpu.memory_space<hbm>>) target(%dma_start3A_159 : memref<64x128xf32, #tpu.memory_space<vmem_shared>>) target_semaphore(%run_scoped3A_157 : memref<!tpu.dma_semaphore, #tpu.memory_space<semaphore_mem>>)
        %dma_wait3A_162 = arith.constant 0 : i32
        %dma_wait3A_163 = tpu.memref_slice %arg13[%add3A, %dma_wait3A_162] : memref<5120x128xf32, #tpu.memory_space<vmem_shared>> -> memref<64x128xf32, #tpu.memory_space<vmem_shared>>
        %dma_wait3A_164 = arith.constant 0 : i32
        %dma_wait3A_165 = tpu.memref_slice %arg4[%add3A, %dma_wait3A_164] : memref<10240x128xf32, #tpu.memory_space<hbm>> -> memref<64x128xf32, #tpu.memory_space<hbm>>
        tpu.wait_dma2 semaphore(%run_scoped3A_157 : memref<!tpu.dma_semaphore, #tpu.memory_space<semaphore_mem>>) src(%dma_wait3A_165 : memref<64x128xf32, #tpu.memory_space<hbm>>) dst(%dma_wait3A_163 : memref<64x128xf32, #tpu.memory_space<vmem_shared>>)
        tpu.yield
      }) : () -> ()
    }
    %scan3A_10 = arith.constant 5 : i32
    %barrier3A = arith.constant 0 : index
    tpu.barrier barrier_id(%barrier3A)
    %dma_start3A = arith.constant 0 : i32
    %dma_start3A_11 = arith.constant 0 : i32
    %dma_start3A_12 = arith.constant 0 : i32
    %dma_start3A_13 = tpu.memref_slice %arg3[%arg0, %arg1, %dma_start3A, %dma_start3A_11, %dma_start3A_12] : memref<2x16x640x2x32xi32, #tpu.memory_space<hbm>> -> memref<1x1x1x2x32xi32, #tpu.memory_space<hbm>>
    %dma_start3A_14 = tpu.memref_squeeze %dma_start3A_13 : memref<1x1x1x2x32xi32, #tpu.memory_space<hbm>> -> memref<2x32xi32, #tpu.memory_space<hbm>>
    %dma_start3A_15 = arith.constant 0 : i32
    %dma_start3A_16 = arith.constant 0 : i32
    %dma_start3A_17 = tpu.memref_slice %arg3[%arg0, %arg1, %dma_start3A, %dma_start3A_15, %dma_start3A_16] : memref<2x16x640x2x32xi32, #tpu.memory_space<hbm>> -> memref<1x1x1x2x32xi32, #tpu.memory_space<hbm>>
    %dma_start3A_18 = tpu.memref_squeeze %dma_start3A_17 : memref<1x1x1x2x32xi32, #tpu.memory_space<hbm>> -> memref<2x32xi32, #tpu.memory_space<hbm>>
    tpu.enqueue_dma source(%dma_start3A_18 : memref<2x32xi32, #tpu.memory_space<hbm>>) target(%arg6 : memref<2x32xi32, #tpu.memory_space<vmem>>) target_semaphore(%arg14 : memref<!tpu.dma_semaphore, #tpu.memory_space<semaphore_mem>>)
    %dma_start3A_19 = arith.constant 1 : i32
    %dma_start3A_20 = arith.constant 0 : i32
    %dma_start3A_21 = arith.constant 0 : i32
    %dma_start3A_22 = tpu.memref_slice %arg3[%arg0, %arg1, %dma_start3A_19, %dma_start3A_20, %dma_start3A_21] : memref<2x16x640x2x32xi32, #tpu.memory_space<hbm>> -> memref<1x1x1x2x32xi32, #tpu.memory_space<hbm>>
    %dma_start3A_23 = tpu.memref_squeeze %dma_start3A_22 : memref<1x1x1x2x32xi32, #tpu.memory_space<hbm>> -> memref<2x32xi32, #tpu.memory_space<hbm>>
    %dma_start3A_24 = arith.constant 0 : i32
    %dma_start3A_25 = arith.constant 0 : i32
    %dma_start3A_26 = tpu.memref_slice %arg3[%arg0, %arg1, %dma_start3A_19, %dma_start3A_24, %dma_start3A_25] : memref<2x16x640x2x32xi32, #tpu.memory_space<hbm>> -> memref<1x1x1x2x32xi32, #tpu.memory_space<hbm>>
    %dma_start3A_27 = tpu.memref_squeeze %dma_start3A_26 : memref<1x1x1x2x32xi32, #tpu.memory_space<hbm>> -> memref<2x32xi32, #tpu.memory_space<hbm>>
    tpu.enqueue_dma source(%dma_start3A_27 : memref<2x32xi32, #tpu.memory_space<hbm>>) target(%arg7 : memref<2x32xi32, #tpu.memory_space<vmem>>) target_semaphore(%arg15 : memref<!tpu.dma_semaphore, #tpu.memory_space<semaphore_mem>>)
    %dma_start3A_28 = arith.constant 2 : i32
    %dma_start3A_29 = arith.constant 0 : i32
    %dma_start3A_30 = arith.constant 0 : i32
    %dma_start3A_31 = tpu.memref_slice %arg3[%arg0, %arg1, %dma_start3A_28, %dma_start3A_29, %dma_start3A_30] : memref<2x16x640x2x32xi32, #tpu.memory_space<hbm>> -> memref<1x1x1x2x32xi32, #tpu.memory_space<hbm>>
    %dma_start3A_32 = tpu.memref_squeeze %dma_start3A_31 : memref<1x1x1x2x32xi32, #tpu.memory_space<hbm>> -> memref<2x32xi32, #tpu.memory_space<hbm>>
    %dma_start3A_33 = arith.constant 0 : i32
    %dma_start3A_34 = arith.constant 0 : i32
    %dma_start3A_35 = tpu.memref_slice %arg3[%arg0, %arg1, %dma_start3A_28, %dma_start3A_33, %dma_start3A_34] : memref<2x16x640x2x32xi32, #tpu.memory_space<hbm>> -> memref<1x1x1x2x32xi32, #tpu.memory_space<hbm>>
    %dma_start3A_36 = tpu.memref_squeeze %dma_start3A_35 : memref<1x1x1x2x32xi32, #tpu.memory_space<hbm>> -> memref<2x32xi32, #tpu.memory_space<hbm>>
    tpu.enqueue_dma source(%dma_start3A_36 : memref<2x32xi32, #tpu.memory_space<hbm>>) target(%arg8 : memref<2x32xi32, #tpu.memory_space<vmem>>) target_semaphore(%arg16 : memref<!tpu.dma_semaphore, #tpu.memory_space<semaphore_mem>>)
    %dma_wait3A = arith.constant 0 : i32
    %dma_wait3A_37 = arith.constant 0 : i32
    %dma_wait3A_38 = arith.constant 0 : i32
    %dma_wait3A_39 = tpu.memref_slice %arg3[%arg0, %arg1, %dma_wait3A, %dma_wait3A_37, %dma_wait3A_38] : memref<2x16x640x2x32xi32, #tpu.memory_space<hbm>> -> memref<1x1x1x2x32xi32, #tpu.memory_space<hbm>>
    %dma_wait3A_40 = tpu.memref_squeeze %dma_wait3A_39 : memref<1x1x1x2x32xi32, #tpu.memory_space<hbm>> -> memref<2x32xi32, #tpu.memory_space<hbm>>
    %dma_wait3A_41 = arith.constant 0 : i32
    %dma_wait3A_42 = arith.constant 0 : i32
    %dma_wait3A_43 = tpu.memref_slice %arg3[%arg0, %arg1, %dma_wait3A, %dma_wait3A_41, %dma_wait3A_42] : memref<2x16x640x2x32xi32, #tpu.memory_space<hbm>> -> memref<1x1x1x2x32xi32, #tpu.memory_space<hbm>>
    %dma_wait3A_44 = tpu.memref_squeeze %dma_wait3A_43 : memref<1x1x1x2x32xi32, #tpu.memory_space<hbm>> -> memref<2x32xi32, #tpu.memory_space<hbm>>
    tpu.wait_dma2 semaphore(%arg14 : memref<!tpu.dma_semaphore, #tpu.memory_space<semaphore_mem>>) src(%dma_wait3A_44 : memref<2x32xi32, #tpu.memory_space<hbm>>) dst(%arg6 : memref<2x32xi32, #tpu.memory_space<vmem>>)
    %run_scoped3A = arith.constant 0 : i32
    "tpu.region"() ({
      %run_scoped3A_153 = tpu.sem_alloc : memref<!tpu.dma_semaphore, #tpu.memory_space<semaphore_mem>>
      %dma_start3A_154 = arith.constant 0 : i32
      %dma_start3A_155 = tpu.memref_slice %arg6[%run_scoped3A, %dma_start3A_154] : memref<2x32xi32, #tpu.memory_space<vmem>> -> memref<1x32xi32, #tpu.memory_space<vmem>>
      %dma_start3A_156 = tpu.memref_squeeze %dma_start3A_155 : memref<1x32xi32, #tpu.memory_space<vmem>> -> memref<32xi32, #tpu.memory_space<vmem>>
      %dma_start3A_157 = arith.constant 0 : i32
      %dma_start3A_158 = arith.constant 0 : i32
      %dma_start3A_159 = tpu.memref_slice %arg12[%dma_start3A_157, %dma_start3A_158] : memref<10048x128xf32, #tpu.memory_space<vmem_shared>> -> memref<10048x128xf32, #tpu.memory_space<vmem_shared>>
      tpu.enqueue_indirect_dma source(%dma_start3A_159 : memref<10048x128xf32, #tpu.memory_space<vmem_shared>>) target(%arg10 : memref<32x128xf32, #tpu.memory_space<vmem>>) offsets(%dma_start3A_156 : memref<32xi32, #tpu.memory_space<vmem>>) semaphore(%run_scoped3A_153 : memref<!tpu.dma_semaphore, #tpu.memory_space<semaphore_mem>>)
      %dma_wait3A_160 = arith.constant 0 : i32
      %dma_wait3A_161 = tpu.memref_slice %arg6[%run_scoped3A, %dma_wait3A_160] : memref<2x32xi32, #tpu.memory_space<vmem>> -> memref<1x32xi32, #tpu.memory_space<vmem>>
      %dma_wait3A_162 = tpu.memref_squeeze %dma_wait3A_161 : memref<1x32xi32, #tpu.memory_space<vmem>> -> memref<32xi32, #tpu.memory_space<vmem>>
      %dma_wait3A_163 = arith.constant 0 : i32
      %dma_wait3A_164 = arith.constant 0 : i32
      %dma_wait3A_165 = tpu.memref_slice %arg12[%dma_wait3A_163, %dma_wait3A_164] : memref<10048x128xf32, #tpu.memory_space<vmem_shared>> -> memref<10048x128xf32, #tpu.memory_space<vmem_shared>>
      tpu.wait_indirect_dma semaphore(%run_scoped3A_153 : memref<!tpu.dma_semaphore, #tpu.memory_space<semaphore_mem>>) src(%dma_wait3A_165 : memref<10048x128xf32, #tpu.memory_space<vmem_shared>>) dst(%arg10 : memref<32x128xf32, #tpu.memory_space<vmem>>)
      tpu.yield
    }) : () -> ()
    %dma_start3A_45 = arith.constant 1 : i32
    %dma_start3A_46 = arith.constant 0 : i32
    %dma_start3A_47 = tpu.memref_slice %arg6[%dma_start3A_45, %dma_start3A_46] : memref<2x32xi32, #tpu.memory_space<vmem>> -> memref<1x32xi32, #tpu.memory_space<vmem>>
    %dma_start3A_48 = tpu.memref_squeeze %dma_start3A_47 : memref<1x32xi32, #tpu.memory_space<vmem>> -> memref<32xi32, #tpu.memory_space<vmem>>
    %dma_start3A_49 = arith.constant 0 : i32
    %dma_start3A_50 = arith.constant 0 : i32
    %dma_start3A_51 = tpu.memref_slice %arg13[%dma_start3A_49, %dma_start3A_50] : memref<5120x128xf32, #tpu.memory_space<vmem_shared>> -> memref<5120x128xf32, #tpu.memory_space<vmem_shared>>
    tpu.enqueue_indirect_dma source(%arg10 : memref<32x128xf32, #tpu.memory_space<vmem>>) target(%dma_start3A_51 : memref<5120x128xf32, #tpu.memory_space<vmem_shared>>) offsets(%dma_start3A_48 : memref<32xi32, #tpu.memory_space<vmem>>) semaphore(%arg18 : memref<!tpu.dma_semaphore, #tpu.memory_space<semaphore_mem>>) {add = true}
    %dma_start3A_52 = arith.constant 3 : i32
    %dma_start3A_53 = arith.constant 0 : i32
    %dma_start3A_54 = arith.constant 0 : i32
    %dma_start3A_55 = tpu.memref_slice %arg3[%arg0, %arg1, %dma_start3A_52, %dma_start3A_53, %dma_start3A_54] : memref<2x16x640x2x32xi32, #tpu.memory_space<hbm>> -> memref<1x1x1x2x32xi32, #tpu.memory_space<hbm>>
    %dma_start3A_56 = tpu.memref_squeeze %dma_start3A_55 : memref<1x1x1x2x32xi32, #tpu.memory_space<hbm>> -> memref<2x32xi32, #tpu.memory_space<hbm>>
    %dma_start3A_57 = arith.constant 0 : i32
    %dma_start3A_58 = arith.constant 0 : i32
    %dma_start3A_59 = tpu.memref_slice %arg3[%arg0, %arg1, %dma_start3A_52, %dma_start3A_57, %dma_start3A_58] : memref<2x16x640x2x32xi32, #tpu.memory_space<hbm>> -> memref<1x1x1x2x32xi32, #tpu.memory_space<hbm>>
    %dma_start3A_60 = tpu.memref_squeeze %dma_start3A_59 : memref<1x1x1x2x32xi32, #tpu.memory_space<hbm>> -> memref<2x32xi32, #tpu.memory_space<hbm>>
    tpu.enqueue_dma source(%dma_start3A_60 : memref<2x32xi32, #tpu.memory_space<hbm>>) target(%arg9 : memref<2x32xi32, #tpu.memory_space<vmem>>) target_semaphore(%arg17 : memref<!tpu.dma_semaphore, #tpu.memory_space<semaphore_mem>>)
    %dma_wait3A_61 = arith.constant 1 : i32
    %dma_wait3A_62 = arith.constant 0 : i32
    %dma_wait3A_63 = arith.constant 0 : i32
    %dma_wait3A_64 = tpu.memref_slice %arg3[%arg0, %arg1, %dma_wait3A_61, %dma_wait3A_62, %dma_wait3A_63] : memref<2x16x640x2x32xi32, #tpu.memory_space<hbm>> -> memref<1x1x1x2x32xi32, #tpu.memory_space<hbm>>
    %dma_wait3A_65 = tpu.memref_squeeze %dma_wait3A_64 : memref<1x1x1x2x32xi32, #tpu.memory_space<hbm>> -> memref<2x32xi32, #tpu.memory_space<hbm>>
    %dma_wait3A_66 = arith.constant 0 : i32
    %dma_wait3A_67 = arith.constant 0 : i32
    %dma_wait3A_68 = tpu.memref_slice %arg3[%arg0, %arg1, %dma_wait3A_61, %dma_wait3A_66, %dma_wait3A_67] : memref<2x16x640x2x32xi32, #tpu.memory_space<hbm>> -> memref<1x1x1x2x32xi32, #tpu.memory_space<hbm>>
    %dma_wait3A_69 = tpu.memref_squeeze %dma_wait3A_68 : memref<1x1x1x2x32xi32, #tpu.memory_space<hbm>> -> memref<2x32xi32, #tpu.memory_space<hbm>>
    tpu.wait_dma2 semaphore(%arg15 : memref<!tpu.dma_semaphore, #tpu.memory_space<semaphore_mem>>) src(%dma_wait3A_69 : memref<2x32xi32, #tpu.memory_space<hbm>>) dst(%arg7 : memref<2x32xi32, #tpu.memory_space<vmem>>)
    %run_scoped3A_70 = arith.constant 0 : i32
    "tpu.region"() ({
      %run_scoped3A_153 = tpu.sem_alloc : memref<!tpu.dma_semaphore, #tpu.memory_space<semaphore_mem>>
      %dma_start3A_154 = arith.constant 0 : i32
      %dma_start3A_155 = tpu.memref_slice %arg7[%run_scoped3A_70, %dma_start3A_154] : memref<2x32xi32, #tpu.memory_space<vmem>> -> memref<1x32xi32, #tpu.memory_space<vmem>>
      %dma_start3A_156 = tpu.memref_squeeze %dma_start3A_155 : memref<1x32xi32, #tpu.memory_space<vmem>> -> memref<32xi32, #tpu.memory_space<vmem>>
      %dma_start3A_157 = arith.constant 0 : i32
      %dma_start3A_158 = arith.constant 0 : i32
      %dma_start3A_159 = tpu.memref_slice %arg12[%dma_start3A_157, %dma_start3A_158] : memref<10048x128xf32, #tpu.memory_space<vmem_shared>> -> memref<10048x128xf32, #tpu.memory_space<vmem_shared>>
      tpu.enqueue_indirect_dma source(%dma_start3A_159 : memref<10048x128xf32, #tpu.memory_space<vmem_shared>>) target(%arg11 : memref<32x128xf32, #tpu.memory_space<vmem>>) offsets(%dma_start3A_156 : memref<32xi32, #tpu.memory_space<vmem>>) semaphore(%run_scoped3A_153 : memref<!tpu.dma_semaphore, #tpu.memory_space<semaphore_mem>>)
      %dma_wait3A_160 = arith.constant 0 : i32
      %dma_wait3A_161 = tpu.memref_slice %arg7[%run_scoped3A_70, %dma_wait3A_160] : memref<2x32xi32, #tpu.memory_space<vmem>> -> memref<1x32xi32, #tpu.memory_space<vmem>>
      %dma_wait3A_162 = tpu.memref_squeeze %dma_wait3A_161 : memref<1x32xi32, #tpu.memory_space<vmem>> -> memref<32xi32, #tpu.memory_space<vmem>>
      %dma_wait3A_163 = arith.constant 0 : i32
      %dma_wait3A_164 = arith.constant 0 : i32
      %dma_wait3A_165 = tpu.memref_slice %arg12[%dma_wait3A_163, %dma_wait3A_164] : memref<10048x128xf32, #tpu.memory_space<vmem_shared>> -> memref<10048x128xf32, #tpu.memory_space<vmem_shared>>
      tpu.wait_indirect_dma semaphore(%run_scoped3A_153 : memref<!tpu.dma_semaphore, #tpu.memory_space<semaphore_mem>>) src(%dma_wait3A_165 : memref<10048x128xf32, #tpu.memory_space<vmem_shared>>) dst(%arg11 : memref<32x128xf32, #tpu.memory_space<vmem>>)
      tpu.yield
    }) : () -> ()
    %dma_start3A_71 = arith.constant 1 : i32
    %dma_start3A_72 = arith.constant 0 : i32
    %dma_start3A_73 = tpu.memref_slice %arg7[%dma_start3A_71, %dma_start3A_72] : memref<2x32xi32, #tpu.memory_space<vmem>> -> memref<1x32xi32, #tpu.memory_space<vmem>>
    %dma_start3A_74 = tpu.memref_squeeze %dma_start3A_73 : memref<1x32xi32, #tpu.memory_space<vmem>> -> memref<32xi32, #tpu.memory_space<vmem>>
    %dma_start3A_75 = arith.constant 0 : i32
    %dma_start3A_76 = arith.constant 0 : i32
    %dma_start3A_77 = tpu.memref_slice %arg13[%dma_start3A_75, %dma_start3A_76] : memref<5120x128xf32, #tpu.memory_space<vmem_shared>> -> memref<5120x128xf32, #tpu.memory_space<vmem_shared>>
    tpu.enqueue_indirect_dma source(%arg11 : memref<32x128xf32, #tpu.memory_space<vmem>>) target(%dma_start3A_77 : memref<5120x128xf32, #tpu.memory_space<vmem_shared>>) offsets(%dma_start3A_74 : memref<32xi32, #tpu.memory_space<vmem>>) semaphore(%arg19 : memref<!tpu.dma_semaphore, #tpu.memory_space<semaphore_mem>>) {add = true}
    %scan3A_78 = arith.constant 0 : i32
    %scan3A_79 = arith.constant 0 : i32
    %scan3A_80 = arith.constant 159 : i32
    %scan3A_81 = arith.addi %scan3A_79, %scan3A_80 : i32
    %scan3A_82 = arith.constant 1 : i32
    scf.for %scan3A_153 = %scan3A_79 to %scan3A_81 step %scan3A_82  : i32 {
      %mul3A = arith.constant 4 : i32
      %mul3A_154 = arith.muli %scan3A_153, %mul3A : i32
      %add3A = arith.constant 2 : i32
      %add3A_155 = arith.addi %add3A, %mul3A_154 : i32
      %add3A_156 = arith.constant 0 : i32
      %add3A_157 = arith.addi %add3A_155, %add3A_156 : i32
      %dma_wait3A_158 = arith.constant 1 : i32
      %dma_wait3A_159 = arith.constant 0 : i32
      %dma_wait3A_160 = tpu.memref_slice %arg8[%dma_wait3A_158, %dma_wait3A_159] : memref<2x32xi32, #tpu.memory_space<vmem>> -> memref<1x32xi32, #tpu.memory_space<vmem>>
      %dma_wait3A_161 = tpu.memref_squeeze %dma_wait3A_160 : memref<1x32xi32, #tpu.memory_space<vmem>> -> memref<32xi32, #tpu.memory_space<vmem>>
      %dma_wait3A_162 = arith.constant 0 : i32
      %dma_wait3A_163 = arith.constant 0 : i32
      %dma_wait3A_164 = tpu.memref_slice %arg13[%dma_wait3A_162, %dma_wait3A_163] : memref<5120x128xf32, #tpu.memory_space<vmem_shared>> -> memref<5120x128xf32, #tpu.memory_space<vmem_shared>>
      tpu.wait_indirect_dma semaphore(%arg18 : memref<!tpu.dma_semaphore, #tpu.memory_space<semaphore_mem>>) src(%arg10 : memref<32x128xf32, #tpu.memory_space<vmem>>) dst(%dma_wait3A_164 : memref<5120x128xf32, #tpu.memory_space<vmem_shared>>)
      %add3A_165 = arith.constant 2 : i32
      %add3A_166 = arith.addi %add3A_157, %add3A_165 : i32
      %dma_start3A_167 = arith.constant 0 : i32
      %dma_start3A_168 = arith.constant 0 : i32
      %dma_start3A_169 = tpu.memref_slice %arg3[%arg0, %arg1, %add3A_166, %dma_start3A_167, %dma_start3A_168] : memref<2x16x640x2x32xi32, #tpu.memory_space<hbm>> -> memref<1x1x1x2x32xi32, #tpu.memory_space<hbm>>
      %dma_start3A_170 = tpu.memref_squeeze %dma_start3A_169 : memref<1x1x1x2x32xi32, #tpu.memory_space<hbm>> -> memref<2x32xi32, #tpu.memory_space<hbm>>
      %dma_start3A_171 = arith.constant 0 : i32
      %dma_start3A_172 = arith.constant 0 : i32
      %dma_start3A_173 = tpu.memref_slice %arg3[%arg0, %arg1, %add3A_166, %dma_start3A_171, %dma_start3A_172] : memref<2x16x640x2x32xi32, #tpu.memory_space<hbm>> -> memref<1x1x1x2x32xi32, #tpu.memory_space<hbm>>
      %dma_start3A_174 = tpu.memref_squeeze %dma_start3A_173 : memref<1x1x1x2x32xi32, #tpu.memory_space<hbm>> -> memref<2x32xi32, #tpu.memory_space<hbm>>
      tpu.enqueue_dma source(%dma_start3A_174 : memref<2x32xi32, #tpu.memory_space<hbm>>) target(%arg6 : memref<2x32xi32, #tpu.memory_space<vmem>>) target_semaphore(%arg14 : memref<!tpu.dma_semaphore, #tpu.memory_space<semaphore_mem>>)
      %dma_wait3A_175 = arith.constant 0 : i32
      %dma_wait3A_176 = arith.constant 0 : i32
      %dma_wait3A_177 = tpu.memref_slice %arg3[%arg0, %arg1, %add3A_157, %dma_wait3A_175, %dma_wait3A_176] : memref<2x16x640x2x32xi32, #tpu.memory_space<hbm>> -> memref<1x1x1x2x32xi32, #tpu.memory_space<hbm>>
      %dma_wait3A_178 = tpu.memref_squeeze %dma_wait3A_177 : memref<1x1x1x2x32xi32, #tpu.memory_space<hbm>> -> memref<2x32xi32, #tpu.memory_space<hbm>>
      %dma_wait3A_179 = arith.constant 0 : i32
      %dma_wait3A_180 = arith.constant 0 : i32
      %dma_wait3A_181 = tpu.memref_slice %arg3[%arg0, %arg1, %add3A_157, %dma_wait3A_179, %dma_wait3A_180] : memref<2x16x640x2x32xi32, #tpu.memory_space<hbm>> -> memref<1x1x1x2x32xi32, #tpu.memory_space<hbm>>
      %dma_wait3A_182 = tpu.memref_squeeze %dma_wait3A_181 : memref<1x1x1x2x32xi32, #tpu.memory_space<hbm>> -> memref<2x32xi32, #tpu.memory_space<hbm>>
      tpu.wait_dma2 semaphore(%arg16 : memref<!tpu.dma_semaphore, #tpu.memory_space<semaphore_mem>>) src(%dma_wait3A_182 : memref<2x32xi32, #tpu.memory_space<hbm>>) dst(%arg8 : memref<2x32xi32, #tpu.memory_space<vmem>>)
      %run_scoped3A_183 = arith.constant 0 : i32
      "tpu.region"() ({
        %run_scoped3A_296 = tpu.sem_alloc : memref<!tpu.dma_semaphore, #tpu.memory_space<semaphore_mem>>
        %dma_start3A_297 = arith.constant 0 : i32
        %dma_start3A_298 = tpu.memref_slice %arg8[%run_scoped3A_183, %dma_start3A_297] : memref<2x32xi32, #tpu.memory_space<vmem>> -> memref<1x32xi32, #tpu.memory_space<vmem>>
        %dma_start3A_299 = tpu.memref_squeeze %dma_start3A_298 : memref<1x32xi32, #tpu.memory_space<vmem>> -> memref<32xi32, #tpu.memory_space<vmem>>
        %dma_start3A_300 = arith.constant 0 : i32
        %dma_start3A_301 = arith.constant 0 : i32
        %dma_start3A_302 = tpu.memref_slice %arg12[%dma_start3A_300, %dma_start3A_301] : memref<10048x128xf32, #tpu.memory_space<vmem_shared>> -> memref<10048x128xf32, #tpu.memory_space<vmem_shared>>
        tpu.enqueue_indirect_dma source(%dma_start3A_302 : memref<10048x128xf32, #tpu.memory_space<vmem_shared>>) target(%arg10 : memref<32x128xf32, #tpu.memory_space<vmem>>) offsets(%dma_start3A_299 : memref<32xi32, #tpu.memory_space<vmem>>) semaphore(%run_scoped3A_296 : memref<!tpu.dma_semaphore, #tpu.memory_space<semaphore_mem>>)
        %dma_wait3A_303 = arith.constant 0 : i32
        %dma_wait3A_304 = tpu.memref_slice %arg8[%run_scoped3A_183, %dma_wait3A_303] : memref<2x32xi32, #tpu.memory_space<vmem>> -> memref<1x32xi32, #tpu.memory_space<vmem>>
        %dma_wait3A_305 = tpu.memref_squeeze %dma_wait3A_304 : memref<1x32xi32, #tpu.memory_space<vmem>> -> memref<32xi32, #tpu.memory_space<vmem>>
        %dma_wait3A_306 = arith.constant 0 : i32
        %dma_wait3A_307 = arith.constant 0 : i32
        %dma_wait3A_308 = tpu.memref_slice %arg12[%dma_wait3A_306, %dma_wait3A_307] : memref<10048x128xf32, #tpu.memory_space<vmem_shared>> -> memref<10048x128xf32, #tpu.memory_space<vmem_shared>>
        tpu.wait_indirect_dma semaphore(%run_scoped3A_296 : memref<!tpu.dma_semaphore, #tpu.memory_space<semaphore_mem>>) src(%dma_wait3A_308 : memref<10048x128xf32, #tpu.memory_space<vmem_shared>>) dst(%arg10 : memref<32x128xf32, #tpu.memory_space<vmem>>)
        tpu.yield
      }) : () -> ()
      %dma_start3A_184 = arith.constant 1 : i32
      %dma_start3A_185 = arith.constant 0 : i32
      %dma_start3A_186 = tpu.memref_slice %arg8[%dma_start3A_184, %dma_start3A_185] : memref<2x32xi32, #tpu.memory_space<vmem>> -> memref<1x32xi32, #tpu.memory_space<vmem>>
      %dma_start3A_187 = tpu.memref_squeeze %dma_start3A_186 : memref<1x32xi32, #tpu.memory_space<vmem>> -> memref<32xi32, #tpu.memory_space<vmem>>
      %dma_start3A_188 = arith.constant 0 : i32
      %dma_start3A_189 = arith.constant 0 : i32
      %dma_start3A_190 = tpu.memref_slice %arg13[%dma_start3A_188, %dma_start3A_189] : memref<5120x128xf32, #tpu.memory_space<vmem_shared>> -> memref<5120x128xf32, #tpu.memory_space<vmem_shared>>
      tpu.enqueue_indirect_dma source(%arg10 : memref<32x128xf32, #tpu.memory_space<vmem>>) target(%dma_start3A_190 : memref<5120x128xf32, #tpu.memory_space<vmem_shared>>) offsets(%dma_start3A_187 : memref<32xi32, #tpu.memory_space<vmem>>) semaphore(%arg18 : memref<!tpu.dma_semaphore, #tpu.memory_space<semaphore_mem>>) {add = true}
      %add3A_191 = arith.constant 1 : i32
      %add3A_192 = arith.addi %add3A_155, %add3A_191 : i32
      %dma_wait3A_193 = arith.constant 1 : i32
      %dma_wait3A_194 = arith.constant 0 : i32
      %dma_wait3A_195 = tpu.memref_slice %arg9[%dma_wait3A_193, %dma_wait3A_194] : memref<2x32xi32, #tpu.memory_space<vmem>> -> memref<1x32xi32, #tpu.memory_space<vmem>>
      %dma_wait3A_196 = tpu.memref_squeeze %dma_wait3A_195 : memref<1x32xi32, #tpu.memory_space<vmem>> -> memref<32xi32, #tpu.memory_space<vmem>>
      %dma_wait3A_197 = arith.constant 0 : i32
      %dma_wait3A_198 = arith.constant 0 : i32
      %dma_wait3A_199 = tpu.memref_slice %arg13[%dma_wait3A_197, %dma_wait3A_198] : memref<5120x128xf32, #tpu.memory_space<vmem_shared>> -> memref<5120x128xf32, #tpu.memory_space<vmem_shared>>
      tpu.wait_indirect_dma semaphore(%arg19 : memref<!tpu.dma_semaphore, #tpu.memory_space<semaphore_mem>>) src(%arg11 : memref<32x128xf32, #tpu.memory_space<vmem>>) dst(%dma_wait3A_199 : memref<5120x128xf32, #tpu.memory_space<vmem_shared>>)
      %add3A_200 = arith.constant 2 : i32
      %add3A_201 = arith.addi %add3A_192, %add3A_200 : i32
      %dma_start3A_202 = arith.constant 0 : i32
      %dma_start3A_203 = arith.constant 0 : i32
      %dma_start3A_204 = tpu.memref_slice %arg3[%arg0, %arg1, %add3A_201, %dma_start3A_202, %dma_start3A_203] : memref<2x16x640x2x32xi32, #tpu.memory_space<hbm>> -> memref<1x1x1x2x32xi32, #tpu.memory_space<hbm>>
      %dma_start3A_205 = tpu.memref_squeeze %dma_start3A_204 : memref<1x1x1x2x32xi32, #tpu.memory_space<hbm>> -> memref<2x32xi32, #tpu.memory_space<hbm>>
      %dma_start3A_206 = arith.constant 0 : i32
      %dma_start3A_207 = arith.constant 0 : i32
      %dma_start3A_208 = tpu.memref_slice %arg3[%arg0, %arg1, %add3A_201, %dma_start3A_206, %dma_start3A_207] : memref<2x16x640x2x32xi32, #tpu.memory_space<hbm>> -> memref<1x1x1x2x32xi32, #tpu.memory_space<hbm>>
      %dma_start3A_209 = tpu.memref_squeeze %dma_start3A_208 : memref<1x1x1x2x32xi32, #tpu.memory_space<hbm>> -> memref<2x32xi32, #tpu.memory_space<hbm>>
      tpu.enqueue_dma source(%dma_start3A_209 : memref<2x32xi32, #tpu.memory_space<hbm>>) target(%arg7 : memref<2x32xi32, #tpu.memory_space<vmem>>) target_semaphore(%arg15 : memref<!tpu.dma_semaphore, #tpu.memory_space<semaphore_mem>>)
      %dma_wait3A_210 = arith.constant 0 : i32
      %dma_wait3A_211 = arith.constant 0 : i32
      %dma_wait3A_212 = tpu.memref_slice %arg3[%arg0, %arg1, %add3A_192, %dma_wait3A_210, %dma_wait3A_211] : memref<2x16x640x2x32xi32, #tpu.memory_space<hbm>> -> memref<1x1x1x2x32xi32, #tpu.memory_space<hbm>>
      %dma_wait3A_213 = tpu.memref_squeeze %dma_wait3A_212 : memref<1x1x1x2x32xi32, #tpu.memory_space<hbm>> -> memref<2x32xi32, #tpu.memory_space<hbm>>
      %dma_wait3A_214 = arith.constant 0 : i32
      %dma_wait3A_215 = arith.constant 0 : i32
      %dma_wait3A_216 = tpu.memref_slice %arg3[%arg0, %arg1, %add3A_192, %dma_wait3A_214, %dma_wait3A_215] : memref<2x16x640x2x32xi32, #tpu.memory_space<hbm>> -> memref<1x1x1x2x32xi32, #tpu.memory_space<hbm>>
      %dma_wait3A_217 = tpu.memref_squeeze %dma_wait3A_216 : memref<1x1x1x2x32xi32, #tpu.memory_space<hbm>> -> memref<2x32xi32, #tpu.memory_space<hbm>>
      tpu.wait_dma2 semaphore(%arg17 : memref<!tpu.dma_semaphore, #tpu.memory_space<semaphore_mem>>) src(%dma_wait3A_217 : memref<2x32xi32, #tpu.memory_space<hbm>>) dst(%arg9 : memref<2x32xi32, #tpu.memory_space<vmem>>)
      %run_scoped3A_218 = arith.constant 0 : i32
      "tpu.region"() ({
        %run_scoped3A_296 = tpu.sem_alloc : memref<!tpu.dma_semaphore, #tpu.memory_space<semaphore_mem>>
        %dma_start3A_297 = arith.constant 0 : i32
        %dma_start3A_298 = tpu.memref_slice %arg9[%run_scoped3A_218, %dma_start3A_297] : memref<2x32xi32, #tpu.memory_space<vmem>> -> memref<1x32xi32, #tpu.memory_space<vmem>>
        %dma_start3A_299 = tpu.memref_squeeze %dma_start3A_298 : memref<1x32xi32, #tpu.memory_space<vmem>> -> memref<32xi32, #tpu.memory_space<vmem>>
        %dma_start3A_300 = arith.constant 0 : i32
        %dma_start3A_301 = arith.constant 0 : i32
        %dma_start3A_302 = tpu.memref_slice %arg12[%dma_start3A_300, %dma_start3A_301] : memref<10048x128xf32, #tpu.memory_space<vmem_shared>> -> memref<10048x128xf32, #tpu.memory_space<vmem_shared>>
        tpu.enqueue_indirect_dma source(%dma_start3A_302 : memref<10048x128xf32, #tpu.memory_space<vmem_shared>>) target(%arg11 : memref<32x128xf32, #tpu.memory_space<vmem>>) offsets(%dma_start3A_299 : memref<32xi32, #tpu.memory_space<vmem>>) semaphore(%run_scoped3A_296 : memref<!tpu.dma_semaphore, #tpu.memory_space<semaphore_mem>>)
        %dma_wait3A_303 = arith.constant 0 : i32
        %dma_wait3A_304 = tpu.memref_slice %arg9[%run_scoped3A_218, %dma_wait3A_303] : memref<2x32xi32, #tpu.memory_space<vmem>> -> memref<1x32xi32, #tpu.memory_space<vmem>>
        %dma_wait3A_305 = tpu.memref_squeeze %dma_wait3A_304 : memref<1x32xi32, #tpu.memory_space<vmem>> -> memref<32xi32, #tpu.memory_space<vmem>>
        %dma_wait3A_306 = arith.constant 0 : i32
        %dma_wait3A_307 = arith.constant 0 : i32
        %dma_wait3A_308 = tpu.memref_slice %arg12[%dma_wait3A_306, %dma_wait3A_307] : memref<10048x128xf32, #tpu.memory_space<vmem_shared>> -> memref<10048x128xf32, #tpu.memory_space<vmem_shared>>
        tpu.wait_indirect_dma semaphore(%run_scoped3A_296 : memref<!tpu.dma_semaphore, #tpu.memory_space<semaphore_mem>>) src(%dma_wait3A_308 : memref<10048x128xf32, #tpu.memory_space<vmem_shared>>) dst(%arg11 : memref<32x128xf32, #tpu.memory_space<vmem>>)
        tpu.yield
      }) : () -> ()
      %dma_start3A_219 = arith.constant 1 : i32
      %dma_start3A_220 = arith.constant 0 : i32
      %dma_start3A_221 = tpu.memref_slice %arg9[%dma_start3A_219, %dma_start3A_220] : memref<2x32xi32, #tpu.memory_space<vmem>> -> memref<1x32xi32, #tpu.memory_space<vmem>>
      %dma_start3A_222 = tpu.memref_squeeze %dma_start3A_221 : memref<1x32xi32, #tpu.memory_space<vmem>> -> memref<32xi32, #tpu.memory_space<vmem>>
      %dma_start3A_223 = arith.constant 0 : i32
      %dma_start3A_224 = arith.constant 0 : i32
      %dma_start3A_225 = tpu.memref_slice %arg13[%dma_start3A_223, %dma_start3A_224] : memref<5120x128xf32, #tpu.memory_space<vmem_shared>> -> memref<5120x128xf32, #tpu.memory_space<vmem_shared>>
      tpu.enqueue_indirect_dma source(%arg11 : memref<32x128xf32, #tpu.memory_space<vmem>>) target(%dma_start3A_225 : memref<5120x128xf32, #tpu.memory_space<vmem_shared>>) offsets(%dma_start3A_222 : memref<32xi32, #tpu.memory_space<vmem>>) semaphore(%arg19 : memref<!tpu.dma_semaphore, #tpu.memory_space<semaphore_mem>>) {add = true}
      %add3A_226 = arith.constant 2 : i32
      %add3A_227 = arith.addi %add3A_155, %add3A_226 : i32
      %dma_wait3A_228 = arith.constant 1 : i32
      %dma_wait3A_229 = arith.constant 0 : i32
      %dma_wait3A_230 = tpu.memref_slice %arg6[%dma_wait3A_228, %dma_wait3A_229] : memref<2x32xi32, #tpu.memory_space<vmem>> -> memref<1x32xi32, #tpu.memory_space<vmem>>
      %dma_wait3A_231 = tpu.memref_squeeze %dma_wait3A_230 : memref<1x32xi32, #tpu.memory_space<vmem>> -> memref<32xi32, #tpu.memory_space<vmem>>
      %dma_wait3A_232 = arith.constant 0 : i32
      %dma_wait3A_233 = arith.constant 0 : i32
      %dma_wait3A_234 = tpu.memref_slice %arg13[%dma_wait3A_232, %dma_wait3A_233] : memref<5120x128xf32, #tpu.memory_space<vmem_shared>> -> memref<5120x128xf32, #tpu.memory_space<vmem_shared>>
      tpu.wait_indirect_dma semaphore(%arg18 : memref<!tpu.dma_semaphore, #tpu.memory_space<semaphore_mem>>) src(%arg10 : memref<32x128xf32, #tpu.memory_space<vmem>>) dst(%dma_wait3A_234 : memref<5120x128xf32, #tpu.memory_space<vmem_shared>>)
      %add3A_235 = arith.constant 2 : i32
      %add3A_236 = arith.addi %add3A_227, %add3A_235 : i32
      %dma_start3A_237 = arith.constant 0 : i32
      %dma_start3A_238 = arith.constant 0 : i32
      %dma_start3A_239 = tpu.memref_slice %arg3[%arg0, %arg1, %add3A_236, %dma_start3A_237, %dma_start3A_238] : memref<2x16x640x2x32xi32, #tpu.memory_space<hbm>> -> memref<1x1x1x2x32xi32, #tpu.memory_space<hbm>>
      %dma_start3A_240 = tpu.memref_squeeze %dma_start3A_239 : memref<1x1x1x2x32xi32, #tpu.memory_space<hbm>> -> memref<2x32xi32, #tpu.memory_space<hbm>>
      %dma_start3A_241 = arith.constant 0 : i32
      %dma_start3A_242 = arith.constant 0 : i32
      %dma_start3A_243 = tpu.memref_slice %arg3[%arg0, %arg1, %add3A_236, %dma_start3A_241, %dma_start3A_242] : memref<2x16x640x2x32xi32, #tpu.memory_space<hbm>> -> memref<1x1x1x2x32xi32, #tpu.memory_space<hbm>>
      %dma_start3A_244 = tpu.memref_squeeze %dma_start3A_243 : memref<1x1x1x2x32xi32, #tpu.memory_space<hbm>> -> memref<2x32xi32, #tpu.memory_space<hbm>>
      tpu.enqueue_dma source(%dma_start3A_244 : memref<2x32xi32, #tpu.memory_space<hbm>>) target(%arg8 : memref<2x32xi32, #tpu.memory_space<vmem>>) target_semaphore(%arg16 : memref<!tpu.dma_semaphore, #tpu.memory_space<semaphore_mem>>)
      %dma_wait3A_245 = arith.constant 0 : i32
      %dma_wait3A_246 = arith.constant 0 : i32
      %dma_wait3A_247 = tpu.memref_slice %arg3[%arg0, %arg1, %add3A_227, %dma_wait3A_245, %dma_wait3A_246] : memref<2x16x640x2x32xi32, #tpu.memory_space<hbm>> -> memref<1x1x1x2x32xi32, #tpu.memory_space<hbm>>
      %dma_wait3A_248 = tpu.memref_squeeze %dma_wait3A_247 : memref<1x1x1x2x32xi32, #tpu.memory_space<hbm>> -> memref<2x32xi32, #tpu.memory_space<hbm>>
      %dma_wait3A_249 = arith.constant 0 : i32
      %dma_wait3A_250 = arith.constant 0 : i32
      %dma_wait3A_251 = tpu.memref_slice %arg3[%arg0, %arg1, %add3A_227, %dma_wait3A_249, %dma_wait3A_250] : memref<2x16x640x2x32xi32, #tpu.memory_space<hbm>> -> memref<1x1x1x2x32xi32, #tpu.memory_space<hbm>>
      %dma_wait3A_252 = tpu.memref_squeeze %dma_wait3A_251 : memref<1x1x1x2x32xi32, #tpu.memory_space<hbm>> -> memref<2x32xi32, #tpu.memory_space<hbm>>
      tpu.wait_dma2 semaphore(%arg14 : memref<!tpu.dma_semaphore, #tpu.memory_space<semaphore_mem>>) src(%dma_wait3A_252 : memref<2x32xi32, #tpu.memory_space<hbm>>) dst(%arg6 : memref<2x32xi32, #tpu.memory_space<vmem>>)
      %run_scoped3A_253 = arith.constant 0 : i32
      "tpu.region"() ({
        %run_scoped3A_296 = tpu.sem_alloc : memref<!tpu.dma_semaphore, #tpu.memory_space<semaphore_mem>>
        %dma_start3A_297 = arith.constant 0 : i32
        %dma_start3A_298 = tpu.memref_slice %arg6[%run_scoped3A_253, %dma_start3A_297] : memref<2x32xi32, #tpu.memory_space<vmem>> -> memref<1x32xi32, #tpu.memory_space<vmem>>
        %dma_start3A_299 = tpu.memref_squeeze %dma_start3A_298 : memref<1x32xi32, #tpu.memory_space<vmem>> -> memref<32xi32, #tpu.memory_space<vmem>>
        %dma_start3A_300 = arith.constant 0 : i32
        %dma_start3A_301 = arith.constant 0 : i32
        %dma_start3A_302 = tpu.memref_slice %arg12[%dma_start3A_300, %dma_start3A_301] : memref<10048x128xf32, #tpu.memory_space<vmem_shared>> -> memref<10048x128xf32, #tpu.memory_space<vmem_shared>>
        tpu.enqueue_indirect_dma source(%dma_start3A_302 : memref<10048x128xf32, #tpu.memory_space<vmem_shared>>) target(%arg10 : memref<32x128xf32, #tpu.memory_space<vmem>>) offsets(%dma_start3A_299 : memref<32xi32, #tpu.memory_space<vmem>>) semaphore(%run_scoped3A_296 : memref<!tpu.dma_semaphore, #tpu.memory_space<semaphore_mem>>)
        %dma_wait3A_303 = arith.constant 0 : i32
        %dma_wait3A_304 = tpu.memref_slice %arg6[%run_scoped3A_253, %dma_wait3A_303] : memref<2x32xi32, #tpu.memory_space<vmem>> -> memref<1x32xi32, #tpu.memory_space<vmem>>
        %dma_wait3A_305 = tpu.memref_squeeze %dma_wait3A_304 : memref<1x32xi32, #tpu.memory_space<vmem>> -> memref<32xi32, #tpu.memory_space<vmem>>
        %dma_wait3A_306 = arith.constant 0 : i32
        %dma_wait3A_307 = arith.constant 0 : i32
        %dma_wait3A_308 = tpu.memref_slice %arg12[%dma_wait3A_306, %dma_wait3A_307] : memref<10048x128xf32, #tpu.memory_space<vmem_shared>> -> memref<10048x128xf32, #tpu.memory_space<vmem_shared>>
        tpu.wait_indirect_dma semaphore(%run_scoped3A_296 : memref<!tpu.dma_semaphore, #tpu.memory_space<semaphore_mem>>) src(%dma_wait3A_308 : memref<10048x128xf32, #tpu.memory_space<vmem_shared>>) dst(%arg10 : memref<32x128xf32, #tpu.memory_space<vmem>>)
        tpu.yield
      }) : () -> ()
      %dma_start3A_254 = arith.constant 1 : i32
      %dma_start3A_255 = arith.constant 0 : i32
      %dma_start3A_256 = tpu.memref_slice %arg6[%dma_start3A_254, %dma_start3A_255] : memref<2x32xi32, #tpu.memory_space<vmem>> -> memref<1x32xi32, #tpu.memory_space<vmem>>
      %dma_start3A_257 = tpu.memref_squeeze %dma_start3A_256 : memref<1x32xi32, #tpu.memory_space<vmem>> -> memref<32xi32, #tpu.memory_space<vmem>>
      %dma_start3A_258 = arith.constant 0 : i32
      %dma_start3A_259 = arith.constant 0 : i32
      %dma_start3A_260 = tpu.memref_slice %arg13[%dma_start3A_258, %dma_start3A_259] : memref<5120x128xf32, #tpu.memory_space<vmem_shared>> -> memref<5120x128xf32, #tpu.memory_space<vmem_shared>>
      tpu.enqueue_indirect_dma source(%arg10 : memref<32x128xf32, #tpu.memory_space<vmem>>) target(%dma_start3A_260 : memref<5120x128xf32, #tpu.memory_space<vmem_shared>>) offsets(%dma_start3A_257 : memref<32xi32, #tpu.memory_space<vmem>>) semaphore(%arg18 : memref<!tpu.dma_semaphore, #tpu.memory_space<semaphore_mem>>) {add = true}
      %add3A_261 = arith.constant 3 : i32
      %add3A_262 = arith.addi %add3A_155, %add3A_261 : i32
      %dma_wait3A_263 = arith.constant 1 : i32
      %dma_wait3A_264 = arith.constant 0 : i32
      %dma_wait3A_265 = tpu.memref_slice %arg7[%dma_wait3A_263, %dma_wait3A_264] : memref<2x32xi32, #tpu.memory_space<vmem>> -> memref<1x32xi32, #tpu.memory_space<vmem>>
      %dma_wait3A_266 = tpu.memref_squeeze %dma_wait3A_265 : memref<1x32xi32, #tpu.memory_space<vmem>> -> memref<32xi32, #tpu.memory_space<vmem>>
      %dma_wait3A_267 = arith.constant 0 : i32
      %dma_wait3A_268 = arith.constant 0 : i32
      %dma_wait3A_269 = tpu.memref_slice %arg13[%dma_wait3A_267, %dma_wait3A_268] : memref<5120x128xf32, #tpu.memory_space<vmem_shared>> -> memref<5120x128xf32, #tpu.memory_space<vmem_shared>>
      tpu.wait_indirect_dma semaphore(%arg19 : memref<!tpu.dma_semaphore, #tpu.memory_space<semaphore_mem>>) src(%arg11 : memref<32x128xf32, #tpu.memory_space<vmem>>) dst(%dma_wait3A_269 : memref<5120x128xf32, #tpu.memory_space<vmem_shared>>)
      %add3A_270 = arith.constant 2 : i32
      %add3A_271 = arith.addi %add3A_262, %add3A_270 : i32
      %dma_start3A_272 = arith.constant 0 : i32
      %dma_start3A_273 = arith.constant 0 : i32
      %dma_start3A_274 = tpu.memref_slice %arg3[%arg0, %arg1, %add3A_271, %dma_start3A_272, %dma_start3A_273] : memref<2x16x640x2x32xi32, #tpu.memory_space<hbm>> -> memref<1x1x1x2x32xi32, #tpu.memory_space<hbm>>
      %dma_start3A_275 = tpu.memref_squeeze %dma_start3A_274 : memref<1x1x1x2x32xi32, #tpu.memory_space<hbm>> -> memref<2x32xi32, #tpu.memory_space<hbm>>
      %dma_start3A_276 = arith.constant 0 : i32
      %dma_start3A_277 = arith.constant 0 : i32
      %dma_start3A_278 = tpu.memref_slice %arg3[%arg0, %arg1, %add3A_271, %dma_start3A_276, %dma_start3A_277] : memref<2x16x640x2x32xi32, #tpu.memory_space<hbm>> -> memref<1x1x1x2x32xi32, #tpu.memory_space<hbm>>
      %dma_start3A_279 = tpu.memref_squeeze %dma_start3A_278 : memref<1x1x1x2x32xi32, #tpu.memory_space<hbm>> -> memref<2x32xi32, #tpu.memory_space<hbm>>
      tpu.enqueue_dma source(%dma_start3A_279 : memref<2x32xi32, #tpu.memory_space<hbm>>) target(%arg9 : memref<2x32xi32, #tpu.memory_space<vmem>>) target_semaphore(%arg17 : memref<!tpu.dma_semaphore, #tpu.memory_space<semaphore_mem>>)
      %dma_wait3A_280 = arith.constant 0 : i32
      %dma_wait3A_281 = arith.constant 0 : i32
      %dma_wait3A_282 = tpu.memref_slice %arg3[%arg0, %arg1, %add3A_262, %dma_wait3A_280, %dma_wait3A_281] : memref<2x16x640x2x32xi32, #tpu.memory_space<hbm>> -> memref<1x1x1x2x32xi32, #tpu.memory_space<hbm>>
      %dma_wait3A_283 = tpu.memref_squeeze %dma_wait3A_282 : memref<1x1x1x2x32xi32, #tpu.memory_space<hbm>> -> memref<2x32xi32, #tpu.memory_space<hbm>>
      %dma_wait3A_284 = arith.constant 0 : i32
      %dma_wait3A_285 = arith.constant 0 : i32
      %dma_wait3A_286 = tpu.memref_slice %arg3[%arg0, %arg1, %add3A_262, %dma_wait3A_284, %dma_wait3A_285] : memref<2x16x640x2x32xi32, #tpu.memory_space<hbm>> -> memref<1x1x1x2x32xi32, #tpu.memory_space<hbm>>
      %dma_wait3A_287 = tpu.memref_squeeze %dma_wait3A_286 : memref<1x1x1x2x32xi32, #tpu.memory_space<hbm>> -> memref<2x32xi32, #tpu.memory_space<hbm>>
      tpu.wait_dma2 semaphore(%arg15 : memref<!tpu.dma_semaphore, #tpu.memory_space<semaphore_mem>>) src(%dma_wait3A_287 : memref<2x32xi32, #tpu.memory_space<hbm>>) dst(%arg7 : memref<2x32xi32, #tpu.memory_space<vmem>>)
      %run_scoped3A_288 = arith.constant 0 : i32
      "tpu.region"() ({
        %run_scoped3A_296 = tpu.sem_alloc : memref<!tpu.dma_semaphore, #tpu.memory_space<semaphore_mem>>
        %dma_start3A_297 = arith.constant 0 : i32
        %dma_start3A_298 = tpu.memref_slice %arg7[%run_scoped3A_288, %dma_start3A_297] : memref<2x32xi32, #tpu.memory_space<vmem>> -> memref<1x32xi32, #tpu.memory_space<vmem>>
        %dma_start3A_299 = tpu.memref_squeeze %dma_start3A_298 : memref<1x32xi32, #tpu.memory_space<vmem>> -> memref<32xi32, #tpu.memory_space<vmem>>
        %dma_start3A_300 = arith.constant 0 : i32
        %dma_start3A_301 = arith.constant 0 : i32
        %dma_start3A_302 = tpu.memref_slice %arg12[%dma_start3A_300, %dma_start3A_301] : memref<10048x128xf32, #tpu.memory_space<vmem_shared>> -> memref<10048x128xf32, #tpu.memory_space<vmem_shared>>
        tpu.enqueue_indirect_dma source(%dma_start3A_302 : memref<10048x128xf32, #tpu.memory_space<vmem_shared>>) target(%arg11 : memref<32x128xf32, #tpu.memory_space<vmem>>) offsets(%dma_start3A_299 : memref<32xi32, #tpu.memory_space<vmem>>) semaphore(%run_scoped3A_296 : memref<!tpu.dma_semaphore, #tpu.memory_space<semaphore_mem>>)
        %dma_wait3A_303 = arith.constant 0 : i32
        %dma_wait3A_304 = tpu.memref_slice %arg7[%run_scoped3A_288, %dma_wait3A_303] : memref<2x32xi32, #tpu.memory_space<vmem>> -> memref<1x32xi32, #tpu.memory_space<vmem>>
        %dma_wait3A_305 = tpu.memref_squeeze %dma_wait3A_304 : memref<1x32xi32, #tpu.memory_space<vmem>> -> memref<32xi32, #tpu.memory_space<vmem>>
        %dma_wait3A_306 = arith.constant 0 : i32
        %dma_wait3A_307 = arith.constant 0 : i32
        %dma_wait3A_308 = tpu.memref_slice %arg12[%dma_wait3A_306, %dma_wait3A_307] : memref<10048x128xf32, #tpu.memory_space<vmem_shared>> -> memref<10048x128xf32, #tpu.memory_space<vmem_shared>>
        tpu.wait_indirect_dma semaphore(%run_scoped3A_296 : memref<!tpu.dma_semaphore, #tpu.memory_space<semaphore_mem>>) src(%dma_wait3A_308 : memref<10048x128xf32, #tpu.memory_space<vmem_shared>>) dst(%arg11 : memref<32x128xf32, #tpu.memory_space<vmem>>)
        tpu.yield
      }) : () -> ()
      %dma_start3A_289 = arith.constant 1 : i32
      %dma_start3A_290 = arith.constant 0 : i32
      %dma_start3A_291 = tpu.memref_slice %arg7[%dma_start3A_289, %dma_start3A_290] : memref<2x32xi32, #tpu.memory_space<vmem>> -> memref<1x32xi32, #tpu.memory_space<vmem>>
      %dma_start3A_292 = tpu.memref_squeeze %dma_start3A_291 : memref<1x32xi32, #tpu.memory_space<vmem>> -> memref<32xi32, #tpu.memory_space<vmem>>
      %dma_start3A_293 = arith.constant 0 : i32
      %dma_start3A_294 = arith.constant 0 : i32
      %dma_start3A_295 = tpu.memref_slice %arg13[%dma_start3A_293, %dma_start3A_294] : memref<5120x128xf32, #tpu.memory_space<vmem_shared>> -> memref<5120x128xf32, #tpu.memory_space<vmem_shared>>
      tpu.enqueue_indirect_dma source(%arg11 : memref<32x128xf32, #tpu.memory_space<vmem>>) target(%dma_start3A_295 : memref<5120x128xf32, #tpu.memory_space<vmem_shared>>) offsets(%dma_start3A_292 : memref<32xi32, #tpu.memory_space<vmem>>) semaphore(%arg19 : memref<!tpu.dma_semaphore, #tpu.memory_space<semaphore_mem>>) {add = true}
    }
    %scan3A_83 = arith.constant 159 : i32
    %dma_wait3A_84 = arith.constant 1 : i32
    %dma_wait3A_85 = arith.constant 0 : i32
    %dma_wait3A_86 = tpu.memref_slice %arg8[%dma_wait3A_84, %dma_wait3A_85] : memref<2x32xi32, #tpu.memory_space<vmem>> -> memref<1x32xi32, #tpu.memory_space<vmem>>
    %dma_wait3A_87 = tpu.memref_squeeze %dma_wait3A_86 : memref<1x32xi32, #tpu.memory_space<vmem>> -> memref<32xi32, #tpu.memory_space<vmem>>
    %dma_wait3A_88 = arith.constant 0 : i32
    %dma_wait3A_89 = arith.constant 0 : i32
    %dma_wait3A_90 = tpu.memref_slice %arg13[%dma_wait3A_88, %dma_wait3A_89] : memref<5120x128xf32, #tpu.memory_space<vmem_shared>> -> memref<5120x128xf32, #tpu.memory_space<vmem_shared>>
    tpu.wait_indirect_dma semaphore(%arg18 : memref<!tpu.dma_semaphore, #tpu.memory_space<semaphore_mem>>) src(%arg10 : memref<32x128xf32, #tpu.memory_space<vmem>>) dst(%dma_wait3A_90 : memref<5120x128xf32, #tpu.memory_space<vmem_shared>>)
    %dma_wait3A_91 = arith.constant 638 : i32
    %dma_wait3A_92 = arith.constant 0 : i32
    %dma_wait3A_93 = arith.constant 0 : i32
    %dma_wait3A_94 = tpu.memref_slice %arg3[%arg0, %arg1, %dma_wait3A_91, %dma_wait3A_92, %dma_wait3A_93] : memref<2x16x640x2x32xi32, #tpu.memory_space<hbm>> -> memref<1x1x1x2x32xi32, #tpu.memory_space<hbm>>
    %dma_wait3A_95 = tpu.memref_squeeze %dma_wait3A_94 : memref<1x1x1x2x32xi32, #tpu.memory_space<hbm>> -> memref<2x32xi32, #tpu.memory_space<hbm>>
    %dma_wait3A_96 = arith.constant 0 : i32
    %dma_wait3A_97 = arith.constant 0 : i32
    %dma_wait3A_98 = tpu.memref_slice %arg3[%arg0, %arg1, %dma_wait3A_91, %dma_wait3A_96, %dma_wait3A_97] : memref<2x16x640x2x32xi32, #tpu.memory_space<hbm>> -> memref<1x1x1x2x32xi32, #tpu.memory_space<hbm>>
    %dma_wait3A_99 = tpu.memref_squeeze %dma_wait3A_98 : memref<1x1x1x2x32xi32, #tpu.memory_space<hbm>> -> memref<2x32xi32, #tpu.memory_space<hbm>>
    tpu.wait_dma2 semaphore(%arg16 : memref<!tpu.dma_semaphore, #tpu.memory_space<semaphore_mem>>) src(%dma_wait3A_99 : memref<2x32xi32, #tpu.memory_space<hbm>>) dst(%arg8 : memref<2x32xi32, #tpu.memory_space<vmem>>)
    %run_scoped3A_100 = arith.constant 0 : i32
    "tpu.region"() ({
      %run_scoped3A_153 = tpu.sem_alloc : memref<!tpu.dma_semaphore, #tpu.memory_space<semaphore_mem>>
      %dma_start3A_154 = arith.constant 0 : i32
      %dma_start3A_155 = tpu.memref_slice %arg8[%run_scoped3A_100, %dma_start3A_154] : memref<2x32xi32, #tpu.memory_space<vmem>> -> memref<1x32xi32, #tpu.memory_space<vmem>>
      %dma_start3A_156 = tpu.memref_squeeze %dma_start3A_155 : memref<1x32xi32, #tpu.memory_space<vmem>> -> memref<32xi32, #tpu.memory_space<vmem>>
      %dma_start3A_157 = arith.constant 0 : i32
      %dma_start3A_158 = arith.constant 0 : i32
      %dma_start3A_159 = tpu.memref_slice %arg12[%dma_start3A_157, %dma_start3A_158] : memref<10048x128xf32, #tpu.memory_space<vmem_shared>> -> memref<10048x128xf32, #tpu.memory_space<vmem_shared>>
      tpu.enqueue_indirect_dma source(%dma_start3A_159 : memref<10048x128xf32, #tpu.memory_space<vmem_shared>>) target(%arg10 : memref<32x128xf32, #tpu.memory_space<vmem>>) offsets(%dma_start3A_156 : memref<32xi32, #tpu.memory_space<vmem>>) semaphore(%run_scoped3A_153 : memref<!tpu.dma_semaphore, #tpu.memory_space<semaphore_mem>>)
      %dma_wait3A_160 = arith.constant 0 : i32
      %dma_wait3A_161 = tpu.memref_slice %arg8[%run_scoped3A_100, %dma_wait3A_160] : memref<2x32xi32, #tpu.memory_space<vmem>> -> memref<1x32xi32, #tpu.memory_space<vmem>>
      %dma_wait3A_162 = tpu.memref_squeeze %dma_wait3A_161 : memref<1x32xi32, #tpu.memory_space<vmem>> -> memref<32xi32, #tpu.memory_space<vmem>>
      %dma_wait3A_163 = arith.constant 0 : i32
      %dma_wait3A_164 = arith.constant 0 : i32
      %dma_wait3A_165 = tpu.memref_slice %arg12[%dma_wait3A_163, %dma_wait3A_164] : memref<10048x128xf32, #tpu.memory_space<vmem_shared>> -> memref<10048x128xf32, #tpu.memory_space<vmem_shared>>
      tpu.wait_indirect_dma semaphore(%run_scoped3A_153 : memref<!tpu.dma_semaphore, #tpu.memory_space<semaphore_mem>>) src(%dma_wait3A_165 : memref<10048x128xf32, #tpu.memory_space<vmem_shared>>) dst(%arg10 : memref<32x128xf32, #tpu.memory_space<vmem>>)
      tpu.yield
    }) : () -> ()
    %dma_start3A_101 = arith.constant 1 : i32
    %dma_start3A_102 = arith.constant 0 : i32
    %dma_start3A_103 = tpu.memref_slice %arg8[%dma_start3A_101, %dma_start3A_102] : memref<2x32xi32, #tpu.memory_space<vmem>> -> memref<1x32xi32, #tpu.memory_space<vmem>>
    %dma_start3A_104 = tpu.memref_squeeze %dma_start3A_103 : memref<1x32xi32, #tpu.memory_space<vmem>> -> memref<32xi32, #tpu.memory_space<vmem>>
    %dma_start3A_105 = arith.constant 0 : i32
    %dma_start3A_106 = arith.constant 0 : i32
    %dma_start3A_107 = tpu.memref_slice %arg13[%dma_start3A_105, %dma_start3A_106] : memref<5120x128xf32, #tpu.memory_space<vmem_shared>> -> memref<5120x128xf32, #tpu.memory_space<vmem_shared>>
    tpu.enqueue_indirect_dma source(%arg10 : memref<32x128xf32, #tpu.memory_space<vmem>>) target(%dma_start3A_107 : memref<5120x128xf32, #tpu.memory_space<vmem_shared>>) offsets(%dma_start3A_104 : memref<32xi32, #tpu.memory_space<vmem>>) semaphore(%arg18 : memref<!tpu.dma_semaphore, #tpu.memory_space<semaphore_mem>>) {add = true}
    %dma_wait3A_108 = arith.constant 1 : i32
    %dma_wait3A_109 = arith.constant 0 : i32
    %dma_wait3A_110 = tpu.memref_slice %arg9[%dma_wait3A_108, %dma_wait3A_109] : memref<2x32xi32, #tpu.memory_space<vmem>> -> memref<1x32xi32, #tpu.memory_space<vmem>>
    %dma_wait3A_111 = tpu.memref_squeeze %dma_wait3A_110 : memref<1x32xi32, #tpu.memory_space<vmem>> -> memref<32xi32, #tpu.memory_space<vmem>>
    %dma_wait3A_112 = arith.constant 0 : i32
    %dma_wait3A_113 = arith.constant 0 : i32
    %dma_wait3A_114 = tpu.memref_slice %arg13[%dma_wait3A_112, %dma_wait3A_113] : memref<5120x128xf32, #tpu.memory_space<vmem_shared>> -> memref<5120x128xf32, #tpu.memory_space<vmem_shared>>
    tpu.wait_indirect_dma semaphore(%arg19 : memref<!tpu.dma_semaphore, #tpu.memory_space<semaphore_mem>>) src(%arg11 : memref<32x128xf32, #tpu.memory_space<vmem>>) dst(%dma_wait3A_114 : memref<5120x128xf32, #tpu.memory_space<vmem_shared>>)
    %dma_wait3A_115 = arith.constant 639 : i32
    %dma_wait3A_116 = arith.constant 0 : i32
    %dma_wait3A_117 = arith.constant 0 : i32
    %dma_wait3A_118 = tpu.memref_slice %arg3[%arg0, %arg1, %dma_wait3A_115, %dma_wait3A_116, %dma_wait3A_117] : memref<2x16x640x2x32xi32, #tpu.memory_space<hbm>> -> memref<1x1x1x2x32xi32, #tpu.memory_space<hbm>>
    %dma_wait3A_119 = tpu.memref_squeeze %dma_wait3A_118 : memref<1x1x1x2x32xi32, #tpu.memory_space<hbm>> -> memref<2x32xi32, #tpu.memory_space<hbm>>
    %dma_wait3A_120 = arith.constant 0 : i32
    %dma_wait3A_121 = arith.constant 0 : i32
    %dma_wait3A_122 = tpu.memref_slice %arg3[%arg0, %arg1, %dma_wait3A_115, %dma_wait3A_120, %dma_wait3A_121] : memref<2x16x640x2x32xi32, #tpu.memory_space<hbm>> -> memref<1x1x1x2x32xi32, #tpu.memory_space<hbm>>
    %dma_wait3A_123 = tpu.memref_squeeze %dma_wait3A_122 : memref<1x1x1x2x32xi32, #tpu.memory_space<hbm>> -> memref<2x32xi32, #tpu.memory_space<hbm>>
    tpu.wait_dma2 semaphore(%arg17 : memref<!tpu.dma_semaphore, #tpu.memory_space<semaphore_mem>>) src(%dma_wait3A_123 : memref<2x32xi32, #tpu.memory_space<hbm>>) dst(%arg9 : memref<2x32xi32, #tpu.memory_space<vmem>>)
    %run_scoped3A_124 = arith.constant 0 : i32
    "tpu.region"() ({
      %run_scoped3A_153 = tpu.sem_alloc : memref<!tpu.dma_semaphore, #tpu.memory_space<semaphore_mem>>
      %dma_start3A_154 = arith.constant 0 : i32
      %dma_start3A_155 = tpu.memref_slice %arg9[%run_scoped3A_124, %dma_start3A_154] : memref<2x32xi32, #tpu.memory_space<vmem>> -> memref<1x32xi32, #tpu.memory_space<vmem>>
      %dma_start3A_156 = tpu.memref_squeeze %dma_start3A_155 : memref<1x32xi32, #tpu.memory_space<vmem>> -> memref<32xi32, #tpu.memory_space<vmem>>
      %dma_start3A_157 = arith.constant 0 : i32
      %dma_start3A_158 = arith.constant 0 : i32
      %dma_start3A_159 = tpu.memref_slice %arg12[%dma_start3A_157, %dma_start3A_158] : memref<10048x128xf32, #tpu.memory_space<vmem_shared>> -> memref<10048x128xf32, #tpu.memory_space<vmem_shared>>
      tpu.enqueue_indirect_dma source(%dma_start3A_159 : memref<10048x128xf32, #tpu.memory_space<vmem_shared>>) target(%arg11 : memref<32x128xf32, #tpu.memory_space<vmem>>) offsets(%dma_start3A_156 : memref<32xi32, #tpu.memory_space<vmem>>) semaphore(%run_scoped3A_153 : memref<!tpu.dma_semaphore, #tpu.memory_space<semaphore_mem>>)
      %dma_wait3A_160 = arith.constant 0 : i32
      %dma_wait3A_161 = tpu.memref_slice %arg9[%run_scoped3A_124, %dma_wait3A_160] : memref<2x32xi32, #tpu.memory_space<vmem>> -> memref<1x32xi32, #tpu.memory_space<vmem>>
      %dma_wait3A_162 = tpu.memref_squeeze %dma_wait3A_161 : memref<1x32xi32, #tpu.memory_space<vmem>> -> memref<32xi32, #tpu.memory_space<vmem>>
      %dma_wait3A_163 = arith.constant 0 : i32
      %dma_wait3A_164 = arith.constant 0 : i32
      %dma_wait3A_165 = tpu.memref_slice %arg12[%dma_wait3A_163, %dma_wait3A_164] : memref<10048x128xf32, #tpu.memory_space<vmem_shared>> -> memref<10048x128xf32, #tpu.memory_space<vmem_shared>>
      tpu.wait_indirect_dma semaphore(%run_scoped3A_153 : memref<!tpu.dma_semaphore, #tpu.memory_space<semaphore_mem>>) src(%dma_wait3A_165 : memref<10048x128xf32, #tpu.memory_space<vmem_shared>>) dst(%arg11 : memref<32x128xf32, #tpu.memory_space<vmem>>)
      tpu.yield
    }) : () -> ()
    %dma_start3A_125 = arith.constant 1 : i32
    %dma_start3A_126 = arith.constant 0 : i32
    %dma_start3A_127 = tpu.memref_slice %arg9[%dma_start3A_125, %dma_start3A_126] : memref<2x32xi32, #tpu.memory_space<vmem>> -> memref<1x32xi32, #tpu.memory_space<vmem>>
    %dma_start3A_128 = tpu.memref_squeeze %dma_start3A_127 : memref<1x32xi32, #tpu.memory_space<vmem>> -> memref<32xi32, #tpu.memory_space<vmem>>
    %dma_start3A_129 = arith.constant 0 : i32
    %dma_start3A_130 = arith.constant 0 : i32
    %dma_start3A_131 = tpu.memref_slice %arg13[%dma_start3A_129, %dma_start3A_130] : memref<5120x128xf32, #tpu.memory_space<vmem_shared>> -> memref<5120x128xf32, #tpu.memory_space<vmem_shared>>
    tpu.enqueue_indirect_dma source(%arg11 : memref<32x128xf32, #tpu.memory_space<vmem>>) target(%dma_start3A_131 : memref<5120x128xf32, #tpu.memory_space<vmem_shared>>) offsets(%dma_start3A_128 : memref<32xi32, #tpu.memory_space<vmem>>) semaphore(%arg19 : memref<!tpu.dma_semaphore, #tpu.memory_space<semaphore_mem>>) {add = true}
    %dma_wait3A_132 = arith.constant 1 : i32
    %dma_wait3A_133 = arith.constant 0 : i32
    %dma_wait3A_134 = tpu.memref_slice %arg8[%dma_wait3A_132, %dma_wait3A_133] : memref<2x32xi32, #tpu.memory_space<vmem>> -> memref<1x32xi32, #tpu.memory_space<vmem>>
    %dma_wait3A_135 = tpu.memref_squeeze %dma_wait3A_134 : memref<1x32xi32, #tpu.memory_space<vmem>> -> memref<32xi32, #tpu.memory_space<vmem>>
    %dma_wait3A_136 = arith.constant 0 : i32
    %dma_wait3A_137 = arith.constant 0 : i32
    %dma_wait3A_138 = tpu.memref_slice %arg13[%dma_wait3A_136, %dma_wait3A_137] : memref<5120x128xf32, #tpu.memory_space<vmem_shared>> -> memref<5120x128xf32, #tpu.memory_space<vmem_shared>>
    tpu.wait_indirect_dma semaphore(%arg18 : memref<!tpu.dma_semaphore, #tpu.memory_space<semaphore_mem>>) src(%arg10 : memref<32x128xf32, #tpu.memory_space<vmem>>) dst(%dma_wait3A_138 : memref<5120x128xf32, #tpu.memory_space<vmem_shared>>)
    %dma_wait3A_139 = arith.constant 1 : i32
    %dma_wait3A_140 = arith.constant 0 : i32
    %dma_wait3A_141 = tpu.memref_slice %arg9[%dma_wait3A_139, %dma_wait3A_140] : memref<2x32xi32, #tpu.memory_space<vmem>> -> memref<1x32xi32, #tpu.memory_space<vmem>>
    %dma_wait3A_142 = tpu.memref_squeeze %dma_wait3A_141 : memref<1x32xi32, #tpu.memory_space<vmem>> -> memref<32xi32, #tpu.memory_space<vmem>>
    %dma_wait3A_143 = arith.constant 0 : i32
    %dma_wait3A_144 = arith.constant 0 : i32
    %dma_wait3A_145 = tpu.memref_slice %arg13[%dma_wait3A_143, %dma_wait3A_144] : memref<5120x128xf32, #tpu.memory_space<vmem_shared>> -> memref<5120x128xf32, #tpu.memory_space<vmem_shared>>
    tpu.wait_indirect_dma semaphore(%arg19 : memref<!tpu.dma_semaphore, #tpu.memory_space<semaphore_mem>>) src(%arg11 : memref<32x128xf32, #tpu.memory_space<vmem>>) dst(%dma_wait3A_145 : memref<5120x128xf32, #tpu.memory_space<vmem_shared>>)
    %barrier3A_146 = arith.constant 0 : index
    tpu.barrier barrier_id(%barrier3A_146)
    %scan3A_147 = arith.constant 0 : i32
    %scan3A_148 = arith.constant 0 : i32
    %scan3A_149 = arith.constant 5 : i32
    %scan3A_150 = arith.addi %scan3A_148, %scan3A_149 : i32
    %scan3A_151 = arith.constant 1 : i32
    scf.for %scan3A_153 = %scan3A_148 to %scan3A_150 step %scan3A_151  : i32 {
      %mul3A = arith.constant 320 : i32
      %mul3A_154 = arith.muli %arg1, %mul3A : i32
      %mul3A_155 = arith.constant 64 : i32
      %mul3A_156 = arith.muli %scan3A_153, %mul3A_155 : i32
      %add3A = arith.addi %mul3A_154, %mul3A_156 : i32
      "tpu.region"() ({
        %run_scoped3A_157 = tpu.sem_alloc : memref<!tpu.dma_semaphore, #tpu.memory_space<semaphore_mem>>
        %dma_start3A_158 = arith.constant 0 : i32
        %dma_start3A_159 = tpu.memref_slice %arg5[%arg0, %add3A, %dma_start3A_158] : memref<2x5120x128xf32, #tpu.memory_space<hbm>> -> memref<1x64x128xf32, #tpu.memory_space<hbm>>
        %dma_start3A_160 = tpu.memref_squeeze %dma_start3A_159 : memref<1x64x128xf32, #tpu.memory_space<hbm>> -> memref<64x128xf32, #tpu.memory_space<hbm>>
        %dma_start3A_161 = arith.constant 0 : i32
        %dma_start3A_162 = tpu.memref_slice %arg13[%add3A, %dma_start3A_161] : memref<5120x128xf32, #tpu.memory_space<vmem_shared>> -> memref<64x128xf32, #tpu.memory_space<vmem_shared>>
        tpu.enqueue_dma source(%dma_start3A_162 : memref<64x128xf32, #tpu.memory_space<vmem_shared>>) target(%dma_start3A_160 : memref<64x128xf32, #tpu.memory_space<hbm>>) target_semaphore(%run_scoped3A_157 : memref<!tpu.dma_semaphore, #tpu.memory_space<semaphore_mem>>)
        %dma_wait3A_163 = arith.constant 0 : i32
        %dma_wait3A_164 = tpu.memref_slice %arg5[%arg0, %add3A, %dma_wait3A_163] : memref<2x5120x128xf32, #tpu.memory_space<hbm>> -> memref<1x64x128xf32, #tpu.memory_space<hbm>>
        %dma_wait3A_165 = tpu.memref_squeeze %dma_wait3A_164 : memref<1x64x128xf32, #tpu.memory_space<hbm>> -> memref<64x128xf32, #tpu.memory_space<hbm>>
        %dma_wait3A_166 = arith.constant 0 : i32
        %dma_wait3A_167 = tpu.memref_slice %arg13[%add3A, %dma_wait3A_166] : memref<5120x128xf32, #tpu.memory_space<vmem_shared>> -> memref<64x128xf32, #tpu.memory_space<vmem_shared>>
        tpu.wait_dma2 semaphore(%run_scoped3A_157 : memref<!tpu.dma_semaphore, #tpu.memory_space<semaphore_mem>>) src(%dma_wait3A_167 : memref<64x128xf32, #tpu.memory_space<vmem_shared>>) dst(%dma_wait3A_165 : memref<64x128xf32, #tpu.memory_space<hbm>>)
        tpu.yield
      }) : () -> ()
    }
    %scan3A_152 = arith.constant 5 : i32
    return
  }
}

#map = affine_map<(d0, d1) -> (0, 0)>
#map1 = affine_map<(d0, d1) -> (0, 0, 0, 0, 0)>
#map2 = affine_map<(d0, d1) -> (0, 0, 0)>
module attributes {stable_mosaic.version = 14 : i64} {
  func.func @_agg_body(%arg0: i32, %arg1: i32, %arg2: memref<10240x128xf32, #tpu.memory_space<hbm>>, %arg3: memref<2x16x640x2x32xi32, #tpu.memory_space<hbm>>, %arg4: memref<10240x128xf32, #tpu.memory_space<hbm>>, %arg5: memref<2x5120x128xf32, #tpu.memory_space<hbm>>, %arg6: memref<2x32xi32, #tpu.memory_space<vmem>>, %arg7: memref<2x32xi32, #tpu.memory_space<vmem>>, %arg8: memref<2x32xi32, #tpu.memory_space<vmem>>, %arg9: memref<2x32xi32, #tpu.memory_space<vmem>>, %arg10: memref<32x128xf32, #tpu.memory_space<vmem>>, %arg11: memref<32x128xf32, #tpu.memory_space<vmem>>, %arg12: memref<10048x128xf32, #tpu.memory_space<vmem_shared>>, %arg13: memref<5120x128xf32, #tpu.memory_space<vmem_shared>>, %arg14: memref<!tpu.dma_semaphore, #tpu.memory_space<semaphore_mem>>, %arg15: memref<!tpu.dma_semaphore, #tpu.memory_space<semaphore_mem>>, %arg16: memref<!tpu.dma_semaphore, #tpu.memory_space<semaphore_mem>>, %arg17: memref<!tpu.dma_semaphore, #tpu.memory_space<semaphore_mem>>, %arg18: memref<!tpu.dma_semaphore, #tpu.memory_space<semaphore_mem>>, %arg19: memref<!tpu.dma_semaphore, #tpu.memory_space<semaphore_mem>>) attributes {dimension_semantics = [#tpu.dimension_semantics<core_parallel>, #tpu.dimension_semantics<subcore_parallel>], iteration_bounds = array<i64: 2, 16>, scalar_prefetch = 0 : i64, scratch_operands = 14 : i64, tpu.core_type = #tpu.core_type<sc_vector_subcore>, window_params = [{transform_indices = #map}, {transform_indices = #map1}, {transform_indices = #map}, {transform_indices = #map2}]} {
    %scan3A = arith.constant 0 : i32
    %scan3A_0 = arith.constant 0 : i32
    %scan3A_1 = arith.constant 10 : i32
    %scan3A_2 = arith.addi %scan3A_0, %scan3A_1 : i32
    %scan3A_3 = arith.constant 1 : i32
    scf.for %scan3A_153 = %scan3A_0 to %scan3A_2 step %scan3A_3  : i32 {
      %mul3A = arith.constant 16 : i32
      %mul3A_154 = arith.muli %scan3A_153, %mul3A : i32
      %add3A = arith.addi %mul3A_154, %arg1 : i32
      %lt3A = arith.constant 157 : i32
      %lt3A_155 = arith.cmpi slt, %add3A, %lt3A : i32
      %convert_element_type3A = arith.extui %lt3A_155 : i1 to i32
      %cond3A = arith.constant 0 : i32
      %cond3A_156 = arith.cmpi ne, %convert_element_type3A, %cond3A : i32
      scf.if %cond3A_156 {
        %mul3A_157 = arith.constant 64 : i32
        %mul3A_158 = arith.muli %add3A, %mul3A_157 : i32
        %multiple_of3A = tpu.assume_multiple %mul3A_158, 64 : i32
        "tpu.region"() ({
          %run_scoped3A_159 = tpu.sem_alloc : memref<!tpu.dma_semaphore, #tpu.memory_space<semaphore_mem>>
          %dma_start3A_160 = arith.constant 0 : i32
          %dma_start3A_161 = tpu.memref_slice %arg12[%multiple_of3A, %dma_start3A_160] : memref<10048x128xf32, #tpu.memory_space<vmem_shared>> -> memref<64x128xf32, #tpu.memory_space<vmem_shared>>
          %dma_start3A_162 = arith.constant 0 : i32
          %dma_start3A_163 = tpu.memref_slice %arg2[%multiple_of3A, %dma_start3A_162] : memref<10240x128xf32, #tpu.memory_space<hbm>> -> memref<64x128xf32, #tpu.memory_space<hbm>>
          tpu.enqueue_dma source(%dma_start3A_163 : memref<64x128xf32, #tpu.memory_space<hbm>>) target(%dma_start3A_161 : memref<64x128xf32, #tpu.memory_space<vmem_shared>>) target_semaphore(%run_scoped3A_159 : memref<!tpu.dma_semaphore, #tpu.memory_space<semaphore_mem>>)
          %dma_wait3A_164 = arith.constant 0 : i32
          %dma_wait3A_165 = tpu.memref_slice %arg12[%multiple_of3A, %dma_wait3A_164] : memref<10048x128xf32, #tpu.memory_space<vmem_shared>> -> memref<64x128xf32, #tpu.memory_space<vmem_shared>>
          %dma_wait3A_166 = arith.constant 0 : i32
          %dma_wait3A_167 = tpu.memref_slice %arg2[%multiple_of3A, %dma_wait3A_166] : memref<10240x128xf32, #tpu.memory_space<hbm>> -> memref<64x128xf32, #tpu.memory_space<hbm>>
          tpu.wait_dma2 semaphore(%run_scoped3A_159 : memref<!tpu.dma_semaphore, #tpu.memory_space<semaphore_mem>>) src(%dma_wait3A_167 : memref<64x128xf32, #tpu.memory_space<hbm>>) dst(%dma_wait3A_165 : memref<64x128xf32, #tpu.memory_space<vmem_shared>>)
          tpu.yield
        }) : () -> ()
      } else {
      }
    }
    %scan3A_4 = arith.constant 10 : i32
    %scan3A_5 = arith.constant 0 : i32
    %scan3A_6 = arith.constant 0 : i32
    %scan3A_7 = arith.constant 5 : i32
    %scan3A_8 = arith.addi %scan3A_6, %scan3A_7 : i32
    %scan3A_9 = arith.constant 1 : i32
    scf.for %scan3A_153 = %scan3A_6 to %scan3A_8 step %scan3A_9  : i32 {
      %mul3A = arith.constant 320 : i32
      %mul3A_154 = arith.muli %arg1, %mul3A : i32
      %mul3A_155 = arith.constant 64 : i32
      %mul3A_156 = arith.muli %scan3A_153, %mul3A_155 : i32
      %add3A = arith.addi %mul3A_154, %mul3A_156 : i32
      "tpu.region"() ({
        %run_scoped3A_157 = tpu.sem_alloc : memref<!tpu.dma_semaphore, #tpu.memory_space<semaphore_mem>>
        %dma_start3A_158 = arith.constant 0 : i32
        %dma_start3A_159 = tpu.memref_slice %arg13[%add3A, %dma_start3A_158] : memref<5120x128xf32, #tpu.memory_space<vmem_shared>> -> memref<64x128xf32, #tpu.memory_space<vmem_shared>>
        %dma_start3A_160 = arith.constant 0 : i32
        %dma_start3A_161 = tpu.memref_slice %arg4[%add3A, %dma_start3A_160] : memref<10240x128xf32, #tpu.memory_space<hbm>> -> memref<64x128xf32, #tpu.memory_space<hbm>>
        tpu.enqueue_dma source(%dma_start3A_161 : memref<64x128xf32, #tpu.memory_space<hbm>>) target(%dma_start3A_159 : memref<64x128xf32, #tpu.memory_space<vmem_shared>>) target_semaphore(%run_scoped3A_157 : memref<!tpu.dma_semaphore, #tpu.memory_space<semaphore_mem>>)
        %dma_wait3A_162 = arith.constant 0 : i32
        %dma_wait3A_163 = tpu.memref_slice %arg13[%add3A, %dma_wait3A_162] : memref<5120x128xf32, #tpu.memory_space<vmem_shared>> -> memref<64x128xf32, #tpu.memory_space<vmem_shared>>
        %dma_wait3A_164 = arith.constant 0 : i32
        %dma_wait3A_165 = tpu.memref_slice %arg4[%add3A, %dma_wait3A_164] : memref<10240x128xf32, #tpu.memory_space<hbm>> -> memref<64x128xf32, #tpu.memory_space<hbm>>
        tpu.wait_dma2 semaphore(%run_scoped3A_157 : memref<!tpu.dma_semaphore, #tpu.memory_space<semaphore_mem>>) src(%dma_wait3A_165 : memref<64x128xf32, #tpu.memory_space<hbm>>) dst(%dma_wait3A_163 : memref<64x128xf32, #tpu.memory_space<vmem_shared>>)
        tpu.yield
      }) : () -> ()
    }
    %scan3A_10 = arith.constant 5 : i32
    %barrier3A = arith.constant 0 : index
    tpu.barrier barrier_id(%barrier3A)
    %dma_start3A = arith.constant 0 : i32
    %dma_start3A_11 = arith.constant 0 : i32
    %dma_start3A_12 = arith.constant 0 : i32
    %dma_start3A_13 = tpu.memref_slice %arg3[%arg0, %arg1, %dma_start3A, %dma_start3A_11, %dma_start3A_12] : memref<2x16x640x2x32xi32, #tpu.memory_space<hbm>> -> memref<1x1x1x2x32xi32, #tpu.memory_space<hbm>>
    %dma_start3A_14 = tpu.memref_squeeze %dma_start3A_13 : memref<1x1x1x2x32xi32, #tpu.memory_space<hbm>> -> memref<2x32xi32, #tpu.memory_space<hbm>>
    %dma_start3A_15 = arith.constant 0 : i32
    %dma_start3A_16 = arith.constant 0 : i32
    %dma_start3A_17 = tpu.memref_slice %arg3[%arg0, %arg1, %dma_start3A, %dma_start3A_15, %dma_start3A_16] : memref<2x16x640x2x32xi32, #tpu.memory_space<hbm>> -> memref<1x1x1x2x32xi32, #tpu.memory_space<hbm>>
    %dma_start3A_18 = tpu.memref_squeeze %dma_start3A_17 : memref<1x1x1x2x32xi32, #tpu.memory_space<hbm>> -> memref<2x32xi32, #tpu.memory_space<hbm>>
    tpu.enqueue_dma source(%dma_start3A_18 : memref<2x32xi32, #tpu.memory_space<hbm>>) target(%arg6 : memref<2x32xi32, #tpu.memory_space<vmem>>) target_semaphore(%arg14 : memref<!tpu.dma_semaphore, #tpu.memory_space<semaphore_mem>>)
    %dma_start3A_19 = arith.constant 1 : i32
    %dma_start3A_20 = arith.constant 0 : i32
    %dma_start3A_21 = arith.constant 0 : i32
    %dma_start3A_22 = tpu.memref_slice %arg3[%arg0, %arg1, %dma_start3A_19, %dma_start3A_20, %dma_start3A_21] : memref<2x16x640x2x32xi32, #tpu.memory_space<hbm>> -> memref<1x1x1x2x32xi32, #tpu.memory_space<hbm>>
    %dma_start3A_23 = tpu.memref_squeeze %dma_start3A_22 : memref<1x1x1x2x32xi32, #tpu.memory_space<hbm>> -> memref<2x32xi32, #tpu.memory_space<hbm>>
    %dma_start3A_24 = arith.constant 0 : i32
    %dma_start3A_25 = arith.constant 0 : i32
    %dma_start3A_26 = tpu.memref_slice %arg3[%arg0, %arg1, %dma_start3A_19, %dma_start3A_24, %dma_start3A_25] : memref<2x16x640x2x32xi32, #tpu.memory_space<hbm>> -> memref<1x1x1x2x32xi32, #tpu.memory_space<hbm>>
    %dma_start3A_27 = tpu.memref_squeeze %dma_start3A_26 : memref<1x1x1x2x32xi32, #tpu.memory_space<hbm>> -> memref<2x32xi32, #tpu.memory_space<hbm>>
    tpu.enqueue_dma source(%dma_start3A_27 : memref<2x32xi32, #tpu.memory_space<hbm>>) target(%arg7 : memref<2x32xi32, #tpu.memory_space<vmem>>) target_semaphore(%arg15 : memref<!tpu.dma_semaphore, #tpu.memory_space<semaphore_mem>>)
    %dma_start3A_28 = arith.constant 2 : i32
    %dma_start3A_29 = arith.constant 0 : i32
    %dma_start3A_30 = arith.constant 0 : i32
    %dma_start3A_31 = tpu.memref_slice %arg3[%arg0, %arg1, %dma_start3A_28, %dma_start3A_29, %dma_start3A_30] : memref<2x16x640x2x32xi32, #tpu.memory_space<hbm>> -> memref<1x1x1x2x32xi32, #tpu.memory_space<hbm>>
    %dma_start3A_32 = tpu.memref_squeeze %dma_start3A_31 : memref<1x1x1x2x32xi32, #tpu.memory_space<hbm>> -> memref<2x32xi32, #tpu.memory_space<hbm>>
    %dma_start3A_33 = arith.constant 0 : i32
    %dma_start3A_34 = arith.constant 0 : i32
    %dma_start3A_35 = tpu.memref_slice %arg3[%arg0, %arg1, %dma_start3A_28, %dma_start3A_33, %dma_start3A_34] : memref<2x16x640x2x32xi32, #tpu.memory_space<hbm>> -> memref<1x1x1x2x32xi32, #tpu.memory_space<hbm>>
    %dma_start3A_36 = tpu.memref_squeeze %dma_start3A_35 : memref<1x1x1x2x32xi32, #tpu.memory_space<hbm>> -> memref<2x32xi32, #tpu.memory_space<hbm>>
    tpu.enqueue_dma source(%dma_start3A_36 : memref<2x32xi32, #tpu.memory_space<hbm>>) target(%arg8 : memref<2x32xi32, #tpu.memory_space<vmem>>) target_semaphore(%arg16 : memref<!tpu.dma_semaphore, #tpu.memory_space<semaphore_mem>>)
    %dma_wait3A = arith.constant 0 : i32
    %dma_wait3A_37 = arith.constant 0 : i32
    %dma_wait3A_38 = arith.constant 0 : i32
    %dma_wait3A_39 = tpu.memref_slice %arg3[%arg0, %arg1, %dma_wait3A, %dma_wait3A_37, %dma_wait3A_38] : memref<2x16x640x2x32xi32, #tpu.memory_space<hbm>> -> memref<1x1x1x2x32xi32, #tpu.memory_space<hbm>>
    %dma_wait3A_40 = tpu.memref_squeeze %dma_wait3A_39 : memref<1x1x1x2x32xi32, #tpu.memory_space<hbm>> -> memref<2x32xi32, #tpu.memory_space<hbm>>
    %dma_wait3A_41 = arith.constant 0 : i32
    %dma_wait3A_42 = arith.constant 0 : i32
    %dma_wait3A_43 = tpu.memref_slice %arg3[%arg0, %arg1, %dma_wait3A, %dma_wait3A_41, %dma_wait3A_42] : memref<2x16x640x2x32xi32, #tpu.memory_space<hbm>> -> memref<1x1x1x2x32xi32, #tpu.memory_space<hbm>>
    %dma_wait3A_44 = tpu.memref_squeeze %dma_wait3A_43 : memref<1x1x1x2x32xi32, #tpu.memory_space<hbm>> -> memref<2x32xi32, #tpu.memory_space<hbm>>
    tpu.wait_dma2 semaphore(%arg14 : memref<!tpu.dma_semaphore, #tpu.memory_space<semaphore_mem>>) src(%dma_wait3A_44 : memref<2x32xi32, #tpu.memory_space<hbm>>) dst(%arg6 : memref<2x32xi32, #tpu.memory_space<vmem>>)
    %run_scoped3A = arith.constant 0 : i32
    "tpu.region"() ({
      %run_scoped3A_153 = tpu.sem_alloc : memref<!tpu.dma_semaphore, #tpu.memory_space<semaphore_mem>>
      %dma_start3A_154 = arith.constant 0 : i32
      %dma_start3A_155 = tpu.memref_slice %arg6[%run_scoped3A, %dma_start3A_154] : memref<2x32xi32, #tpu.memory_space<vmem>> -> memref<1x32xi32, #tpu.memory_space<vmem>>
      %dma_start3A_156 = tpu.memref_squeeze %dma_start3A_155 : memref<1x32xi32, #tpu.memory_space<vmem>> -> memref<32xi32, #tpu.memory_space<vmem>>
      %dma_start3A_157 = arith.constant 0 : i32
      %dma_start3A_158 = arith.constant 0 : i32
      %dma_start3A_159 = tpu.memref_slice %arg12[%dma_start3A_157, %dma_start3A_158] : memref<10048x128xf32, #tpu.memory_space<vmem_shared>> -> memref<10048x128xf32, #tpu.memory_space<vmem_shared>>
      tpu.enqueue_indirect_dma source(%dma_start3A_159 : memref<10048x128xf32, #tpu.memory_space<vmem_shared>>) target(%arg10 : memref<32x128xf32, #tpu.memory_space<vmem>>) offsets(%dma_start3A_156 : memref<32xi32, #tpu.memory_space<vmem>>) semaphore(%run_scoped3A_153 : memref<!tpu.dma_semaphore, #tpu.memory_space<semaphore_mem>>)
      %dma_wait3A_160 = arith.constant 0 : i32
      %dma_wait3A_161 = tpu.memref_slice %arg6[%run_scoped3A, %dma_wait3A_160] : memref<2x32xi32, #tpu.memory_space<vmem>> -> memref<1x32xi32, #tpu.memory_space<vmem>>
      %dma_wait3A_162 = tpu.memref_squeeze %dma_wait3A_161 : memref<1x32xi32, #tpu.memory_space<vmem>> -> memref<32xi32, #tpu.memory_space<vmem>>
      %dma_wait3A_163 = arith.constant 0 : i32
      %dma_wait3A_164 = arith.constant 0 : i32
      %dma_wait3A_165 = tpu.memref_slice %arg12[%dma_wait3A_163, %dma_wait3A_164] : memref<10048x128xf32, #tpu.memory_space<vmem_shared>> -> memref<10048x128xf32, #tpu.memory_space<vmem_shared>>
      tpu.wait_indirect_dma semaphore(%run_scoped3A_153 : memref<!tpu.dma_semaphore, #tpu.memory_space<semaphore_mem>>) src(%dma_wait3A_165 : memref<10048x128xf32, #tpu.memory_space<vmem_shared>>) dst(%arg10 : memref<32x128xf32, #tpu.memory_space<vmem>>)
      tpu.yield
    }) : () -> ()
    %dma_start3A_45 = arith.constant 1 : i32
    %dma_start3A_46 = arith.constant 0 : i32
    %dma_start3A_47 = tpu.memref_slice %arg6[%dma_start3A_45, %dma_start3A_46] : memref<2x32xi32, #tpu.memory_space<vmem>> -> memref<1x32xi32, #tpu.memory_space<vmem>>
    %dma_start3A_48 = tpu.memref_squeeze %dma_start3A_47 : memref<1x32xi32, #tpu.memory_space<vmem>> -> memref<32xi32, #tpu.memory_space<vmem>>
    %dma_start3A_49 = arith.constant 0 : i32
    %dma_start3A_50 = arith.constant 0 : i32
    %dma_start3A_51 = tpu.memref_slice %arg13[%dma_start3A_49, %dma_start3A_50] : memref<5120x128xf32, #tpu.memory_space<vmem_shared>> -> memref<5120x128xf32, #tpu.memory_space<vmem_shared>>
    tpu.enqueue_indirect_dma source(%arg10 : memref<32x128xf32, #tpu.memory_space<vmem>>) target(%dma_start3A_51 : memref<5120x128xf32, #tpu.memory_space<vmem_shared>>) offsets(%dma_start3A_48 : memref<32xi32, #tpu.memory_space<vmem>>) semaphore(%arg18 : memref<!tpu.dma_semaphore, #tpu.memory_space<semaphore_mem>>) {add = true}
    %dma_start3A_52 = arith.constant 3 : i32
    %dma_start3A_53 = arith.constant 0 : i32
    %dma_start3A_54 = arith.constant 0 : i32
    %dma_start3A_55 = tpu.memref_slice %arg3[%arg0, %arg1, %dma_start3A_52, %dma_start3A_53, %dma_start3A_54] : memref<2x16x640x2x32xi32, #tpu.memory_space<hbm>> -> memref<1x1x1x2x32xi32, #tpu.memory_space<hbm>>
    %dma_start3A_56 = tpu.memref_squeeze %dma_start3A_55 : memref<1x1x1x2x32xi32, #tpu.memory_space<hbm>> -> memref<2x32xi32, #tpu.memory_space<hbm>>
    %dma_start3A_57 = arith.constant 0 : i32
    %dma_start3A_58 = arith.constant 0 : i32
    %dma_start3A_59 = tpu.memref_slice %arg3[%arg0, %arg1, %dma_start3A_52, %dma_start3A_57, %dma_start3A_58] : memref<2x16x640x2x32xi32, #tpu.memory_space<hbm>> -> memref<1x1x1x2x32xi32, #tpu.memory_space<hbm>>
    %dma_start3A_60 = tpu.memref_squeeze %dma_start3A_59 : memref<1x1x1x2x32xi32, #tpu.memory_space<hbm>> -> memref<2x32xi32, #tpu.memory_space<hbm>>
    tpu.enqueue_dma source(%dma_start3A_60 : memref<2x32xi32, #tpu.memory_space<hbm>>) target(%arg9 : memref<2x32xi32, #tpu.memory_space<vmem>>) target_semaphore(%arg17 : memref<!tpu.dma_semaphore, #tpu.memory_space<semaphore_mem>>)
    %dma_wait3A_61 = arith.constant 1 : i32
    %dma_wait3A_62 = arith.constant 0 : i32
    %dma_wait3A_63 = arith.constant 0 : i32
    %dma_wait3A_64 = tpu.memref_slice %arg3[%arg0, %arg1, %dma_wait3A_61, %dma_wait3A_62, %dma_wait3A_63] : memref<2x16x640x2x32xi32, #tpu.memory_space<hbm>> -> memref<1x1x1x2x32xi32, #tpu.memory_space<hbm>>
    %dma_wait3A_65 = tpu.memref_squeeze %dma_wait3A_64 : memref<1x1x1x2x32xi32, #tpu.memory_space<hbm>> -> memref<2x32xi32, #tpu.memory_space<hbm>>
    %dma_wait3A_66 = arith.constant 0 : i32
    %dma_wait3A_67 = arith.constant 0 : i32
    %dma_wait3A_68 = tpu.memref_slice %arg3[%arg0, %arg1, %dma_wait3A_61, %dma_wait3A_66, %dma_wait3A_67] : memref<2x16x640x2x32xi32, #tpu.memory_space<hbm>> -> memref<1x1x1x2x32xi32, #tpu.memory_space<hbm>>
    %dma_wait3A_69 = tpu.memref_squeeze %dma_wait3A_68 : memref<1x1x1x2x32xi32, #tpu.memory_space<hbm>> -> memref<2x32xi32, #tpu.memory_space<hbm>>
    tpu.wait_dma2 semaphore(%arg15 : memref<!tpu.dma_semaphore, #tpu.memory_space<semaphore_mem>>) src(%dma_wait3A_69 : memref<2x32xi32, #tpu.memory_space<hbm>>) dst(%arg7 : memref<2x32xi32, #tpu.memory_space<vmem>>)
    %run_scoped3A_70 = arith.constant 0 : i32
    "tpu.region"() ({
      %run_scoped3A_153 = tpu.sem_alloc : memref<!tpu.dma_semaphore, #tpu.memory_space<semaphore_mem>>
      %dma_start3A_154 = arith.constant 0 : i32
      %dma_start3A_155 = tpu.memref_slice %arg7[%run_scoped3A_70, %dma_start3A_154] : memref<2x32xi32, #tpu.memory_space<vmem>> -> memref<1x32xi32, #tpu.memory_space<vmem>>
      %dma_start3A_156 = tpu.memref_squeeze %dma_start3A_155 : memref<1x32xi32, #tpu.memory_space<vmem>> -> memref<32xi32, #tpu.memory_space<vmem>>
      %dma_start3A_157 = arith.constant 0 : i32
      %dma_start3A_158 = arith.constant 0 : i32
      %dma_start3A_159 = tpu.memref_slice %arg12[%dma_start3A_157, %dma_start3A_158] : memref<10048x128xf32, #tpu.memory_space<vmem_shared>> -> memref<10048x128xf32, #tpu.memory_space<vmem_shared>>
      tpu.enqueue_indirect_dma source(%dma_start3A_159 : memref<10048x128xf32, #tpu.memory_space<vmem_shared>>) target(%arg11 : memref<32x128xf32, #tpu.memory_space<vmem>>) offsets(%dma_start3A_156 : memref<32xi32, #tpu.memory_space<vmem>>) semaphore(%run_scoped3A_153 : memref<!tpu.dma_semaphore, #tpu.memory_space<semaphore_mem>>)
      %dma_wait3A_160 = arith.constant 0 : i32
      %dma_wait3A_161 = tpu.memref_slice %arg7[%run_scoped3A_70, %dma_wait3A_160] : memref<2x32xi32, #tpu.memory_space<vmem>> -> memref<1x32xi32, #tpu.memory_space<vmem>>
      %dma_wait3A_162 = tpu.memref_squeeze %dma_wait3A_161 : memref<1x32xi32, #tpu.memory_space<vmem>> -> memref<32xi32, #tpu.memory_space<vmem>>
      %dma_wait3A_163 = arith.constant 0 : i32
      %dma_wait3A_164 = arith.constant 0 : i32
      %dma_wait3A_165 = tpu.memref_slice %arg12[%dma_wait3A_163, %dma_wait3A_164] : memref<10048x128xf32, #tpu.memory_space<vmem_shared>> -> memref<10048x128xf32, #tpu.memory_space<vmem_shared>>
      tpu.wait_indirect_dma semaphore(%run_scoped3A_153 : memref<!tpu.dma_semaphore, #tpu.memory_space<semaphore_mem>>) src(%dma_wait3A_165 : memref<10048x128xf32, #tpu.memory_space<vmem_shared>>) dst(%arg11 : memref<32x128xf32, #tpu.memory_space<vmem>>)
      tpu.yield
    }) : () -> ()
    %dma_start3A_71 = arith.constant 1 : i32
    %dma_start3A_72 = arith.constant 0 : i32
    %dma_start3A_73 = tpu.memref_slice %arg7[%dma_start3A_71, %dma_start3A_72] : memref<2x32xi32, #tpu.memory_space<vmem>> -> memref<1x32xi32, #tpu.memory_space<vmem>>
    %dma_start3A_74 = tpu.memref_squeeze %dma_start3A_73 : memref<1x32xi32, #tpu.memory_space<vmem>> -> memref<32xi32, #tpu.memory_space<vmem>>
    %dma_start3A_75 = arith.constant 0 : i32
    %dma_start3A_76 = arith.constant 0 : i32
    %dma_start3A_77 = tpu.memref_slice %arg13[%dma_start3A_75, %dma_start3A_76] : memref<5120x128xf32, #tpu.memory_space<vmem_shared>> -> memref<5120x128xf32, #tpu.memory_space<vmem_shared>>
    tpu.enqueue_indirect_dma source(%arg11 : memref<32x128xf32, #tpu.memory_space<vmem>>) target(%dma_start3A_77 : memref<5120x128xf32, #tpu.memory_space<vmem_shared>>) offsets(%dma_start3A_74 : memref<32xi32, #tpu.memory_space<vmem>>) semaphore(%arg19 : memref<!tpu.dma_semaphore, #tpu.memory_space<semaphore_mem>>) {add = true}
    %scan3A_78 = arith.constant 0 : i32
    %scan3A_79 = arith.constant 0 : i32
    %scan3A_80 = arith.constant 159 : i32
    %scan3A_81 = arith.addi %scan3A_79, %scan3A_80 : i32
    %scan3A_82 = arith.constant 1 : i32
    scf.for %scan3A_153 = %scan3A_79 to %scan3A_81 step %scan3A_82  : i32 {
      %mul3A = arith.constant 4 : i32
      %mul3A_154 = arith.muli %scan3A_153, %mul3A : i32
      %add3A = arith.constant 2 : i32
      %add3A_155 = arith.addi %add3A, %mul3A_154 : i32
      %add3A_156 = arith.constant 0 : i32
      %add3A_157 = arith.addi %add3A_155, %add3A_156 : i32
      %dma_wait3A_158 = arith.constant 1 : i32
      %dma_wait3A_159 = arith.constant 0 : i32
      %dma_wait3A_160 = tpu.memref_slice %arg8[%dma_wait3A_158, %dma_wait3A_159] : memref<2x32xi32, #tpu.memory_space<vmem>> -> memref<1x32xi32, #tpu.memory_space<vmem>>
      %dma_wait3A_161 = tpu.memref_squeeze %dma_wait3A_160 : memref<1x32xi32, #tpu.memory_space<vmem>> -> memref<32xi32, #tpu.memory_space<vmem>>
      %dma_wait3A_162 = arith.constant 0 : i32
      %dma_wait3A_163 = arith.constant 0 : i32
      %dma_wait3A_164 = tpu.memref_slice %arg13[%dma_wait3A_162, %dma_wait3A_163] : memref<5120x128xf32, #tpu.memory_space<vmem_shared>> -> memref<5120x128xf32, #tpu.memory_space<vmem_shared>>
      tpu.wait_indirect_dma semaphore(%arg18 : memref<!tpu.dma_semaphore, #tpu.memory_space<semaphore_mem>>) src(%arg10 : memref<32x128xf32, #tpu.memory_space<vmem>>) dst(%dma_wait3A_164 : memref<5120x128xf32, #tpu.memory_space<vmem_shared>>)
      %add3A_165 = arith.constant 2 : i32
      %add3A_166 = arith.addi %add3A_157, %add3A_165 : i32
      %dma_start3A_167 = arith.constant 0 : i32
      %dma_start3A_168 = arith.constant 0 : i32
      %dma_start3A_169 = tpu.memref_slice %arg3[%arg0, %arg1, %add3A_166, %dma_start3A_167, %dma_start3A_168] : memref<2x16x640x2x32xi32, #tpu.memory_space<hbm>> -> memref<1x1x1x2x32xi32, #tpu.memory_space<hbm>>
      %dma_start3A_170 = tpu.memref_squeeze %dma_start3A_169 : memref<1x1x1x2x32xi32, #tpu.memory_space<hbm>> -> memref<2x32xi32, #tpu.memory_space<hbm>>
      %dma_start3A_171 = arith.constant 0 : i32
      %dma_start3A_172 = arith.constant 0 : i32
      %dma_start3A_173 = tpu.memref_slice %arg3[%arg0, %arg1, %add3A_166, %dma_start3A_171, %dma_start3A_172] : memref<2x16x640x2x32xi32, #tpu.memory_space<hbm>> -> memref<1x1x1x2x32xi32, #tpu.memory_space<hbm>>
      %dma_start3A_174 = tpu.memref_squeeze %dma_start3A_173 : memref<1x1x1x2x32xi32, #tpu.memory_space<hbm>> -> memref<2x32xi32, #tpu.memory_space<hbm>>
      tpu.enqueue_dma source(%dma_start3A_174 : memref<2x32xi32, #tpu.memory_space<hbm>>) target(%arg6 : memref<2x32xi32, #tpu.memory_space<vmem>>) target_semaphore(%arg14 : memref<!tpu.dma_semaphore, #tpu.memory_space<semaphore_mem>>)
      %dma_wait3A_175 = arith.constant 0 : i32
      %dma_wait3A_176 = arith.constant 0 : i32
      %dma_wait3A_177 = tpu.memref_slice %arg3[%arg0, %arg1, %add3A_157, %dma_wait3A_175, %dma_wait3A_176] : memref<2x16x640x2x32xi32, #tpu.memory_space<hbm>> -> memref<1x1x1x2x32xi32, #tpu.memory_space<hbm>>
      %dma_wait3A_178 = tpu.memref_squeeze %dma_wait3A_177 : memref<1x1x1x2x32xi32, #tpu.memory_space<hbm>> -> memref<2x32xi32, #tpu.memory_space<hbm>>
      %dma_wait3A_179 = arith.constant 0 : i32
      %dma_wait3A_180 = arith.constant 0 : i32
      %dma_wait3A_181 = tpu.memref_slice %arg3[%arg0, %arg1, %add3A_157, %dma_wait3A_179, %dma_wait3A_180] : memref<2x16x640x2x32xi32, #tpu.memory_space<hbm>> -> memref<1x1x1x2x32xi32, #tpu.memory_space<hbm>>
      %dma_wait3A_182 = tpu.memref_squeeze %dma_wait3A_181 : memref<1x1x1x2x32xi32, #tpu.memory_space<hbm>> -> memref<2x32xi32, #tpu.memory_space<hbm>>
      tpu.wait_dma2 semaphore(%arg16 : memref<!tpu.dma_semaphore, #tpu.memory_space<semaphore_mem>>) src(%dma_wait3A_182 : memref<2x32xi32, #tpu.memory_space<hbm>>) dst(%arg8 : memref<2x32xi32, #tpu.memory_space<vmem>>)
      %run_scoped3A_183 = arith.constant 0 : i32
      "tpu.region"() ({
        %run_scoped3A_296 = tpu.sem_alloc : memref<!tpu.dma_semaphore, #tpu.memory_space<semaphore_mem>>
        %dma_start3A_297 = arith.constant 0 : i32
        %dma_start3A_298 = tpu.memref_slice %arg8[%run_scoped3A_183, %dma_start3A_297] : memref<2x32xi32, #tpu.memory_space<vmem>> -> memref<1x32xi32, #tpu.memory_space<vmem>>
        %dma_start3A_299 = tpu.memref_squeeze %dma_start3A_298 : memref<1x32xi32, #tpu.memory_space<vmem>> -> memref<32xi32, #tpu.memory_space<vmem>>
        %dma_start3A_300 = arith.constant 0 : i32
        %dma_start3A_301 = arith.constant 0 : i32
        %dma_start3A_302 = tpu.memref_slice %arg12[%dma_start3A_300, %dma_start3A_301] : memref<10048x128xf32, #tpu.memory_space<vmem_shared>> -> memref<10048x128xf32, #tpu.memory_space<vmem_shared>>
        tpu.enqueue_indirect_dma source(%dma_start3A_302 : memref<10048x128xf32, #tpu.memory_space<vmem_shared>>) target(%arg10 : memref<32x128xf32, #tpu.memory_space<vmem>>) offsets(%dma_start3A_299 : memref<32xi32, #tpu.memory_space<vmem>>) semaphore(%run_scoped3A_296 : memref<!tpu.dma_semaphore, #tpu.memory_space<semaphore_mem>>)
        %dma_wait3A_303 = arith.constant 0 : i32
        %dma_wait3A_304 = tpu.memref_slice %arg8[%run_scoped3A_183, %dma_wait3A_303] : memref<2x32xi32, #tpu.memory_space<vmem>> -> memref<1x32xi32, #tpu.memory_space<vmem>>
        %dma_wait3A_305 = tpu.memref_squeeze %dma_wait3A_304 : memref<1x32xi32, #tpu.memory_space<vmem>> -> memref<32xi32, #tpu.memory_space<vmem>>
        %dma_wait3A_306 = arith.constant 0 : i32
        %dma_wait3A_307 = arith.constant 0 : i32
        %dma_wait3A_308 = tpu.memref_slice %arg12[%dma_wait3A_306, %dma_wait3A_307] : memref<10048x128xf32, #tpu.memory_space<vmem_shared>> -> memref<10048x128xf32, #tpu.memory_space<vmem_shared>>
        tpu.wait_indirect_dma semaphore(%run_scoped3A_296 : memref<!tpu.dma_semaphore, #tpu.memory_space<semaphore_mem>>) src(%dma_wait3A_308 : memref<10048x128xf32, #tpu.memory_space<vmem_shared>>) dst(%arg10 : memref<32x128xf32, #tpu.memory_space<vmem>>)
        tpu.yield
      }) : () -> ()
      %dma_start3A_184 = arith.constant 1 : i32
      %dma_start3A_185 = arith.constant 0 : i32
      %dma_start3A_186 = tpu.memref_slice %arg8[%dma_start3A_184, %dma_start3A_185] : memref<2x32xi32, #tpu.memory_space<vmem>> -> memref<1x32xi32, #tpu.memory_space<vmem>>
      %dma_start3A_187 = tpu.memref_squeeze %dma_start3A_186 : memref<1x32xi32, #tpu.memory_space<vmem>> -> memref<32xi32, #tpu.memory_space<vmem>>
      %dma_start3A_188 = arith.constant 0 : i32
      %dma_start3A_189 = arith.constant 0 : i32
      %dma_start3A_190 = tpu.memref_slice %arg13[%dma_start3A_188, %dma_start3A_189] : memref<5120x128xf32, #tpu.memory_space<vmem_shared>> -> memref<5120x128xf32, #tpu.memory_space<vmem_shared>>
      tpu.enqueue_indirect_dma source(%arg10 : memref<32x128xf32, #tpu.memory_space<vmem>>) target(%dma_start3A_190 : memref<5120x128xf32, #tpu.memory_space<vmem_shared>>) offsets(%dma_start3A_187 : memref<32xi32, #tpu.memory_space<vmem>>) semaphore(%arg18 : memref<!tpu.dma_semaphore, #tpu.memory_space<semaphore_mem>>) {add = true}
      %add3A_191 = arith.constant 1 : i32
      %add3A_192 = arith.addi %add3A_155, %add3A_191 : i32
      %dma_wait3A_193 = arith.constant 1 : i32
      %dma_wait3A_194 = arith.constant 0 : i32
      %dma_wait3A_195 = tpu.memref_slice %arg9[%dma_wait3A_193, %dma_wait3A_194] : memref<2x32xi32, #tpu.memory_space<vmem>> -> memref<1x32xi32, #tpu.memory_space<vmem>>
      %dma_wait3A_196 = tpu.memref_squeeze %dma_wait3A_195 : memref<1x32xi32, #tpu.memory_space<vmem>> -> memref<32xi32, #tpu.memory_space<vmem>>
      %dma_wait3A_197 = arith.constant 0 : i32
      %dma_wait3A_198 = arith.constant 0 : i32
      %dma_wait3A_199 = tpu.memref_slice %arg13[%dma_wait3A_197, %dma_wait3A_198] : memref<5120x128xf32, #tpu.memory_space<vmem_shared>> -> memref<5120x128xf32, #tpu.memory_space<vmem_shared>>
      tpu.wait_indirect_dma semaphore(%arg19 : memref<!tpu.dma_semaphore, #tpu.memory_space<semaphore_mem>>) src(%arg11 : memref<32x128xf32, #tpu.memory_space<vmem>>) dst(%dma_wait3A_199 : memref<5120x128xf32, #tpu.memory_space<vmem_shared>>)
      %add3A_200 = arith.constant 2 : i32
      %add3A_201 = arith.addi %add3A_192, %add3A_200 : i32
      %dma_start3A_202 = arith.constant 0 : i32
      %dma_start3A_203 = arith.constant 0 : i32
      %dma_start3A_204 = tpu.memref_slice %arg3[%arg0, %arg1, %add3A_201, %dma_start3A_202, %dma_start3A_203] : memref<2x16x640x2x32xi32, #tpu.memory_space<hbm>> -> memref<1x1x1x2x32xi32, #tpu.memory_space<hbm>>
      %dma_start3A_205 = tpu.memref_squeeze %dma_start3A_204 : memref<1x1x1x2x32xi32, #tpu.memory_space<hbm>> -> memref<2x32xi32, #tpu.memory_space<hbm>>
      %dma_start3A_206 = arith.constant 0 : i32
      %dma_start3A_207 = arith.constant 0 : i32
      %dma_start3A_208 = tpu.memref_slice %arg3[%arg0, %arg1, %add3A_201, %dma_start3A_206, %dma_start3A_207] : memref<2x16x640x2x32xi32, #tpu.memory_space<hbm>> -> memref<1x1x1x2x32xi32, #tpu.memory_space<hbm>>
      %dma_start3A_209 = tpu.memref_squeeze %dma_start3A_208 : memref<1x1x1x2x32xi32, #tpu.memory_space<hbm>> -> memref<2x32xi32, #tpu.memory_space<hbm>>
      tpu.enqueue_dma source(%dma_start3A_209 : memref<2x32xi32, #tpu.memory_space<hbm>>) target(%arg7 : memref<2x32xi32, #tpu.memory_space<vmem>>) target_semaphore(%arg15 : memref<!tpu.dma_semaphore, #tpu.memory_space<semaphore_mem>>)
      %dma_wait3A_210 = arith.constant 0 : i32
      %dma_wait3A_211 = arith.constant 0 : i32
      %dma_wait3A_212 = tpu.memref_slice %arg3[%arg0, %arg1, %add3A_192, %dma_wait3A_210, %dma_wait3A_211] : memref<2x16x640x2x32xi32, #tpu.memory_space<hbm>> -> memref<1x1x1x2x32xi32, #tpu.memory_space<hbm>>
      %dma_wait3A_213 = tpu.memref_squeeze %dma_wait3A_212 : memref<1x1x1x2x32xi32, #tpu.memory_space<hbm>> -> memref<2x32xi32, #tpu.memory_space<hbm>>
      %dma_wait3A_214 = arith.constant 0 : i32
      %dma_wait3A_215 = arith.constant 0 : i32
      %dma_wait3A_216 = tpu.memref_slice %arg3[%arg0, %arg1, %add3A_192, %dma_wait3A_214, %dma_wait3A_215] : memref<2x16x640x2x32xi32, #tpu.memory_space<hbm>> -> memref<1x1x1x2x32xi32, #tpu.memory_space<hbm>>
      %dma_wait3A_217 = tpu.memref_squeeze %dma_wait3A_216 : memref<1x1x1x2x32xi32, #tpu.memory_space<hbm>> -> memref<2x32xi32, #tpu.memory_space<hbm>>
      tpu.wait_dma2 semaphore(%arg17 : memref<!tpu.dma_semaphore, #tpu.memory_space<semaphore_mem>>) src(%dma_wait3A_217 : memref<2x32xi32, #tpu.memory_space<hbm>>) dst(%arg9 : memref<2x32xi32, #tpu.memory_space<vmem>>)
      %run_scoped3A_218 = arith.constant 0 : i32
      "tpu.region"() ({
        %run_scoped3A_296 = tpu.sem_alloc : memref<!tpu.dma_semaphore, #tpu.memory_space<semaphore_mem>>
        %dma_start3A_297 = arith.constant 0 : i32
        %dma_start3A_298 = tpu.memref_slice %arg9[%run_scoped3A_218, %dma_start3A_297] : memref<2x32xi32, #tpu.memory_space<vmem>> -> memref<1x32xi32, #tpu.memory_space<vmem>>
        %dma_start3A_299 = tpu.memref_squeeze %dma_start3A_298 : memref<1x32xi32, #tpu.memory_space<vmem>> -> memref<32xi32, #tpu.memory_space<vmem>>
        %dma_start3A_300 = arith.constant 0 : i32
        %dma_start3A_301 = arith.constant 0 : i32
        %dma_start3A_302 = tpu.memref_slice %arg12[%dma_start3A_300, %dma_start3A_301] : memref<10048x128xf32, #tpu.memory_space<vmem_shared>> -> memref<10048x128xf32, #tpu.memory_space<vmem_shared>>
        tpu.enqueue_indirect_dma source(%dma_start3A_302 : memref<10048x128xf32, #tpu.memory_space<vmem_shared>>) target(%arg11 : memref<32x128xf32, #tpu.memory_space<vmem>>) offsets(%dma_start3A_299 : memref<32xi32, #tpu.memory_space<vmem>>) semaphore(%run_scoped3A_296 : memref<!tpu.dma_semaphore, #tpu.memory_space<semaphore_mem>>)
        %dma_wait3A_303 = arith.constant 0 : i32
        %dma_wait3A_304 = tpu.memref_slice %arg9[%run_scoped3A_218, %dma_wait3A_303] : memref<2x32xi32, #tpu.memory_space<vmem>> -> memref<1x32xi32, #tpu.memory_space<vmem>>
        %dma_wait3A_305 = tpu.memref_squeeze %dma_wait3A_304 : memref<1x32xi32, #tpu.memory_space<vmem>> -> memref<32xi32, #tpu.memory_space<vmem>>
        %dma_wait3A_306 = arith.constant 0 : i32
        %dma_wait3A_307 = arith.constant 0 : i32
        %dma_wait3A_308 = tpu.memref_slice %arg12[%dma_wait3A_306, %dma_wait3A_307] : memref<10048x128xf32, #tpu.memory_space<vmem_shared>> -> memref<10048x128xf32, #tpu.memory_space<vmem_shared>>
        tpu.wait_indirect_dma semaphore(%run_scoped3A_296 : memref<!tpu.dma_semaphore, #tpu.memory_space<semaphore_mem>>) src(%dma_wait3A_308 : memref<10048x128xf32, #tpu.memory_space<vmem_shared>>) dst(%arg11 : memref<32x128xf32, #tpu.memory_space<vmem>>)
        tpu.yield
      }) : () -> ()
      %dma_start3A_219 = arith.constant 1 : i32
      %dma_start3A_220 = arith.constant 0 : i32
      %dma_start3A_221 = tpu.memref_slice %arg9[%dma_start3A_219, %dma_start3A_220] : memref<2x32xi32, #tpu.memory_space<vmem>> -> memref<1x32xi32, #tpu.memory_space<vmem>>
      %dma_start3A_222 = tpu.memref_squeeze %dma_start3A_221 : memref<1x32xi32, #tpu.memory_space<vmem>> -> memref<32xi32, #tpu.memory_space<vmem>>
      %dma_start3A_223 = arith.constant 0 : i32
      %dma_start3A_224 = arith.constant 0 : i32
      %dma_start3A_225 = tpu.memref_slice %arg13[%dma_start3A_223, %dma_start3A_224] : memref<5120x128xf32, #tpu.memory_space<vmem_shared>> -> memref<5120x128xf32, #tpu.memory_space<vmem_shared>>
      tpu.enqueue_indirect_dma source(%arg11 : memref<32x128xf32, #tpu.memory_space<vmem>>) target(%dma_start3A_225 : memref<5120x128xf32, #tpu.memory_space<vmem_shared>>) offsets(%dma_start3A_222 : memref<32xi32, #tpu.memory_space<vmem>>) semaphore(%arg19 : memref<!tpu.dma_semaphore, #tpu.memory_space<semaphore_mem>>) {add = true}
      %add3A_226 = arith.constant 2 : i32
      %add3A_227 = arith.addi %add3A_155, %add3A_226 : i32
      %dma_wait3A_228 = arith.constant 1 : i32
      %dma_wait3A_229 = arith.constant 0 : i32
      %dma_wait3A_230 = tpu.memref_slice %arg6[%dma_wait3A_228, %dma_wait3A_229] : memref<2x32xi32, #tpu.memory_space<vmem>> -> memref<1x32xi32, #tpu.memory_space<vmem>>
      %dma_wait3A_231 = tpu.memref_squeeze %dma_wait3A_230 : memref<1x32xi32, #tpu.memory_space<vmem>> -> memref<32xi32, #tpu.memory_space<vmem>>
      %dma_wait3A_232 = arith.constant 0 : i32
      %dma_wait3A_233 = arith.constant 0 : i32
      %dma_wait3A_234 = tpu.memref_slice %arg13[%dma_wait3A_232, %dma_wait3A_233] : memref<5120x128xf32, #tpu.memory_space<vmem_shared>> -> memref<5120x128xf32, #tpu.memory_space<vmem_shared>>
      tpu.wait_indirect_dma semaphore(%arg18 : memref<!tpu.dma_semaphore, #tpu.memory_space<semaphore_mem>>) src(%arg10 : memref<32x128xf32, #tpu.memory_space<vmem>>) dst(%dma_wait3A_234 : memref<5120x128xf32, #tpu.memory_space<vmem_shared>>)
      %add3A_235 = arith.constant 2 : i32
      %add3A_236 = arith.addi %add3A_227, %add3A_235 : i32
      %dma_start3A_237 = arith.constant 0 : i32
      %dma_start3A_238 = arith.constant 0 : i32
      %dma_start3A_239 = tpu.memref_slice %arg3[%arg0, %arg1, %add3A_236, %dma_start3A_237, %dma_start3A_238] : memref<2x16x640x2x32xi32, #tpu.memory_space<hbm>> -> memref<1x1x1x2x32xi32, #tpu.memory_space<hbm>>
      %dma_start3A_240 = tpu.memref_squeeze %dma_start3A_239 : memref<1x1x1x2x32xi32, #tpu.memory_space<hbm>> -> memref<2x32xi32, #tpu.memory_space<hbm>>
      %dma_start3A_241 = arith.constant 0 : i32
      %dma_start3A_242 = arith.constant 0 : i32
      %dma_start3A_243 = tpu.memref_slice %arg3[%arg0, %arg1, %add3A_236, %dma_start3A_241, %dma_start3A_242] : memref<2x16x640x2x32xi32, #tpu.memory_space<hbm>> -> memref<1x1x1x2x32xi32, #tpu.memory_space<hbm>>
      %dma_start3A_244 = tpu.memref_squeeze %dma_start3A_243 : memref<1x1x1x2x32xi32, #tpu.memory_space<hbm>> -> memref<2x32xi32, #tpu.memory_space<hbm>>
      tpu.enqueue_dma source(%dma_start3A_244 : memref<2x32xi32, #tpu.memory_space<hbm>>) target(%arg8 : memref<2x32xi32, #tpu.memory_space<vmem>>) target_semaphore(%arg16 : memref<!tpu.dma_semaphore, #tpu.memory_space<semaphore_mem>>)
      %dma_wait3A_245 = arith.constant 0 : i32
      %dma_wait3A_246 = arith.constant 0 : i32
      %dma_wait3A_247 = tpu.memref_slice %arg3[%arg0, %arg1, %add3A_227, %dma_wait3A_245, %dma_wait3A_246] : memref<2x16x640x2x32xi32, #tpu.memory_space<hbm>> -> memref<1x1x1x2x32xi32, #tpu.memory_space<hbm>>
      %dma_wait3A_248 = tpu.memref_squeeze %dma_wait3A_247 : memref<1x1x1x2x32xi32, #tpu.memory_space<hbm>> -> memref<2x32xi32, #tpu.memory_space<hbm>>
      %dma_wait3A_249 = arith.constant 0 : i32
      %dma_wait3A_250 = arith.constant 0 : i32
      %dma_wait3A_251 = tpu.memref_slice %arg3[%arg0, %arg1, %add3A_227, %dma_wait3A_249, %dma_wait3A_250] : memref<2x16x640x2x32xi32, #tpu.memory_space<hbm>> -> memref<1x1x1x2x32xi32, #tpu.memory_space<hbm>>
      %dma_wait3A_252 = tpu.memref_squeeze %dma_wait3A_251 : memref<1x1x1x2x32xi32, #tpu.memory_space<hbm>> -> memref<2x32xi32, #tpu.memory_space<hbm>>
      tpu.wait_dma2 semaphore(%arg14 : memref<!tpu.dma_semaphore, #tpu.memory_space<semaphore_mem>>) src(%dma_wait3A_252 : memref<2x32xi32, #tpu.memory_space<hbm>>) dst(%arg6 : memref<2x32xi32, #tpu.memory_space<vmem>>)
      %run_scoped3A_253 = arith.constant 0 : i32
      "tpu.region"() ({
        %run_scoped3A_296 = tpu.sem_alloc : memref<!tpu.dma_semaphore, #tpu.memory_space<semaphore_mem>>
        %dma_start3A_297 = arith.constant 0 : i32
        %dma_start3A_298 = tpu.memref_slice %arg6[%run_scoped3A_253, %dma_start3A_297] : memref<2x32xi32, #tpu.memory_space<vmem>> -> memref<1x32xi32, #tpu.memory_space<vmem>>
        %dma_start3A_299 = tpu.memref_squeeze %dma_start3A_298 : memref<1x32xi32, #tpu.memory_space<vmem>> -> memref<32xi32, #tpu.memory_space<vmem>>
        %dma_start3A_300 = arith.constant 0 : i32
        %dma_start3A_301 = arith.constant 0 : i32
        %dma_start3A_302 = tpu.memref_slice %arg12[%dma_start3A_300, %dma_start3A_301] : memref<10048x128xf32, #tpu.memory_space<vmem_shared>> -> memref<10048x128xf32, #tpu.memory_space<vmem_shared>>
        tpu.enqueue_indirect_dma source(%dma_start3A_302 : memref<10048x128xf32, #tpu.memory_space<vmem_shared>>) target(%arg10 : memref<32x128xf32, #tpu.memory_space<vmem>>) offsets(%dma_start3A_299 : memref<32xi32, #tpu.memory_space<vmem>>) semaphore(%run_scoped3A_296 : memref<!tpu.dma_semaphore, #tpu.memory_space<semaphore_mem>>)
        %dma_wait3A_303 = arith.constant 0 : i32
        %dma_wait3A_304 = tpu.memref_slice %arg6[%run_scoped3A_253, %dma_wait3A_303] : memref<2x32xi32, #tpu.memory_space<vmem>> -> memref<1x32xi32, #tpu.memory_space<vmem>>
        %dma_wait3A_305 = tpu.memref_squeeze %dma_wait3A_304 : memref<1x32xi32, #tpu.memory_space<vmem>> -> memref<32xi32, #tpu.memory_space<vmem>>
        %dma_wait3A_306 = arith.constant 0 : i32
        %dma_wait3A_307 = arith.constant 0 : i32
        %dma_wait3A_308 = tpu.memref_slice %arg12[%dma_wait3A_306, %dma_wait3A_307] : memref<10048x128xf32, #tpu.memory_space<vmem_shared>> -> memref<10048x128xf32, #tpu.memory_space<vmem_shared>>
        tpu.wait_indirect_dma semaphore(%run_scoped3A_296 : memref<!tpu.dma_semaphore, #tpu.memory_space<semaphore_mem>>) src(%dma_wait3A_308 : memref<10048x128xf32, #tpu.memory_space<vmem_shared>>) dst(%arg10 : memref<32x128xf32, #tpu.memory_space<vmem>>)
        tpu.yield
      }) : () -> ()
      %dma_start3A_254 = arith.constant 1 : i32
      %dma_start3A_255 = arith.constant 0 : i32
      %dma_start3A_256 = tpu.memref_slice %arg6[%dma_start3A_254, %dma_start3A_255] : memref<2x32xi32, #tpu.memory_space<vmem>> -> memref<1x32xi32, #tpu.memory_space<vmem>>
      %dma_start3A_257 = tpu.memref_squeeze %dma_start3A_256 : memref<1x32xi32, #tpu.memory_space<vmem>> -> memref<32xi32, #tpu.memory_space<vmem>>
      %dma_start3A_258 = arith.constant 0 : i32
      %dma_start3A_259 = arith.constant 0 : i32
      %dma_start3A_260 = tpu.memref_slice %arg13[%dma_start3A_258, %dma_start3A_259] : memref<5120x128xf32, #tpu.memory_space<vmem_shared>> -> memref<5120x128xf32, #tpu.memory_space<vmem_shared>>
      tpu.enqueue_indirect_dma source(%arg10 : memref<32x128xf32, #tpu.memory_space<vmem>>) target(%dma_start3A_260 : memref<5120x128xf32, #tpu.memory_space<vmem_shared>>) offsets(%dma_start3A_257 : memref<32xi32, #tpu.memory_space<vmem>>) semaphore(%arg18 : memref<!tpu.dma_semaphore, #tpu.memory_space<semaphore_mem>>) {add = true}
      %add3A_261 = arith.constant 3 : i32
      %add3A_262 = arith.addi %add3A_155, %add3A_261 : i32
      %dma_wait3A_263 = arith.constant 1 : i32
      %dma_wait3A_264 = arith.constant 0 : i32
      %dma_wait3A_265 = tpu.memref_slice %arg7[%dma_wait3A_263, %dma_wait3A_264] : memref<2x32xi32, #tpu.memory_space<vmem>> -> memref<1x32xi32, #tpu.memory_space<vmem>>
      %dma_wait3A_266 = tpu.memref_squeeze %dma_wait3A_265 : memref<1x32xi32, #tpu.memory_space<vmem>> -> memref<32xi32, #tpu.memory_space<vmem>>
      %dma_wait3A_267 = arith.constant 0 : i32
      %dma_wait3A_268 = arith.constant 0 : i32
      %dma_wait3A_269 = tpu.memref_slice %arg13[%dma_wait3A_267, %dma_wait3A_268] : memref<5120x128xf32, #tpu.memory_space<vmem_shared>> -> memref<5120x128xf32, #tpu.memory_space<vmem_shared>>
      tpu.wait_indirect_dma semaphore(%arg19 : memref<!tpu.dma_semaphore, #tpu.memory_space<semaphore_mem>>) src(%arg11 : memref<32x128xf32, #tpu.memory_space<vmem>>) dst(%dma_wait3A_269 : memref<5120x128xf32, #tpu.memory_space<vmem_shared>>)
      %add3A_270 = arith.constant 2 : i32
      %add3A_271 = arith.addi %add3A_262, %add3A_270 : i32
      %dma_start3A_272 = arith.constant 0 : i32
      %dma_start3A_273 = arith.constant 0 : i32
      %dma_start3A_274 = tpu.memref_slice %arg3[%arg0, %arg1, %add3A_271, %dma_start3A_272, %dma_start3A_273] : memref<2x16x640x2x32xi32, #tpu.memory_space<hbm>> -> memref<1x1x1x2x32xi32, #tpu.memory_space<hbm>>
      %dma_start3A_275 = tpu.memref_squeeze %dma_start3A_274 : memref<1x1x1x2x32xi32, #tpu.memory_space<hbm>> -> memref<2x32xi32, #tpu.memory_space<hbm>>
      %dma_start3A_276 = arith.constant 0 : i32
      %dma_start3A_277 = arith.constant 0 : i32
      %dma_start3A_278 = tpu.memref_slice %arg3[%arg0, %arg1, %add3A_271, %dma_start3A_276, %dma_start3A_277] : memref<2x16x640x2x32xi32, #tpu.memory_space<hbm>> -> memref<1x1x1x2x32xi32, #tpu.memory_space<hbm>>
      %dma_start3A_279 = tpu.memref_squeeze %dma_start3A_278 : memref<1x1x1x2x32xi32, #tpu.memory_space<hbm>> -> memref<2x32xi32, #tpu.memory_space<hbm>>
      tpu.enqueue_dma source(%dma_start3A_279 : memref<2x32xi32, #tpu.memory_space<hbm>>) target(%arg9 : memref<2x32xi32, #tpu.memory_space<vmem>>) target_semaphore(%arg17 : memref<!tpu.dma_semaphore, #tpu.memory_space<semaphore_mem>>)
      %dma_wait3A_280 = arith.constant 0 : i32
      %dma_wait3A_281 = arith.constant 0 : i32
      %dma_wait3A_282 = tpu.memref_slice %arg3[%arg0, %arg1, %add3A_262, %dma_wait3A_280, %dma_wait3A_281] : memref<2x16x640x2x32xi32, #tpu.memory_space<hbm>> -> memref<1x1x1x2x32xi32, #tpu.memory_space<hbm>>
      %dma_wait3A_283 = tpu.memref_squeeze %dma_wait3A_282 : memref<1x1x1x2x32xi32, #tpu.memory_space<hbm>> -> memref<2x32xi32, #tpu.memory_space<hbm>>
      %dma_wait3A_284 = arith.constant 0 : i32
      %dma_wait3A_285 = arith.constant 0 : i32
      %dma_wait3A_286 = tpu.memref_slice %arg3[%arg0, %arg1, %add3A_262, %dma_wait3A_284, %dma_wait3A_285] : memref<2x16x640x2x32xi32, #tpu.memory_space<hbm>> -> memref<1x1x1x2x32xi32, #tpu.memory_space<hbm>>
      %dma_wait3A_287 = tpu.memref_squeeze %dma_wait3A_286 : memref<1x1x1x2x32xi32, #tpu.memory_space<hbm>> -> memref<2x32xi32, #tpu.memory_space<hbm>>
      tpu.wait_dma2 semaphore(%arg15 : memref<!tpu.dma_semaphore, #tpu.memory_space<semaphore_mem>>) src(%dma_wait3A_287 : memref<2x32xi32, #tpu.memory_space<hbm>>) dst(%arg7 : memref<2x32xi32, #tpu.memory_space<vmem>>)
      %run_scoped3A_288 = arith.constant 0 : i32
      "tpu.region"() ({
        %run_scoped3A_296 = tpu.sem_alloc : memref<!tpu.dma_semaphore, #tpu.memory_space<semaphore_mem>>
        %dma_start3A_297 = arith.constant 0 : i32
        %dma_start3A_298 = tpu.memref_slice %arg7[%run_scoped3A_288, %dma_start3A_297] : memref<2x32xi32, #tpu.memory_space<vmem>> -> memref<1x32xi32, #tpu.memory_space<vmem>>
        %dma_start3A_299 = tpu.memref_squeeze %dma_start3A_298 : memref<1x32xi32, #tpu.memory_space<vmem>> -> memref<32xi32, #tpu.memory_space<vmem>>
        %dma_start3A_300 = arith.constant 0 : i32
        %dma_start3A_301 = arith.constant 0 : i32
        %dma_start3A_302 = tpu.memref_slice %arg12[%dma_start3A_300, %dma_start3A_301] : memref<10048x128xf32, #tpu.memory_space<vmem_shared>> -> memref<10048x128xf32, #tpu.memory_space<vmem_shared>>
        tpu.enqueue_indirect_dma source(%dma_start3A_302 : memref<10048x128xf32, #tpu.memory_space<vmem_shared>>) target(%arg11 : memref<32x128xf32, #tpu.memory_space<vmem>>) offsets(%dma_start3A_299 : memref<32xi32, #tpu.memory_space<vmem>>) semaphore(%run_scoped3A_296 : memref<!tpu.dma_semaphore, #tpu.memory_space<semaphore_mem>>)
        %dma_wait3A_303 = arith.constant 0 : i32
        %dma_wait3A_304 = tpu.memref_slice %arg7[%run_scoped3A_288, %dma_wait3A_303] : memref<2x32xi32, #tpu.memory_space<vmem>> -> memref<1x32xi32, #tpu.memory_space<vmem>>
        %dma_wait3A_305 = tpu.memref_squeeze %dma_wait3A_304 : memref<1x32xi32, #tpu.memory_space<vmem>> -> memref<32xi32, #tpu.memory_space<vmem>>
        %dma_wait3A_306 = arith.constant 0 : i32
        %dma_wait3A_307 = arith.constant 0 : i32
        %dma_wait3A_308 = tpu.memref_slice %arg12[%dma_wait3A_306, %dma_wait3A_307] : memref<10048x128xf32, #tpu.memory_space<vmem_shared>> -> memref<10048x128xf32, #tpu.memory_space<vmem_shared>>
        tpu.wait_indirect_dma semaphore(%run_scoped3A_296 : memref<!tpu.dma_semaphore, #tpu.memory_space<semaphore_mem>>) src(%dma_wait3A_308 : memref<10048x128xf32, #tpu.memory_space<vmem_shared>>) dst(%arg11 : memref<32x128xf32, #tpu.memory_space<vmem>>)
        tpu.yield
      }) : () -> ()
      %dma_start3A_289 = arith.constant 1 : i32
      %dma_start3A_290 = arith.constant 0 : i32
      %dma_start3A_291 = tpu.memref_slice %arg7[%dma_start3A_289, %dma_start3A_290] : memref<2x32xi32, #tpu.memory_space<vmem>> -> memref<1x32xi32, #tpu.memory_space<vmem>>
      %dma_start3A_292 = tpu.memref_squeeze %dma_start3A_291 : memref<1x32xi32, #tpu.memory_space<vmem>> -> memref<32xi32, #tpu.memory_space<vmem>>
      %dma_start3A_293 = arith.constant 0 : i32
      %dma_start3A_294 = arith.constant 0 : i32
      %dma_start3A_295 = tpu.memref_slice %arg13[%dma_start3A_293, %dma_start3A_294] : memref<5120x128xf32, #tpu.memory_space<vmem_shared>> -> memref<5120x128xf32, #tpu.memory_space<vmem_shared>>
      tpu.enqueue_indirect_dma source(%arg11 : memref<32x128xf32, #tpu.memory_space<vmem>>) target(%dma_start3A_295 : memref<5120x128xf32, #tpu.memory_space<vmem_shared>>) offsets(%dma_start3A_292 : memref<32xi32, #tpu.memory_space<vmem>>) semaphore(%arg19 : memref<!tpu.dma_semaphore, #tpu.memory_space<semaphore_mem>>) {add = true}
    }
    %scan3A_83 = arith.constant 159 : i32
    %dma_wait3A_84 = arith.constant 1 : i32
    %dma_wait3A_85 = arith.constant 0 : i32
    %dma_wait3A_86 = tpu.memref_slice %arg8[%dma_wait3A_84, %dma_wait3A_85] : memref<2x32xi32, #tpu.memory_space<vmem>> -> memref<1x32xi32, #tpu.memory_space<vmem>>
    %dma_wait3A_87 = tpu.memref_squeeze %dma_wait3A_86 : memref<1x32xi32, #tpu.memory_space<vmem>> -> memref<32xi32, #tpu.memory_space<vmem>>
    %dma_wait3A_88 = arith.constant 0 : i32
    %dma_wait3A_89 = arith.constant 0 : i32
    %dma_wait3A_90 = tpu.memref_slice %arg13[%dma_wait3A_88, %dma_wait3A_89] : memref<5120x128xf32, #tpu.memory_space<vmem_shared>> -> memref<5120x128xf32, #tpu.memory_space<vmem_shared>>
    tpu.wait_indirect_dma semaphore(%arg18 : memref<!tpu.dma_semaphore, #tpu.memory_space<semaphore_mem>>) src(%arg10 : memref<32x128xf32, #tpu.memory_space<vmem>>) dst(%dma_wait3A_90 : memref<5120x128xf32, #tpu.memory_space<vmem_shared>>)
    %dma_wait3A_91 = arith.constant 638 : i32
    %dma_wait3A_92 = arith.constant 0 : i32
    %dma_wait3A_93 = arith.constant 0 : i32
    %dma_wait3A_94 = tpu.memref_slice %arg3[%arg0, %arg1, %dma_wait3A_91, %dma_wait3A_92, %dma_wait3A_93] : memref<2x16x640x2x32xi32, #tpu.memory_space<hbm>> -> memref<1x1x1x2x32xi32, #tpu.memory_space<hbm>>
    %dma_wait3A_95 = tpu.memref_squeeze %dma_wait3A_94 : memref<1x1x1x2x32xi32, #tpu.memory_space<hbm>> -> memref<2x32xi32, #tpu.memory_space<hbm>>
    %dma_wait3A_96 = arith.constant 0 : i32
    %dma_wait3A_97 = arith.constant 0 : i32
    %dma_wait3A_98 = tpu.memref_slice %arg3[%arg0, %arg1, %dma_wait3A_91, %dma_wait3A_96, %dma_wait3A_97] : memref<2x16x640x2x32xi32, #tpu.memory_space<hbm>> -> memref<1x1x1x2x32xi32, #tpu.memory_space<hbm>>
    %dma_wait3A_99 = tpu.memref_squeeze %dma_wait3A_98 : memref<1x1x1x2x32xi32, #tpu.memory_space<hbm>> -> memref<2x32xi32, #tpu.memory_space<hbm>>
    tpu.wait_dma2 semaphore(%arg16 : memref<!tpu.dma_semaphore, #tpu.memory_space<semaphore_mem>>) src(%dma_wait3A_99 : memref<2x32xi32, #tpu.memory_space<hbm>>) dst(%arg8 : memref<2x32xi32, #tpu.memory_space<vmem>>)
    %run_scoped3A_100 = arith.constant 0 : i32
    "tpu.region"() ({
      %run_scoped3A_153 = tpu.sem_alloc : memref<!tpu.dma_semaphore, #tpu.memory_space<semaphore_mem>>
      %dma_start3A_154 = arith.constant 0 : i32
      %dma_start3A_155 = tpu.memref_slice %arg8[%run_scoped3A_100, %dma_start3A_154] : memref<2x32xi32, #tpu.memory_space<vmem>> -> memref<1x32xi32, #tpu.memory_space<vmem>>
      %dma_start3A_156 = tpu.memref_squeeze %dma_start3A_155 : memref<1x32xi32, #tpu.memory_space<vmem>> -> memref<32xi32, #tpu.memory_space<vmem>>
      %dma_start3A_157 = arith.constant 0 : i32
      %dma_start3A_158 = arith.constant 0 : i32
      %dma_start3A_159 = tpu.memref_slice %arg12[%dma_start3A_157, %dma_start3A_158] : memref<10048x128xf32, #tpu.memory_space<vmem_shared>> -> memref<10048x128xf32, #tpu.memory_space<vmem_shared>>
      tpu.enqueue_indirect_dma source(%dma_start3A_159 : memref<10048x128xf32, #tpu.memory_space<vmem_shared>>) target(%arg10 : memref<32x128xf32, #tpu.memory_space<vmem>>) offsets(%dma_start3A_156 : memref<32xi32, #tpu.memory_space<vmem>>) semaphore(%run_scoped3A_153 : memref<!tpu.dma_semaphore, #tpu.memory_space<semaphore_mem>>)
      %dma_wait3A_160 = arith.constant 0 : i32
      %dma_wait3A_161 = tpu.memref_slice %arg8[%run_scoped3A_100, %dma_wait3A_160] : memref<2x32xi32, #tpu.memory_space<vmem>> -> memref<1x32xi32, #tpu.memory_space<vmem>>
      %dma_wait3A_162 = tpu.memref_squeeze %dma_wait3A_161 : memref<1x32xi32, #tpu.memory_space<vmem>> -> memref<32xi32, #tpu.memory_space<vmem>>
      %dma_wait3A_163 = arith.constant 0 : i32
      %dma_wait3A_164 = arith.constant 0 : i32
      %dma_wait3A_165 = tpu.memref_slice %arg12[%dma_wait3A_163, %dma_wait3A_164] : memref<10048x128xf32, #tpu.memory_space<vmem_shared>> -> memref<10048x128xf32, #tpu.memory_space<vmem_shared>>
      tpu.wait_indirect_dma semaphore(%run_scoped3A_153 : memref<!tpu.dma_semaphore, #tpu.memory_space<semaphore_mem>>) src(%dma_wait3A_165 : memref<10048x128xf32, #tpu.memory_space<vmem_shared>>) dst(%arg10 : memref<32x128xf32, #tpu.memory_space<vmem>>)
      tpu.yield
    }) : () -> ()
    %dma_start3A_101 = arith.constant 1 : i32
    %dma_start3A_102 = arith.constant 0 : i32
    %dma_start3A_103 = tpu.memref_slice %arg8[%dma_start3A_101, %dma_start3A_102] : memref<2x32xi32, #tpu.memory_space<vmem>> -> memref<1x32xi32, #tpu.memory_space<vmem>>
    %dma_start3A_104 = tpu.memref_squeeze %dma_start3A_103 : memref<1x32xi32, #tpu.memory_space<vmem>> -> memref<32xi32, #tpu.memory_space<vmem>>
    %dma_start3A_105 = arith.constant 0 : i32
    %dma_start3A_106 = arith.constant 0 : i32
    %dma_start3A_107 = tpu.memref_slice %arg13[%dma_start3A_105, %dma_start3A_106] : memref<5120x128xf32, #tpu.memory_space<vmem_shared>> -> memref<5120x128xf32, #tpu.memory_space<vmem_shared>>
    tpu.enqueue_indirect_dma source(%arg10 : memref<32x128xf32, #tpu.memory_space<vmem>>) target(%dma_start3A_107 : memref<5120x128xf32, #tpu.memory_space<vmem_shared>>) offsets(%dma_start3A_104 : memref<32xi32, #tpu.memory_space<vmem>>) semaphore(%arg18 : memref<!tpu.dma_semaphore, #tpu.memory_space<semaphore_mem>>) {add = true}
    %dma_wait3A_108 = arith.constant 1 : i32
    %dma_wait3A_109 = arith.constant 0 : i32
    %dma_wait3A_110 = tpu.memref_slice %arg9[%dma_wait3A_108, %dma_wait3A_109] : memref<2x32xi32, #tpu.memory_space<vmem>> -> memref<1x32xi32, #tpu.memory_space<vmem>>
    %dma_wait3A_111 = tpu.memref_squeeze %dma_wait3A_110 : memref<1x32xi32, #tpu.memory_space<vmem>> -> memref<32xi32, #tpu.memory_space<vmem>>
    %dma_wait3A_112 = arith.constant 0 : i32
    %dma_wait3A_113 = arith.constant 0 : i32
    %dma_wait3A_114 = tpu.memref_slice %arg13[%dma_wait3A_112, %dma_wait3A_113] : memref<5120x128xf32, #tpu.memory_space<vmem_shared>> -> memref<5120x128xf32, #tpu.memory_space<vmem_shared>>
    tpu.wait_indirect_dma semaphore(%arg19 : memref<!tpu.dma_semaphore, #tpu.memory_space<semaphore_mem>>) src(%arg11 : memref<32x128xf32, #tpu.memory_space<vmem>>) dst(%dma_wait3A_114 : memref<5120x128xf32, #tpu.memory_space<vmem_shared>>)
    %dma_wait3A_115 = arith.constant 639 : i32
    %dma_wait3A_116 = arith.constant 0 : i32
    %dma_wait3A_117 = arith.constant 0 : i32
    %dma_wait3A_118 = tpu.memref_slice %arg3[%arg0, %arg1, %dma_wait3A_115, %dma_wait3A_116, %dma_wait3A_117] : memref<2x16x640x2x32xi32, #tpu.memory_space<hbm>> -> memref<1x1x1x2x32xi32, #tpu.memory_space<hbm>>
    %dma_wait3A_119 = tpu.memref_squeeze %dma_wait3A_118 : memref<1x1x1x2x32xi32, #tpu.memory_space<hbm>> -> memref<2x32xi32, #tpu.memory_space<hbm>>
    %dma_wait3A_120 = arith.constant 0 : i32
    %dma_wait3A_121 = arith.constant 0 : i32
    %dma_wait3A_122 = tpu.memref_slice %arg3[%arg0, %arg1, %dma_wait3A_115, %dma_wait3A_120, %dma_wait3A_121] : memref<2x16x640x2x32xi32, #tpu.memory_space<hbm>> -> memref<1x1x1x2x32xi32, #tpu.memory_space<hbm>>
    %dma_wait3A_123 = tpu.memref_squeeze %dma_wait3A_122 : memref<1x1x1x2x32xi32, #tpu.memory_space<hbm>> -> memref<2x32xi32, #tpu.memory_space<hbm>>
    tpu.wait_dma2 semaphore(%arg17 : memref<!tpu.dma_semaphore, #tpu.memory_space<semaphore_mem>>) src(%dma_wait3A_123 : memref<2x32xi32, #tpu.memory_space<hbm>>) dst(%arg9 : memref<2x32xi32, #tpu.memory_space<vmem>>)
    %run_scoped3A_124 = arith.constant 0 : i32
    "tpu.region"() ({
      %run_scoped3A_153 = tpu.sem_alloc : memref<!tpu.dma_semaphore, #tpu.memory_space<semaphore_mem>>
      %dma_start3A_154 = arith.constant 0 : i32
      %dma_start3A_155 = tpu.memref_slice %arg9[%run_scoped3A_124, %dma_start3A_154] : memref<2x32xi32, #tpu.memory_space<vmem>> -> memref<1x32xi32, #tpu.memory_space<vmem>>
      %dma_start3A_156 = tpu.memref_squeeze %dma_start3A_155 : memref<1x32xi32, #tpu.memory_space<vmem>> -> memref<32xi32, #tpu.memory_space<vmem>>
      %dma_start3A_157 = arith.constant 0 : i32
      %dma_start3A_158 = arith.constant 0 : i32
      %dma_start3A_159 = tpu.memref_slice %arg12[%dma_start3A_157, %dma_start3A_158] : memref<10048x128xf32, #tpu.memory_space<vmem_shared>> -> memref<10048x128xf32, #tpu.memory_space<vmem_shared>>
      tpu.enqueue_indirect_dma source(%dma_start3A_159 : memref<10048x128xf32, #tpu.memory_space<vmem_shared>>) target(%arg11 : memref<32x128xf32, #tpu.memory_space<vmem>>) offsets(%dma_start3A_156 : memref<32xi32, #tpu.memory_space<vmem>>) semaphore(%run_scoped3A_153 : memref<!tpu.dma_semaphore, #tpu.memory_space<semaphore_mem>>)
      %dma_wait3A_160 = arith.constant 0 : i32
      %dma_wait3A_161 = tpu.memref_slice %arg9[%run_scoped3A_124, %dma_wait3A_160] : memref<2x32xi32, #tpu.memory_space<vmem>> -> memref<1x32xi32, #tpu.memory_space<vmem>>
      %dma_wait3A_162 = tpu.memref_squeeze %dma_wait3A_161 : memref<1x32xi32, #tpu.memory_space<vmem>> -> memref<32xi32, #tpu.memory_space<vmem>>
      %dma_wait3A_163 = arith.constant 0 : i32
      %dma_wait3A_164 = arith.constant 0 : i32
      %dma_wait3A_165 = tpu.memref_slice %arg12[%dma_wait3A_163, %dma_wait3A_164] : memref<10048x128xf32, #tpu.memory_space<vmem_shared>> -> memref<10048x128xf32, #tpu.memory_space<vmem_shared>>
      tpu.wait_indirect_dma semaphore(%run_scoped3A_153 : memref<!tpu.dma_semaphore, #tpu.memory_space<semaphore_mem>>) src(%dma_wait3A_165 : memref<10048x128xf32, #tpu.memory_space<vmem_shared>>) dst(%arg11 : memref<32x128xf32, #tpu.memory_space<vmem>>)
      tpu.yield
    }) : () -> ()
    %dma_start3A_125 = arith.constant 1 : i32
    %dma_start3A_126 = arith.constant 0 : i32
    %dma_start3A_127 = tpu.memref_slice %arg9[%dma_start3A_125, %dma_start3A_126] : memref<2x32xi32, #tpu.memory_space<vmem>> -> memref<1x32xi32, #tpu.memory_space<vmem>>
    %dma_start3A_128 = tpu.memref_squeeze %dma_start3A_127 : memref<1x32xi32, #tpu.memory_space<vmem>> -> memref<32xi32, #tpu.memory_space<vmem>>
    %dma_start3A_129 = arith.constant 0 : i32
    %dma_start3A_130 = arith.constant 0 : i32
    %dma_start3A_131 = tpu.memref_slice %arg13[%dma_start3A_129, %dma_start3A_130] : memref<5120x128xf32, #tpu.memory_space<vmem_shared>> -> memref<5120x128xf32, #tpu.memory_space<vmem_shared>>
    tpu.enqueue_indirect_dma source(%arg11 : memref<32x128xf32, #tpu.memory_space<vmem>>) target(%dma_start3A_131 : memref<5120x128xf32, #tpu.memory_space<vmem_shared>>) offsets(%dma_start3A_128 : memref<32xi32, #tpu.memory_space<vmem>>) semaphore(%arg19 : memref<!tpu.dma_semaphore, #tpu.memory_space<semaphore_mem>>) {add = true}
    %dma_wait3A_132 = arith.constant 1 : i32
    %dma_wait3A_133 = arith.constant 0 : i32
    %dma_wait3A_134 = tpu.memref_slice %arg8[%dma_wait3A_132, %dma_wait3A_133] : memref<2x32xi32, #tpu.memory_space<vmem>> -> memref<1x32xi32, #tpu.memory_space<vmem>>
    %dma_wait3A_135 = tpu.memref_squeeze %dma_wait3A_134 : memref<1x32xi32, #tpu.memory_space<vmem>> -> memref<32xi32, #tpu.memory_space<vmem>>
    %dma_wait3A_136 = arith.constant 0 : i32
    %dma_wait3A_137 = arith.constant 0 : i32
    %dma_wait3A_138 = tpu.memref_slice %arg13[%dma_wait3A_136, %dma_wait3A_137] : memref<5120x128xf32, #tpu.memory_space<vmem_shared>> -> memref<5120x128xf32, #tpu.memory_space<vmem_shared>>
    tpu.wait_indirect_dma semaphore(%arg18 : memref<!tpu.dma_semaphore, #tpu.memory_space<semaphore_mem>>) src(%arg10 : memref<32x128xf32, #tpu.memory_space<vmem>>) dst(%dma_wait3A_138 : memref<5120x128xf32, #tpu.memory_space<vmem_shared>>)
    %dma_wait3A_139 = arith.constant 1 : i32
    %dma_wait3A_140 = arith.constant 0 : i32
    %dma_wait3A_141 = tpu.memref_slice %arg9[%dma_wait3A_139, %dma_wait3A_140] : memref<2x32xi32, #tpu.memory_space<vmem>> -> memref<1x32xi32, #tpu.memory_space<vmem>>
    %dma_wait3A_142 = tpu.memref_squeeze %dma_wait3A_141 : memref<1x32xi32, #tpu.memory_space<vmem>> -> memref<32xi32, #tpu.memory_space<vmem>>
    %dma_wait3A_143 = arith.constant 0 : i32
    %dma_wait3A_144 = arith.constant 0 : i32
    %dma_wait3A_145 = tpu.memref_slice %arg13[%dma_wait3A_143, %dma_wait3A_144] : memref<5120x128xf32, #tpu.memory_space<vmem_shared>> -> memref<5120x128xf32, #tpu.memory_space<vmem_shared>>
    tpu.wait_indirect_dma semaphore(%arg19 : memref<!tpu.dma_semaphore, #tpu.memory_space<semaphore_mem>>) src(%arg11 : memref<32x128xf32, #tpu.memory_space<vmem>>) dst(%dma_wait3A_145 : memref<5120x128xf32, #tpu.memory_space<vmem_shared>>)
    %barrier3A_146 = arith.constant 0 : index
    tpu.barrier barrier_id(%barrier3A_146)
    %scan3A_147 = arith.constant 0 : i32
    %scan3A_148 = arith.constant 0 : i32
    %scan3A_149 = arith.constant 5 : i32
    %scan3A_150 = arith.addi %scan3A_148, %scan3A_149 : i32
    %scan3A_151 = arith.constant 1 : i32
    scf.for %scan3A_153 = %scan3A_148 to %scan3A_150 step %scan3A_151  : i32 {
      %mul3A = arith.constant 320 : i32
      %mul3A_154 = arith.muli %arg1, %mul3A : i32
      %mul3A_155 = arith.constant 64 : i32
      %mul3A_156 = arith.muli %scan3A_153, %mul3A_155 : i32
      %add3A = arith.addi %mul3A_154, %mul3A_156 : i32
      "tpu.region"() ({
        %run_scoped3A_157 = tpu.sem_alloc : memref<!tpu.dma_semaphore, #tpu.memory_space<semaphore_mem>>
        %dma_start3A_158 = arith.constant 0 : i32
        %dma_start3A_159 = tpu.memref_slice %arg5[%arg0, %add3A, %dma_start3A_158] : memref<2x5120x128xf32, #tpu.memory_space<hbm>> -> memref<1x64x128xf32, #tpu.memory_space<hbm>>
        %dma_start3A_160 = tpu.memref_squeeze %dma_start3A_159 : memref<1x64x128xf32, #tpu.memory_space<hbm>> -> memref<64x128xf32, #tpu.memory_space<hbm>>
        %dma_start3A_161 = arith.constant 0 : i32
        %dma_start3A_162 = tpu.memref_slice %arg13[%add3A, %dma_start3A_161] : memref<5120x128xf32, #tpu.memory_space<vmem_shared>> -> memref<64x128xf32, #tpu.memory_space<vmem_shared>>
        tpu.enqueue_dma source(%dma_start3A_162 : memref<64x128xf32, #tpu.memory_space<vmem_shared>>) target(%dma_start3A_160 : memref<64x128xf32, #tpu.memory_space<hbm>>) target_semaphore(%run_scoped3A_157 : memref<!tpu.dma_semaphore, #tpu.memory_space<semaphore_mem>>)
        %dma_wait3A_163 = arith.constant 0 : i32
        %dma_wait3A_164 = tpu.memref_slice %arg5[%arg0, %add3A, %dma_wait3A_163] : memref<2x5120x128xf32, #tpu.memory_space<hbm>> -> memref<1x64x128xf32, #tpu.memory_space<hbm>>
        %dma_wait3A_165 = tpu.memref_squeeze %dma_wait3A_164 : memref<1x64x128xf32, #tpu.memory_space<hbm>> -> memref<64x128xf32, #tpu.memory_space<hbm>>
        %dma_wait3A_166 = arith.constant 0 : i32
        %dma_wait3A_167 = tpu.memref_slice %arg13[%add3A, %dma_wait3A_166] : memref<5120x128xf32, #tpu.memory_space<vmem_shared>> -> memref<64x128xf32, #tpu.memory_space<vmem_shared>>
        tpu.wait_dma2 semaphore(%run_scoped3A_157 : memref<!tpu.dma_semaphore, #tpu.memory_space<semaphore_mem>>) src(%dma_wait3A_167 : memref<64x128xf32, #tpu.memory_space<vmem_shared>>) dst(%dma_wait3A_165 : memref<64x128xf32, #tpu.memory_space<hbm>>)
        tpu.yield
      }) : () -> ()
    }
    %scan3A_152 = arith.constant 5 : i32
    return
  }
}

#map = affine_map<(d0, d1) -> (0, 0)>
#map1 = affine_map<(d0, d1) -> (0, 0, 0)>
module attributes {stable_mosaic.version = 14 : i64} {
  func.func @_deg_body(%arg0: i32, %arg1: i32, %arg2: memref<128x128xf32, #tpu.memory_space<hbm>>, %arg3: memref<32x80x128xi32, #tpu.memory_space<hbm>>, %arg4: memref<10240x128xf32, #tpu.memory_space<hbm>>, %arg5: memref<2x10240x128xf32, #tpu.memory_space<hbm>>, %arg6: memref<80x128xi32, #tpu.memory_space<vmem>>, %arg7: memref<128x128xf32, #tpu.memory_space<vmem>>, %arg8: memref<10240x128xf32, #tpu.memory_space<vmem_shared>>, %arg9: memref<!tpu.dma_semaphore, #tpu.memory_space<semaphore_mem>>) attributes {dimension_semantics = [#tpu.dimension_semantics<core_parallel>, #tpu.dimension_semantics<subcore_parallel>], iteration_bounds = array<i64: 2, 16>, scalar_prefetch = 0 : i64, scratch_operands = 4 : i64, tpu.core_type = #tpu.core_type<sc_vector_subcore>, window_params = [{transform_indices = #map}, {transform_indices = #map1}, {transform_indices = #map}, {transform_indices = #map1}]} {
    %mul3A = arith.constant 2 : i32
    %mul3A_0 = arith.muli %arg1, %mul3A : i32
    %add3A = arith.addi %mul3A_0, %arg0 : i32
    "tpu.region"() ({
      %run_scoped3A = tpu.sem_alloc : memref<!tpu.dma_semaphore, #tpu.memory_space<semaphore_mem>>
      tpu.enqueue_dma source(%arg2 : memref<128x128xf32, #tpu.memory_space<hbm>>) target(%arg7 : memref<128x128xf32, #tpu.memory_space<vmem>>) target_semaphore(%run_scoped3A : memref<!tpu.dma_semaphore, #tpu.memory_space<semaphore_mem>>)
      tpu.wait_dma2 semaphore(%run_scoped3A : memref<!tpu.dma_semaphore, #tpu.memory_space<semaphore_mem>>) src(%arg2 : memref<128x128xf32, #tpu.memory_space<hbm>>) dst(%arg7 : memref<128x128xf32, #tpu.memory_space<vmem>>)
      tpu.yield
    }) : () -> ()
    %mul3A_1 = arith.constant 640 : i32
    %mul3A_2 = arith.muli %arg1, %mul3A_1 : i32
    %mul3A_3 = arith.constant 640 : i32
    %mul3A_4 = arith.muli %arg1, %mul3A_3 : i32
    "tpu.region"() ({
      %run_scoped3A = tpu.sem_alloc : memref<!tpu.dma_semaphore, #tpu.memory_space<semaphore_mem>>
      %dma_start3A = arith.constant 0 : i32
      %dma_start3A_15 = tpu.memref_slice %arg8[%mul3A_4, %dma_start3A] : memref<10240x128xf32, #tpu.memory_space<vmem_shared>> -> memref<640x128xf32, #tpu.memory_space<vmem_shared>>
      %dma_start3A_16 = arith.constant 0 : i32
      %dma_start3A_17 = tpu.memref_slice %arg4[%mul3A_2, %dma_start3A_16] : memref<10240x128xf32, #tpu.memory_space<hbm>> -> memref<640x128xf32, #tpu.memory_space<hbm>>
      tpu.enqueue_dma source(%dma_start3A_17 : memref<640x128xf32, #tpu.memory_space<hbm>>) target(%dma_start3A_15 : memref<640x128xf32, #tpu.memory_space<vmem_shared>>) target_semaphore(%run_scoped3A : memref<!tpu.dma_semaphore, #tpu.memory_space<semaphore_mem>>)
      %dma_wait3A = arith.constant 0 : i32
      %dma_wait3A_18 = tpu.memref_slice %arg8[%mul3A_4, %dma_wait3A] : memref<10240x128xf32, #tpu.memory_space<vmem_shared>> -> memref<640x128xf32, #tpu.memory_space<vmem_shared>>
      %dma_wait3A_19 = arith.constant 0 : i32
      %dma_wait3A_20 = tpu.memref_slice %arg4[%mul3A_2, %dma_wait3A_19] : memref<10240x128xf32, #tpu.memory_space<hbm>> -> memref<640x128xf32, #tpu.memory_space<hbm>>
      tpu.wait_dma2 semaphore(%run_scoped3A : memref<!tpu.dma_semaphore, #tpu.memory_space<semaphore_mem>>) src(%dma_wait3A_20 : memref<640x128xf32, #tpu.memory_space<hbm>>) dst(%dma_wait3A_18 : memref<640x128xf32, #tpu.memory_space<vmem_shared>>)
      tpu.yield
    }) : () -> ()
    %barrier3A = arith.constant 0 : index
    tpu.barrier barrier_id(%barrier3A)
    "tpu.region"() ({
      %run_scoped3A = tpu.sem_alloc : memref<!tpu.dma_semaphore, #tpu.memory_space<semaphore_mem>>
      %dma_start3A = arith.constant 0 : i32
      %dma_start3A_15 = arith.constant 0 : i32
      %dma_start3A_16 = tpu.memref_slice %arg3[%add3A, %dma_start3A, %dma_start3A_15] : memref<32x80x128xi32, #tpu.memory_space<hbm>> -> memref<1x80x128xi32, #tpu.memory_space<hbm>>
      %dma_start3A_17 = tpu.memref_squeeze %dma_start3A_16 : memref<1x80x128xi32, #tpu.memory_space<hbm>> -> memref<80x128xi32, #tpu.memory_space<hbm>>
      %dma_start3A_18 = arith.constant 0 : i32
      %dma_start3A_19 = arith.constant 0 : i32
      %dma_start3A_20 = tpu.memref_slice %arg3[%add3A, %dma_start3A_18, %dma_start3A_19] : memref<32x80x128xi32, #tpu.memory_space<hbm>> -> memref<1x80x128xi32, #tpu.memory_space<hbm>>
      %dma_start3A_21 = tpu.memref_squeeze %dma_start3A_20 : memref<1x80x128xi32, #tpu.memory_space<hbm>> -> memref<80x128xi32, #tpu.memory_space<hbm>>
      tpu.enqueue_dma source(%dma_start3A_21 : memref<80x128xi32, #tpu.memory_space<hbm>>) target(%arg6 : memref<80x128xi32, #tpu.memory_space<vmem>>) target_semaphore(%run_scoped3A : memref<!tpu.dma_semaphore, #tpu.memory_space<semaphore_mem>>)
      %dma_wait3A = arith.constant 0 : i32
      %dma_wait3A_22 = arith.constant 0 : i32
      %dma_wait3A_23 = tpu.memref_slice %arg3[%add3A, %dma_wait3A, %dma_wait3A_22] : memref<32x80x128xi32, #tpu.memory_space<hbm>> -> memref<1x80x128xi32, #tpu.memory_space<hbm>>
      %dma_wait3A_24 = tpu.memref_squeeze %dma_wait3A_23 : memref<1x80x128xi32, #tpu.memory_space<hbm>> -> memref<80x128xi32, #tpu.memory_space<hbm>>
      %dma_wait3A_25 = arith.constant 0 : i32
      %dma_wait3A_26 = arith.constant 0 : i32
      %dma_wait3A_27 = tpu.memref_slice %arg3[%add3A, %dma_wait3A_25, %dma_wait3A_26] : memref<32x80x128xi32, #tpu.memory_space<hbm>> -> memref<1x80x128xi32, #tpu.memory_space<hbm>>
      %dma_wait3A_28 = tpu.memref_squeeze %dma_wait3A_27 : memref<1x80x128xi32, #tpu.memory_space<hbm>> -> memref<80x128xi32, #tpu.memory_space<hbm>>
      tpu.wait_dma2 semaphore(%run_scoped3A : memref<!tpu.dma_semaphore, #tpu.memory_space<semaphore_mem>>) src(%dma_wait3A_28 : memref<80x128xi32, #tpu.memory_space<hbm>>) dst(%arg6 : memref<80x128xi32, #tpu.memory_space<vmem>>)
      tpu.yield
    }) : () -> ()
    %scan3A = arith.constant 0 : i32
    %scan3A_5 = arith.constant 0 : i32
    %scan3A_6 = arith.constant 20 : i32
    %scan3A_7 = arith.addi %scan3A_5, %scan3A_6 : i32
    %scan3A_8 = arith.constant 1 : i32
    scf.for %scan3A_15 = %scan3A_5 to %scan3A_7 step %scan3A_8  : i32 {
      %mul3A_16 = arith.constant 4 : i32
      %mul3A_17 = arith.muli %scan3A_15, %mul3A_16 : i32
      %add3A_18 = arith.constant 0 : i32
      %add3A_19 = arith.addi %mul3A_17, %add3A_18 : i32
      %dma_start3A = arith.constant 0 : i32
      %dma_start3A_20 = tpu.memref_slice %arg6[%add3A_19, %dma_start3A] : memref<80x128xi32, #tpu.memory_space<vmem>> -> memref<1x128xi32, #tpu.memory_space<vmem>>
      %dma_start3A_21 = tpu.memref_squeeze %dma_start3A_20 : memref<1x128xi32, #tpu.memory_space<vmem>> -> memref<128xi32, #tpu.memory_space<vmem>>
      %dma_start3A_22 = arith.constant 0 : i32
      %dma_start3A_23 = arith.constant 0 : i32
      %dma_start3A_24 = tpu.memref_slice %arg8[%dma_start3A_22, %dma_start3A_23] : memref<10240x128xf32, #tpu.memory_space<vmem_shared>> -> memref<10240x128xf32, #tpu.memory_space<vmem_shared>>
      tpu.enqueue_indirect_dma source(%arg7 : memref<128x128xf32, #tpu.memory_space<vmem>>) target(%dma_start3A_24 : memref<10240x128xf32, #tpu.memory_space<vmem_shared>>) offsets(%dma_start3A_21 : memref<128xi32, #tpu.memory_space<vmem>>) semaphore(%arg9 : memref<!tpu.dma_semaphore, #tpu.memory_space<semaphore_mem>>) {add = true}
      %mul3A_25 = arith.constant 4 : i32
      %mul3A_26 = arith.muli %scan3A_15, %mul3A_25 : i32
      %add3A_27 = arith.constant 1 : i32
      %add3A_28 = arith.addi %mul3A_26, %add3A_27 : i32
      %dma_start3A_29 = arith.constant 0 : i32
      %dma_start3A_30 = tpu.memref_slice %arg6[%add3A_28, %dma_start3A_29] : memref<80x128xi32, #tpu.memory_space<vmem>> -> memref<1x128xi32, #tpu.memory_space<vmem>>
      %dma_start3A_31 = tpu.memref_squeeze %dma_start3A_30 : memref<1x128xi32, #tpu.memory_space<vmem>> -> memref<128xi32, #tpu.memory_space<vmem>>
      %dma_start3A_32 = arith.constant 0 : i32
      %dma_start3A_33 = arith.constant 0 : i32
      %dma_start3A_34 = tpu.memref_slice %arg8[%dma_start3A_32, %dma_start3A_33] : memref<10240x128xf32, #tpu.memory_space<vmem_shared>> -> memref<10240x128xf32, #tpu.memory_space<vmem_shared>>
      tpu.enqueue_indirect_dma source(%arg7 : memref<128x128xf32, #tpu.memory_space<vmem>>) target(%dma_start3A_34 : memref<10240x128xf32, #tpu.memory_space<vmem_shared>>) offsets(%dma_start3A_31 : memref<128xi32, #tpu.memory_space<vmem>>) semaphore(%arg9 : memref<!tpu.dma_semaphore, #tpu.memory_space<semaphore_mem>>) {add = true}
      %mul3A_35 = arith.constant 4 : i32
      %mul3A_36 = arith.muli %scan3A_15, %mul3A_35 : i32
      %add3A_37 = arith.constant 2 : i32
      %add3A_38 = arith.addi %mul3A_36, %add3A_37 : i32
      %dma_start3A_39 = arith.constant 0 : i32
      %dma_start3A_40 = tpu.memref_slice %arg6[%add3A_38, %dma_start3A_39] : memref<80x128xi32, #tpu.memory_space<vmem>> -> memref<1x128xi32, #tpu.memory_space<vmem>>
      %dma_start3A_41 = tpu.memref_squeeze %dma_start3A_40 : memref<1x128xi32, #tpu.memory_space<vmem>> -> memref<128xi32, #tpu.memory_space<vmem>>
      %dma_start3A_42 = arith.constant 0 : i32
      %dma_start3A_43 = arith.constant 0 : i32
      %dma_start3A_44 = tpu.memref_slice %arg8[%dma_start3A_42, %dma_start3A_43] : memref<10240x128xf32, #tpu.memory_space<vmem_shared>> -> memref<10240x128xf32, #tpu.memory_space<vmem_shared>>
      tpu.enqueue_indirect_dma source(%arg7 : memref<128x128xf32, #tpu.memory_space<vmem>>) target(%dma_start3A_44 : memref<10240x128xf32, #tpu.memory_space<vmem_shared>>) offsets(%dma_start3A_41 : memref<128xi32, #tpu.memory_space<vmem>>) semaphore(%arg9 : memref<!tpu.dma_semaphore, #tpu.memory_space<semaphore_mem>>) {add = true}
      %mul3A_45 = arith.constant 4 : i32
      %mul3A_46 = arith.muli %scan3A_15, %mul3A_45 : i32
      %add3A_47 = arith.constant 3 : i32
      %add3A_48 = arith.addi %mul3A_46, %add3A_47 : i32
      %dma_start3A_49 = arith.constant 0 : i32
      %dma_start3A_50 = tpu.memref_slice %arg6[%add3A_48, %dma_start3A_49] : memref<80x128xi32, #tpu.memory_space<vmem>> -> memref<1x128xi32, #tpu.memory_space<vmem>>
      %dma_start3A_51 = tpu.memref_squeeze %dma_start3A_50 : memref<1x128xi32, #tpu.memory_space<vmem>> -> memref<128xi32, #tpu.memory_space<vmem>>
      %dma_start3A_52 = arith.constant 0 : i32
      %dma_start3A_53 = arith.constant 0 : i32
      %dma_start3A_54 = tpu.memref_slice %arg8[%dma_start3A_52, %dma_start3A_53] : memref<10240x128xf32, #tpu.memory_space<vmem_shared>> -> memref<10240x128xf32, #tpu.memory_space<vmem_shared>>
      tpu.enqueue_indirect_dma source(%arg7 : memref<128x128xf32, #tpu.memory_space<vmem>>) target(%dma_start3A_54 : memref<10240x128xf32, #tpu.memory_space<vmem_shared>>) offsets(%dma_start3A_51 : memref<128xi32, #tpu.memory_space<vmem>>) semaphore(%arg9 : memref<!tpu.dma_semaphore, #tpu.memory_space<semaphore_mem>>) {add = true}
      %mul3A_55 = arith.constant 4 : i32
      %mul3A_56 = arith.muli %scan3A_15, %mul3A_55 : i32
      %add3A_57 = arith.constant 0 : i32
      %add3A_58 = arith.addi %mul3A_56, %add3A_57 : i32
      %dma_wait3A = arith.constant 0 : i32
      %dma_wait3A_59 = tpu.memref_slice %arg6[%add3A_58, %dma_wait3A] : memref<80x128xi32, #tpu.memory_space<vmem>> -> memref<1x128xi32, #tpu.memory_space<vmem>>
      %dma_wait3A_60 = tpu.memref_squeeze %dma_wait3A_59 : memref<1x128xi32, #tpu.memory_space<vmem>> -> memref<128xi32, #tpu.memory_space<vmem>>
      %dma_wait3A_61 = arith.constant 0 : i32
      %dma_wait3A_62 = arith.constant 0 : i32
      %dma_wait3A_63 = tpu.memref_slice %arg8[%dma_wait3A_61, %dma_wait3A_62] : memref<10240x128xf32, #tpu.memory_space<vmem_shared>> -> memref<10240x128xf32, #tpu.memory_space<vmem_shared>>
      tpu.wait_indirect_dma semaphore(%arg9 : memref<!tpu.dma_semaphore, #tpu.memory_space<semaphore_mem>>) src(%arg7 : memref<128x128xf32, #tpu.memory_space<vmem>>) dst(%dma_wait3A_63 : memref<10240x128xf32, #tpu.memory_space<vmem_shared>>)
      %mul3A_64 = arith.constant 4 : i32
      %mul3A_65 = arith.muli %scan3A_15, %mul3A_64 : i32
      %add3A_66 = arith.constant 1 : i32
      %add3A_67 = arith.addi %mul3A_65, %add3A_66 : i32
      %dma_wait3A_68 = arith.constant 0 : i32
      %dma_wait3A_69 = tpu.memref_slice %arg6[%add3A_67, %dma_wait3A_68] : memref<80x128xi32, #tpu.memory_space<vmem>> -> memref<1x128xi32, #tpu.memory_space<vmem>>
      %dma_wait3A_70 = tpu.memref_squeeze %dma_wait3A_69 : memref<1x128xi32, #tpu.memory_space<vmem>> -> memref<128xi32, #tpu.memory_space<vmem>>
      %dma_wait3A_71 = arith.constant 0 : i32
      %dma_wait3A_72 = arith.constant 0 : i32
      %dma_wait3A_73 = tpu.memref_slice %arg8[%dma_wait3A_71, %dma_wait3A_72] : memref<10240x128xf32, #tpu.memory_space<vmem_shared>> -> memref<10240x128xf32, #tpu.memory_space<vmem_shared>>
      tpu.wait_indirect_dma semaphore(%arg9 : memref<!tpu.dma_semaphore, #tpu.memory_space<semaphore_mem>>) src(%arg7 : memref<128x128xf32, #tpu.memory_space<vmem>>) dst(%dma_wait3A_73 : memref<10240x128xf32, #tpu.memory_space<vmem_shared>>)
      %mul3A_74 = arith.constant 4 : i32
      %mul3A_75 = arith.muli %scan3A_15, %mul3A_74 : i32
      %add3A_76 = arith.constant 2 : i32
      %add3A_77 = arith.addi %mul3A_75, %add3A_76 : i32
      %dma_wait3A_78 = arith.constant 0 : i32
      %dma_wait3A_79 = tpu.memref_slice %arg6[%add3A_77, %dma_wait3A_78] : memref<80x128xi32, #tpu.memory_space<vmem>> -> memref<1x128xi32, #tpu.memory_space<vmem>>
      %dma_wait3A_80 = tpu.memref_squeeze %dma_wait3A_79 : memref<1x128xi32, #tpu.memory_space<vmem>> -> memref<128xi32, #tpu.memory_space<vmem>>
      %dma_wait3A_81 = arith.constant 0 : i32
      %dma_wait3A_82 = arith.constant 0 : i32
      %dma_wait3A_83 = tpu.memref_slice %arg8[%dma_wait3A_81, %dma_wait3A_82] : memref<10240x128xf32, #tpu.memory_space<vmem_shared>> -> memref<10240x128xf32, #tpu.memory_space<vmem_shared>>
      tpu.wait_indirect_dma semaphore(%arg9 : memref<!tpu.dma_semaphore, #tpu.memory_space<semaphore_mem>>) src(%arg7 : memref<128x128xf32, #tpu.memory_space<vmem>>) dst(%dma_wait3A_83 : memref<10240x128xf32, #tpu.memory_space<vmem_shared>>)
      %mul3A_84 = arith.constant 4 : i32
      %mul3A_85 = arith.muli %scan3A_15, %mul3A_84 : i32
      %add3A_86 = arith.constant 3 : i32
      %add3A_87 = arith.addi %mul3A_85, %add3A_86 : i32
      %dma_wait3A_88 = arith.constant 0 : i32
      %dma_wait3A_89 = tpu.memref_slice %arg6[%add3A_87, %dma_wait3A_88] : memref<80x128xi32, #tpu.memory_space<vmem>> -> memref<1x128xi32, #tpu.memory_space<vmem>>
      %dma_wait3A_90 = tpu.memref_squeeze %dma_wait3A_89 : memref<1x128xi32, #tpu.memory_space<vmem>> -> memref<128xi32, #tpu.memory_space<vmem>>
      %dma_wait3A_91 = arith.constant 0 : i32
      %dma_wait3A_92 = arith.constant 0 : i32
      %dma_wait3A_93 = tpu.memref_slice %arg8[%dma_wait3A_91, %dma_wait3A_92] : memref<10240x128xf32, #tpu.memory_space<vmem_shared>> -> memref<10240x128xf32, #tpu.memory_space<vmem_shared>>
      tpu.wait_indirect_dma semaphore(%arg9 : memref<!tpu.dma_semaphore, #tpu.memory_space<semaphore_mem>>) src(%arg7 : memref<128x128xf32, #tpu.memory_space<vmem>>) dst(%dma_wait3A_93 : memref<10240x128xf32, #tpu.memory_space<vmem_shared>>)
    }
    %scan3A_9 = arith.constant 20 : i32
    %barrier3A_10 = arith.constant 0 : index
    tpu.barrier barrier_id(%barrier3A_10)
    %mul3A_11 = arith.constant 640 : i32
    %mul3A_12 = arith.muli %arg1, %mul3A_11 : i32
    %mul3A_13 = arith.constant 640 : i32
    %mul3A_14 = arith.muli %arg1, %mul3A_13 : i32
    "tpu.region"() ({
      %run_scoped3A = tpu.sem_alloc : memref<!tpu.dma_semaphore, #tpu.memory_space<semaphore_mem>>
      %dma_start3A = arith.constant 0 : i32
      %dma_start3A_15 = tpu.memref_slice %arg5[%arg0, %mul3A_14, %dma_start3A] : memref<2x10240x128xf32, #tpu.memory_space<hbm>> -> memref<1x640x128xf32, #tpu.memory_space<hbm>>
      %dma_start3A_16 = tpu.memref_squeeze %dma_start3A_15 : memref<1x640x128xf32, #tpu.memory_space<hbm>> -> memref<640x128xf32, #tpu.memory_space<hbm>>
      %dma_start3A_17 = arith.constant 0 : i32
      %dma_start3A_18 = tpu.memref_slice %arg8[%mul3A_12, %dma_start3A_17] : memref<10240x128xf32, #tpu.memory_space<vmem_shared>> -> memref<640x128xf32, #tpu.memory_space<vmem_shared>>
      tpu.enqueue_dma source(%dma_start3A_18 : memref<640x128xf32, #tpu.memory_space<vmem_shared>>) target(%dma_start3A_16 : memref<640x128xf32, #tpu.memory_space<hbm>>) target_semaphore(%run_scoped3A : memref<!tpu.dma_semaphore, #tpu.memory_space<semaphore_mem>>)
      %dma_wait3A = arith.constant 0 : i32
      %dma_wait3A_19 = tpu.memref_slice %arg5[%arg0, %mul3A_14, %dma_wait3A] : memref<2x10240x128xf32, #tpu.memory_space<hbm>> -> memref<1x640x128xf32, #tpu.memory_space<hbm>>
      %dma_wait3A_20 = tpu.memref_squeeze %dma_wait3A_19 : memref<1x640x128xf32, #tpu.memory_space<hbm>> -> memref<640x128xf32, #tpu.memory_space<hbm>>
      %dma_wait3A_21 = arith.constant 0 : i32
      %dma_wait3A_22 = tpu.memref_slice %arg8[%mul3A_12, %dma_wait3A_21] : memref<10240x128xf32, #tpu.memory_space<vmem_shared>> -> memref<640x128xf32, #tpu.memory_space<vmem_shared>>
      tpu.wait_dma2 semaphore(%run_scoped3A : memref<!tpu.dma_semaphore, #tpu.memory_space<semaphore_mem>>) src(%dma_wait3A_22 : memref<640x128xf32, #tpu.memory_space<vmem_shared>>) dst(%dma_wait3A_20 : memref<640x128xf32, #tpu.memory_space<hbm>>)
      tpu.yield
    }) : () -> ()
    return
  }
}

module attributes {stable_mosaic.version = 14 : i64} {
  func.func @_tc1_body(%arg0: i32, %arg1: memref<2x512x128xf32, #tpu.memory_space<vmem>>, %arg2: memref<512x128xf32, #tpu.memory_space<vmem>>, %arg3: memref<128x128xf32, #tpu.memory_space<vmem>>, %arg4: memref<512x128xf32, #tpu.memory_space<vmem>>) attributes {dimension_semantics = [#tpu.dimension_semantics<arbitrary>], iteration_bounds = array<i64: 20>, scalar_prefetch = 0 : i64, scratch_operands = 0 : i64, tpu.core_type = #tpu.core_type<tc>, window_params = [{transform_indices = @transform_0, window_bounds = array<i64: 2, 512, 128>}, {transform_indices = @transform_1, window_bounds = array<i64: 512, 128>}, {pipeline_mode = #tpu.pipeline_mode<synchronous>, transform_indices = @transform_2, window_bounds = array<i64: 128, 128>}, {transform_indices = @transform_3, window_bounds = array<i64: 512, 128>}]} {
    %get3A = arith.constant 0 : index
    %get3A_0 = arith.constant 0 : index
    %get3A_1 = vector.load %arg2[%get3A, %get3A_0] : memref<512x128xf32, #tpu.memory_space<vmem>>, vector<512x128xf32>
    %get3A_2 = arith.constant 0 : index
    %get3A_3 = arith.constant 0 : index
    %get3A_4 = vector.load %arg3[%get3A_2, %get3A_3] : memref<128x128xf32, #tpu.memory_space<vmem>>, vector<128x128xf32>
    %dot_general3A = arith.constant dense<0.000000e+00> : vector<512x128xf32>
    %dot_general3A_5 = tpu.matmul %get3A_1, %get3A_4, %dot_general3A {dimension_numbers = #tpu.dot_dimension_numbers<[1], [0], [0], [1], [0, 0, 1, 1], [], []>, transpose_lhs_hint = false} : vector<512x128xf32>, vector<128x128xf32>, vector<512x128xf32> -> vector<512x128xf32>
    %get3A_6 = arith.constant 0 : index
    %get3A_7 = arith.constant 0 : index
    %get3A_8 = arith.constant 0 : index
    %get3A_9 = vector.load %arg1[%get3A_6, %get3A_7, %get3A_8] : memref<2x512x128xf32, #tpu.memory_space<vmem>>, vector<1x512x1xf32>
    %get3A_10 = vector.shape_cast %get3A_9 : vector<1x512x1xf32> to vector<512x1xf32>
    %get3A_11 = arith.constant 1 : index
    %get3A_12 = arith.constant 0 : index
    %get3A_13 = arith.constant 0 : index
    %get3A_14 = vector.load %arg1[%get3A_11, %get3A_12, %get3A_13] : memref<2x512x128xf32, #tpu.memory_space<vmem>>, vector<1x512x1xf32>
    %get3A_15 = vector.shape_cast %get3A_14 : vector<1x512x1xf32> to vector<512x1xf32>
    %add3A = arith.addf %get3A_10, %get3A_15 : vector<512x1xf32>
    %add3A_16 = arith.constant 1.000000e+00 : f32
    %add3A_17 = vector.broadcast %add3A_16 : f32 to vector<512x1xf32>
    %add3A_18 = arith.addf %add3A, %add3A_17 : vector<512x1xf32>
    %rsqrt3A = math.rsqrt %add3A_18 : vector<512x1xf32>
    %mul3A = vector.broadcast %rsqrt3A : vector<512x1xf32> to vector<512x128xf32>
    %mul3A_19 = arith.mulf %dot_general3A_5, %mul3A : vector<512x128xf32>
    %swap3A = arith.constant 0 : index
    %swap3A_20 = arith.constant 0 : index
    %swap3A_21 = vector.load %arg4[%swap3A, %swap3A_20] : memref<512x128xf32, #tpu.memory_space<vmem>>, vector<512x128xf32>
    tpu.vector_store %arg4[%swap3A, %swap3A_20], %mul3A_19 {strides = array<i32>} : memref<512x128xf32, #tpu.memory_space<vmem>>, vector<512x128xf32>,
    return
  }
  func.func @transform_0(%arg0: i32) -> (i32, i32, i32) {
    %c0_i32 = arith.constant 0 : i32
    %c0_i32_0 = arith.constant 0 : i32
    %c0_i32_1 = arith.constant 0 : i32
    return %c0_i32, %arg0, %c0_i32_0 : i32, i32, i32
  }
  func.func @transform_1(%arg0: i32) -> (i32, i32) {
    %c0_i32 = arith.constant 0 : i32
    %c0_i32_0 = arith.constant 0 : i32
    return %arg0, %c0_i32 : i32, i32
  }
  func.func @transform_2(%arg0: i32) -> (i32, i32) {
    %c0_i32 = arith.constant 0 : i32
    %c0_i32_0 = arith.constant 0 : i32
    %c0_i32_1 = arith.constant 0 : i32
    return %c0_i32, %c0_i32_0 : i32, i32
  }
  func.func @transform_3(%arg0: i32) -> (i32, i32) {
    %c0_i32 = arith.constant 0 : i32
    %c0_i32_0 = arith.constant 0 : i32
    return %arg0, %c0_i32 : i32, i32
  }
}

module attributes {stable_mosaic.version = 14 : i64} {
  func.func @_tc2_body(%arg0: i32, %arg1: memref<2x512x128xf32, #tpu.memory_space<vmem>>, %arg2: memref<512x128xf32, #tpu.memory_space<vmem>>, %arg3: memref<512x128xf32, #tpu.memory_space<vmem>>, %arg4: memref<1x128xf32, #tpu.memory_space<vmem>>, %arg5: memref<128x128xf32, #tpu.memory_space<vmem>>, %arg6: memref<512x128xf32, #tpu.memory_space<vmem>>) attributes {dimension_semantics = [#tpu.dimension_semantics<arbitrary>], iteration_bounds = array<i64: 20>, scalar_prefetch = 0 : i64, scratch_operands = 0 : i64, tpu.core_type = #tpu.core_type<tc>, window_params = [{transform_indices = @transform_0, window_bounds = array<i64: 2, 512, 128>}, {transform_indices = @transform_1, window_bounds = array<i64: 512, 128>}, {transform_indices = @transform_2, window_bounds = array<i64: 512, 128>}, {pipeline_mode = #tpu.pipeline_mode<synchronous>, transform_indices = @transform_3, window_bounds = array<i64: 1, 128>}, {pipeline_mode = #tpu.pipeline_mode<synchronous>, transform_indices = @transform_4, window_bounds = array<i64: 128, 128>}, {transform_indices = @transform_5, window_bounds = array<i64: 512, 128>}]} {
    %get3A = arith.constant 0 : index
    %get3A_0 = arith.constant 0 : index
    %get3A_1 = arith.constant 0 : index
    %get3A_2 = vector.load %arg1[%get3A, %get3A_0, %get3A_1] : memref<2x512x128xf32, #tpu.memory_space<vmem>>, vector<1x512x1xf32>
    %get3A_3 = vector.shape_cast %get3A_2 : vector<1x512x1xf32> to vector<512x1xf32>
    %get3A_4 = arith.constant 1 : index
    %get3A_5 = arith.constant 0 : index
    %get3A_6 = arith.constant 0 : index
    %get3A_7 = vector.load %arg1[%get3A_4, %get3A_5, %get3A_6] : memref<2x512x128xf32, #tpu.memory_space<vmem>>, vector<1x512x1xf32>
    %get3A_8 = vector.shape_cast %get3A_7 : vector<1x512x1xf32> to vector<512x1xf32>
    %add3A = arith.addf %get3A_3, %get3A_8 : vector<512x1xf32>
    %add3A_9 = arith.constant 1.000000e+00 : f32
    %add3A_10 = vector.broadcast %add3A_9 : f32 to vector<512x1xf32>
    %add3A_11 = arith.addf %add3A, %add3A_10 : vector<512x1xf32>
    %rsqrt3A = math.rsqrt %add3A_11 : vector<512x1xf32>
    %get3A_12 = arith.constant 0 : index
    %get3A_13 = arith.constant 0 : index
    %get3A_14 = vector.load %arg2[%get3A_12, %get3A_13] : memref<512x128xf32, #tpu.memory_space<vmem>>, vector<512x128xf32>
    %get3A_15 = arith.constant 0 : index
    %get3A_16 = arith.constant 0 : index
    %get3A_17 = vector.load %arg3[%get3A_15, %get3A_16] : memref<512x128xf32, #tpu.memory_space<vmem>>, vector<512x128xf32>
    %add3A_18 = arith.addf %get3A_14, %get3A_17 : vector<512x128xf32>
    %mul3A = vector.broadcast %rsqrt3A : vector<512x1xf32> to vector<512x128xf32>
    %mul3A_19 = arith.mulf %add3A_18, %mul3A : vector<512x128xf32>
    %get3A_20 = arith.constant 0 : index
    %get3A_21 = arith.constant 0 : index
    %get3A_22 = vector.load %arg4[%get3A_20, %get3A_21] : memref<1x128xf32, #tpu.memory_space<vmem>>, vector<1x128xf32>
    %add3A_23 = vector.broadcast %get3A_22 : vector<1x128xf32> to vector<512x128xf32>
    %add3A_24 = arith.addf %mul3A_19, %add3A_23 : vector<512x128xf32>
    %max3A = arith.constant 0.000000e+00 : f32
    %max3A_25 = vector.broadcast %max3A : f32 to vector<512x128xf32>
    %max3A_26 = arith.maximumf %add3A_24, %max3A_25 : vector<512x128xf32>
    %get3A_27 = arith.constant 0 : index
    %get3A_28 = arith.constant 0 : index
    %get3A_29 = vector.load %arg5[%get3A_27, %get3A_28] : memref<128x128xf32, #tpu.memory_space<vmem>>, vector<128x128xf32>
    %dot_general3A = arith.constant dense<0.000000e+00> : vector<512x128xf32>
    %dot_general3A_30 = tpu.matmul %max3A_26, %get3A_29, %dot_general3A {dimension_numbers = #tpu.dot_dimension_numbers<[1], [0], [0], [1], [0, 0, 1, 1], [], []>, transpose_lhs_hint = false} : vector<512x128xf32>, vector<128x128xf32>, vector<512x128xf32> -> vector<512x128xf32>
    %mul3A_31 = vector.broadcast %rsqrt3A : vector<512x1xf32> to vector<512x128xf32>
    %mul3A_32 = arith.mulf %dot_general3A_30, %mul3A_31 : vector<512x128xf32>
    %swap3A = arith.constant 0 : index
    %swap3A_33 = arith.constant 0 : index
    %swap3A_34 = vector.load %arg6[%swap3A, %swap3A_33] : memref<512x128xf32, #tpu.memory_space<vmem>>, vector<512x128xf32>
    tpu.vector_store %arg6[%swap3A, %swap3A_33], %mul3A_32 {strides = array<i32>} : memref<512x128xf32, #tpu.memory_space<vmem>>, vector<512x128xf32>,
    return
  }
  func.func @transform_0(%arg0: i32) -> (i32, i32, i32) {
    %c0_i32 = arith.constant 0 : i32
    %c0_i32_0 = arith.constant 0 : i32
    %c0_i32_1 = arith.constant 0 : i32
    return %c0_i32, %arg0, %c0_i32_0 : i32, i32, i32
  }
  func.func @transform_1(%arg0: i32) -> (i32, i32) {
    %c0_i32 = arith.constant 0 : i32
    %c0_i32_0 = arith.constant 0 : i32
    return %arg0, %c0_i32 : i32, i32
  }
  func.func @transform_2(%arg0: i32) -> (i32, i32) {
    %c0_i32 = arith.constant 0 : i32
    %c0_i32_0 = arith.constant 0 : i32
    return %arg0, %c0_i32 : i32, i32
  }
  func.func @transform_3(%arg0: i32) -> (i32, i32) {
    %c0_i32 = arith.constant 0 : i32
    %c0_i32_0 = arith.constant 0 : i32
    %c0_i32_1 = arith.constant 0 : i32
    return %c0_i32, %c0_i32_0 : i32, i32
  }
  func.func @transform_4(%arg0: i32) -> (i32, i32) {
    %c0_i32 = arith.constant 0 : i32
    %c0_i32_0 = arith.constant 0 : i32
    %c0_i32_1 = arith.constant 0 : i32
    return %c0_i32, %c0_i32_0 : i32, i32
  }
  func.func @transform_5(%arg0: i32) -> (i32, i32) {
    %c0_i32 = arith.constant 0 : i32
    %c0_i32_0 = arith.constant 0 : i32
    return %arg0, %c0_i32 : i32, i32
  }
}

module attributes {stable_mosaic.version = 14 : i64} {
  func.func @_tc3_body(%arg0: i32, %arg1: memref<2x512x128xf32, #tpu.memory_space<vmem>>, %arg2: memref<512x128xf32, #tpu.memory_space<vmem>>, %arg3: memref<512x128xf32, #tpu.memory_space<vmem>>, %arg4: memref<1x128xf32, #tpu.memory_space<vmem>>, %arg5: memref<128x128xf32, #tpu.memory_space<vmem>>, %arg6: memref<1x128xf32, #tpu.memory_space<vmem>>, %arg7: memref<512x128xf32, #tpu.memory_space<vmem>>, %arg8: memref<512x128xf32, #tpu.memory_space<vmem>>) attributes {dimension_semantics = [#tpu.dimension_semantics<arbitrary>], iteration_bounds = array<i64: 20>, scalar_prefetch = 0 : i64, scratch_operands = 0 : i64, tpu.core_type = #tpu.core_type<tc>, window_params = [{transform_indices = @transform_0, window_bounds = array<i64: 2, 512, 128>}, {transform_indices = @transform_1, window_bounds = array<i64: 512, 128>}, {transform_indices = @transform_2, window_bounds = array<i64: 512, 128>}, {pipeline_mode = #tpu.pipeline_mode<synchronous>, transform_indices = @transform_3, window_bounds = array<i64: 1, 128>}, {pipeline_mode = #tpu.pipeline_mode<synchronous>, transform_indices = @transform_4, window_bounds = array<i64: 128, 128>}, {pipeline_mode = #tpu.pipeline_mode<synchronous>, transform_indices = @transform_5, window_bounds = array<i64: 1, 128>}, {transform_indices = @transform_6, window_bounds = array<i64: 512, 128>}, {transform_indices = @transform_7, window_bounds = array<i64: 512, 128>}]} {
    %get3A = arith.constant 0 : index
    %get3A_0 = arith.constant 0 : index
    %get3A_1 = arith.constant 0 : index
    %get3A_2 = vector.load %arg1[%get3A, %get3A_0, %get3A_1] : memref<2x512x128xf32, #tpu.memory_space<vmem>>, vector<1x512x1xf32>
    %get3A_3 = vector.shape_cast %get3A_2 : vector<1x512x1xf32> to vector<512x1xf32>
    %get3A_4 = arith.constant 1 : index
    %get3A_5 = arith.constant 0 : index
    %get3A_6 = arith.constant 0 : index
    %get3A_7 = vector.load %arg1[%get3A_4, %get3A_5, %get3A_6] : memref<2x512x128xf32, #tpu.memory_space<vmem>>, vector<1x512x1xf32>
    %get3A_8 = vector.shape_cast %get3A_7 : vector<1x512x1xf32> to vector<512x1xf32>
    %add3A = arith.addf %get3A_3, %get3A_8 : vector<512x1xf32>
    %add3A_9 = arith.constant 1.000000e+00 : f32
    %add3A_10 = vector.broadcast %add3A_9 : f32 to vector<512x1xf32>
    %add3A_11 = arith.addf %add3A, %add3A_10 : vector<512x1xf32>
    %rsqrt3A = math.rsqrt %add3A_11 : vector<512x1xf32>
    %get3A_12 = arith.constant 0 : index
    %get3A_13 = arith.constant 0 : index
    %get3A_14 = vector.load %arg2[%get3A_12, %get3A_13] : memref<512x128xf32, #tpu.memory_space<vmem>>, vector<512x128xf32>
    %get3A_15 = arith.constant 0 : index
    %get3A_16 = arith.constant 0 : index
    %get3A_17 = vector.load %arg3[%get3A_15, %get3A_16] : memref<512x128xf32, #tpu.memory_space<vmem>>, vector<512x128xf32>
    %add3A_18 = arith.addf %get3A_14, %get3A_17 : vector<512x128xf32>
    %mul3A = vector.broadcast %rsqrt3A : vector<512x1xf32> to vector<512x128xf32>
    %mul3A_19 = arith.mulf %add3A_18, %mul3A : vector<512x128xf32>
    %get3A_20 = arith.constant 0 : index
    %get3A_21 = arith.constant 0 : index
    %get3A_22 = vector.load %arg4[%get3A_20, %get3A_21] : memref<1x128xf32, #tpu.memory_space<vmem>>, vector<1x128xf32>
    %add3A_23 = vector.broadcast %get3A_22 : vector<1x128xf32> to vector<512x128xf32>
    %add3A_24 = arith.addf %mul3A_19, %add3A_23 : vector<512x128xf32>
    %max3A = arith.constant 0.000000e+00 : f32
    %max3A_25 = vector.broadcast %max3A : f32 to vector<512x128xf32>
    %max3A_26 = arith.maximumf %add3A_24, %max3A_25 : vector<512x128xf32>
    %swap3A = arith.constant 0 : index
    %swap3A_27 = arith.constant 0 : index
    %swap3A_28 = vector.load %arg8[%swap3A, %swap3A_27] : memref<512x128xf32, #tpu.memory_space<vmem>>, vector<512x128xf32>
    tpu.vector_store %arg8[%swap3A, %swap3A_27], %max3A_26 {strides = array<i32>} : memref<512x128xf32, #tpu.memory_space<vmem>>, vector<512x128xf32>,
    %get3A_29 = arith.constant 0 : index
    %get3A_30 = arith.constant 0 : index
    %get3A_31 = vector.load %arg5[%get3A_29, %get3A_30] : memref<128x128xf32, #tpu.memory_space<vmem>>, vector<128x128xf32>
    %dot_general3A = arith.constant dense<0.000000e+00> : vector<512x128xf32>
    %dot_general3A_32 = tpu.matmul %max3A_26, %get3A_31, %dot_general3A {dimension_numbers = #tpu.dot_dimension_numbers<[1], [0], [0], [1], [0, 0, 1, 1], [], []>, transpose_lhs_hint = false} : vector<512x128xf32>, vector<128x128xf32>, vector<512x128xf32> -> vector<512x128xf32>
    %get3A_33 = arith.constant 0 : index
    %get3A_34 = arith.constant 0 : index
    %get3A_35 = vector.load %arg6[%get3A_33, %get3A_34] : memref<1x128xf32, #tpu.memory_space<vmem>>, vector<1x128xf32>
    %add3A_36 = vector.broadcast %get3A_35 : vector<1x128xf32> to vector<512x128xf32>
    %add3A_37 = arith.addf %dot_general3A_32, %add3A_36 : vector<512x128xf32>
    %swap3A_38 = arith.constant 0 : index
    %swap3A_39 = arith.constant 0 : index
    %swap3A_40 = vector.load %arg7[%swap3A_38, %swap3A_39] : memref<512x128xf32, #tpu.memory_space<vmem>>, vector<512x128xf32>
    tpu.vector_store %arg7[%swap3A_38, %swap3A_39], %add3A_37 {strides = array<i32>} : memref<512x128xf32, #tpu.memory_space<vmem>>, vector<512x128xf32>,
    return
  }
  func.func @transform_0(%arg0: i32) -> (i32, i32, i32) {
    %c0_i32 = arith.constant 0 : i32
    %c0_i32_0 = arith.constant 0 : i32
    %c0_i32_1 = arith.constant 0 : i32
    return %c0_i32, %arg0, %c0_i32_0 : i32, i32, i32
  }
  func.func @transform_1(%arg0: i32) -> (i32, i32) {
    %c0_i32 = arith.constant 0 : i32
    %c0_i32_0 = arith.constant 0 : i32
    return %arg0, %c0_i32 : i32, i32
  }
  func.func @transform_2(%arg0: i32) -> (i32, i32) {
    %c0_i32 = arith.constant 0 : i32
    %c0_i32_0 = arith.constant 0 : i32
    return %arg0, %c0_i32 : i32, i32
  }
  func.func @transform_3(%arg0: i32) -> (i32, i32) {
    %c0_i32 = arith.constant 0 : i32
    %c0_i32_0 = arith.constant 0 : i32
    %c0_i32_1 = arith.constant 0 : i32
    return %c0_i32, %c0_i32_0 : i32, i32
  }
  func.func @transform_4(%arg0: i32) -> (i32, i32) {
    %c0_i32 = arith.constant 0 : i32
    %c0_i32_0 = arith.constant 0 : i32
    %c0_i32_1 = arith.constant 0 : i32
    return %c0_i32, %c0_i32_0 : i32, i32
  }
  func.func @transform_5(%arg0: i32) -> (i32, i32) {
    %c0_i32 = arith.constant 0 : i32
    %c0_i32_0 = arith.constant 0 : i32
    %c0_i32_1 = arith.constant 0 : i32
    return %c0_i32, %c0_i32_0 : i32, i32
  }
  func.func @transform_6(%arg0: i32) -> (i32, i32) {
    %c0_i32 = arith.constant 0 : i32
    %c0_i32_0 = arith.constant 0 : i32
    return %arg0, %c0_i32 : i32, i32
  }
  func.func @transform_7(%arg0: i32) -> (i32, i32) {
    %c0_i32 = arith.constant 0 : i32
    %c0_i32_0 = arith.constant 0 : i32
    return %arg0, %c0_i32 : i32, i32
  }
}

</mosaic_0001>

<sc_bundles>
// kernel: kernel.11.cloned.1.call-start
scs
__scs_entry_jumppad:
0x0: {  	(pc) =	sbr.rel $0x88, $3  }
0x1: {  	(tag) =	ssettag $0x0;
	lr =	simm.s32 $0x1  }
0x2: {  	[smem:$0x3F99] =	sst lr;
	_ =	strace $0xD0000000  }
0x3: {  	_ = 	snop  }
0x4: {  	_ = 	snop  }
0x5: {  	_ = 	snop  }
0x6: {  	_ = 	snop  }
0x7: {  	_ = 	snop  }
__scs_overlays_trampoline_lowered:
0x8: {  	[smem:$0x3FA8] =	sst s0  }
0x9: {  	[smem:$0x3FA9] =	sst s1  }
0xa: {  	[smem:$0x3FAA] =	sst s2  }
0xb: {  	[smem:$0x3FAB] =	sst s3  }
0xc: {  	[smem:$0x3FAC] =	sst s4  }
0xd: {  	[smem:$0x3FAD] =	sst s5  }
0xe: {  	[smem:$0x3FAE] =	sst s6  }
0xf: {  	[smem:$0x3FAF] =	sst s7  }
0x10: {  	[smem:$0x3FB0] =	sst s8  }
0x11: {  	[smem:$0x3FB1] =	sst s9;
	s0 =	simm.s32 @!p0 $0x0  }
0x12: {  	s1 =	sld [smem:$0x3F97];
	s0 =	simm.s32 @p0 $0x1  }
0x13: {  	[smem:$0x3FB2] =	sst s0;
	s0 =	simm.s32 @!p1 $0x0  }
0x14: {  	s2 =	sld [smem:$0x3F96];
	s0 =	simm.s32 @p1 $0x1  }
0x15: {  	[smem:$0x3FB3] =	sst s0;
	s0 =	simm.s32 @!p2 $0x0  }
0x16: {  	s3 =	sld [smem:$0x3FDB];
	s0 =	simm.s32 @p2 $0x1  }
0x17: {  	s4 =	simm.s32 $0x1BF5;
	[smem:$0x3FB5] =	sst s0  }
0x18: {  	s0 =	sld [smem:$0x3F98];
	_ =	swait.ge [sflag:s4], $0x0  }
0x19: {  	s7 =	sld [smem:$0x3F99]  }
0x1a: {  	s8 =	sadd.s32 $0xFFFFE003, lr  }
0x1b: {  	s9 =	sadd.s32 $0xFFFFFEF7, lr;
	s5 =	simm.s32 $0xFFFFFFFF;
	p2 =	slt.u32 s8, $0xFFFFF086  }
0x1c: {  	p1 =	slt.u32 s9, $0xF7A;
	s5 =	simm.s32 @!p2 $0x0  }
0x1d: {  	s5 =	simm.s32 @p1 $0x1;
	p0 =	seq.s32 s7, s2  }
0x1e: {  	s7 =	smul.u32 @!p0 $0xF7A, s2;
	p2 =	seq.s32 @!p0 s5, $0x0  }
0x1f: {  	s9 =	smul.u32 $0xF7A, s1;
	s8 =	simm.s32 @!p0 $0x1BF5;
	p2 =	por !p2, p0  }
0x20: {  	[sflag:s8] =	ssyncset.s32 @!p0 $0xFFFFF086;
	s6 =	sadd.s32 @!p0 s3, s7;
	s7 =	simm.s32 @!p0 $0x108  }
0x21: {  	s3 =	sadd.s32 s3, s9;
	s6 =	sadd.s32 @!p0 $0x88, s6;
	s7 =	simm.s32 @p2 $0x1082  }
0x22: {  	[simem:s7], [sflag:s8] =	dma.local @!p0 [hbm:s6], $0xF7A  }
0x23: {  	s9 =	sor.u32 $0xD0000000, s2;
	s6 =	simm.s32 $0x108;
	_ =	swait.ge @!p0 [sflag:s8], $0x0  }
0x24: {  	s3 =	sadd.s32 $0x88, s3;
	s6 =	simm.s32 @!p1 $0x1082;
	[sflag:s4] =	ssyncset.s32 $0xFFFFF086  }
0x25: {  	[simem:s6], [sflag:s4] =	dma.local [hbm:s3], $0xF7A  }
0x26: {  	[smem:$0x3F99] =	sst s1;
	(tag) =	ssettag s2;
	_ =	strace s9  }
0x27: {  	s1 =	sld [smem:$0x3FA9]  }
0x28: {  	s2 =	sld [smem:$0x3FAA]  }
0x29: {  	s4 =	sld [smem:$0x3FAC]  }
0x2a: {  	p0 =	seq.s32 s5, $0x0;
	s5 =	sld [smem:$0x3FAD]  }
0x2b: {  	s6 =	sld [smem:$0x3FAE]  }
0x2c: {  	s7 =	sld [smem:$0x3FAF]  }
0x2d: {  	s3 =	simm.s32 $0x108;
	s8 =	sld [smem:$0x3FB0]  }
0x2e: {  	s3 =	simm.s32 @!p0 $0x1082;
	s9 =	sld [smem:$0x3FB1]  }
0x2f: {  	lr =	sadd.s32 s0, s3;
	s0 =	sld [smem:$0x3FA8]  }
0x30: {  	s3 =	sld [smem:$0x3FAB]  }
0x31: {  	[smem:$0x3FB4] =	sst s10  }
0x32: {  	s10 =	sld [smem:$0x3FB2];
	_ =	sdelay $0x3  }
0x33: {  	p0 =	seq.s32 s10, $0x1;
	s10 =	sld [smem:$0x3FB4];
	_ =	sdelay $0x3  }
0x34: {  	[smem:$0x3FB4] =	sst s10  }
0x35: {  	s10 =	sld [smem:$0x3FB3];
	_ =	sdelay $0x3  }
0x36: {  	p1 =	seq.s32 s10, $0x1;
	s10 =	sld [smem:$0x3FB4];
	_ =	sdelay $0x3  }
0x37: {  	[smem:$0x3FB4] =	sst s10  }
0x38: {  	s10 =	sld [smem:$0x3FB5]  }
0x39: {  	_ = 	snop;
	(pc) =	sbr.ind lr, $3  }
0x3a: {  	_ = 	snop  }
0x3b: {  	_ = 	snop  }
0x3c: {  	p2 =	seq.s32 s10, $0x1;
	s10 =	sld [smem:$0x3FB4]  }
0x3d: {  	_ =	shalt  }
0x3e: {  	_ =	shalt  }
0x3f: {  	_ =	shalt  }
0x40: {  	_ =	shalt  }
0x41: {  	_ =	shalt  }
0x42: {  	_ =	shalt  }
0x43: {  	_ =	shalt  }
0x44: {  	_ =	shalt  }
0x45: {  	_ =	shalt  }
0x46: {  	_ =	shalt  }
0x47: {  	_ =	shalt  }
0x48: {  	_ =	shalt  }
0x49: {  	_ =	shalt  }
0x4a: {  	_ =	shalt  }
0x4b: {  	_ =	shalt  }
0x4c: {  	_ =	shalt  }
0x4d: {  	_ =	shalt  }
0x4e: {  	_ =	shalt  }
0x4f: {  	_ =	shalt  }
0x50: {  	_ =	shalt  }
0x51: {  	_ =	shalt  }
0x52: {  	_ =	shalt  }
0x53: {  	_ =	shalt  }
0x54: {  	_ =	shalt  }
0x55: {  	_ =	shalt  }
0x56: {  	_ =	shalt  }
0x57: {  	_ =	shalt  }
0x58: {  	_ =	shalt  }
0x59: {  	_ =	shalt  }
0x5a: {  	_ =	shalt  }
0x5b: {  	_ =	shalt  }
0x5c: {  	_ =	shalt  }
0x5d: {  	_ =	shalt  }
0x5e: {  	_ =	shalt  }
0x5f: {  	_ =	shalt  }
0x60: {  	_ =	shalt  }
0x61: {  	_ =	shalt  }
0x62: {  	_ =	shalt  }
0x63: {  	_ =	shalt  }
0x64: {  	_ =	shalt  }
0x65: {  	_ =	shalt  }
0x66: {  	_ =	shalt  }
0x67: {  	_ =	shalt  }
0x68: {  	_ =	shalt  }
0x69: {  	_ =	shalt  }
0x6a: {  	_ =	shalt  }
0x6b: {  	_ =	shalt  }
0x6c: {  	_ =	shalt  }
0x6d: {  	_ =	shalt  }
0x6e: {  	_ =	shalt  }
0x6f: {  	_ =	shalt  }
0x70: {  	_ =	shalt  }
0x71: {  	_ =	shalt  }
0x72: {  	_ =	shalt  }
0x73: {  	_ =	shalt  }
0x74: {  	_ =	shalt  }
0x75: {  	_ =	shalt  }
0x76: {  	_ =	shalt  }
0x77: {  	_ =	shalt  }
0x78: {  	_ =	shalt  }
0x79: {  	_ =	shalt  }
0x7a: {  	_ =	shalt  }
0x7b: {  	_ =	shalt  }
0x7c: {  	_ =	shalt  }
0x7d: {  	_ =	shalt  }
0x7e: {  	_ =	shalt  }
0x7f: {  	_ =	shalt  }
0x80: {  	_ =	shalt  }
0x81: {  	_ =	shalt  }
0x82: {  	_ =	shalt  }
0x83: {  	_ =	shalt  }
0x84: {  	_ =	shalt  }
0x85: {  	_ =	shalt  }
0x86: {  	_ =	shalt  }
0x87: {  	_ =	shalt  }
.Lfunc_end0:
.L_simem_size_0:
called_computation.1_lowered:
.L_overlay_start_0:
0x88: {  	s2 =	sld [smem:$0x3FD9]  }
0x89: {  	s3 =	sld [smem:$0x3FFE];
	_ =	sdelay $0x1  }
0x8a: {  	s1 =	srdreg.scid  }
0x8b: {  	s0 =	sand.u32 $0x1, s1  }
0x8c: {  	s16 =	sshll.u32 s0, $0xA;
	s2 =	sadd.s32 s3, s2  }
0x8d: {  	s2 =	sadd.s32 s2, s16  }
0x8e: {  	[smem:$0x3FC0] =	sst s2  }
0x8f: {  	_ = 	snop  }
0x90: {  	(tm) =	ssettm $0x1  }
0x91: {  	s17 =	sld [smem:$0x3FFB];
	_ =	sdelay $0x3  }
0x92: {  	_ =	strace s17  }
0x93: {  	s2 =	sld [smem:$0x3FFC];
	_ =	sdelay $0x3  }
0x94: {  	_ =	strace s2  }
0x95: {  	s2 =	sld [smem:$0x3FFD];
	_ =	sdelay $0x3  }
0x96: {  	_ =	strace s2  }
0x97: {  	_ =	strace $0x8FFFFFFF  }
0x98: {  	s18 =	sld [smem:$0x3FDB];
	_ =	sdelay $0x1  }
0x99: {  	s19 =	simm.s32 $_scs_section_size  }
0x9a: {  	s4 =	simm.s32 $_size__tile_overlayer_lowered;
	s5 =	simm.s32 $_tile_overlayer_lowered  }
0x9b: {  	s22 =	simm.s32 $0x1BFF;
	s21 =	sshll.u32 s5, $0x1;
	s2 =	sadd.s32 s19, s18  }
0x9c: {  	s6 =	simm.s32 $0x0;
	s20 =	sshll.u32 s4, $0x1;
	s4 =	sadd.s32 s21, s2  }
0x9d: {  	[timem:s6], [sflag:s22] =	dma.local [hbm:s4], s20  }
0x9e: {  	_ =	swait.ge [sflag:s22], s20  }
0x9f: {  	s3 =	ssub.s32 $0x0, s20;
	[sflag:s22] =	ssyncset.done $0x0  }
0xa0: {  	[sflag:s22] =	ssyncadd.s32 s3;
	_ =	sdelay $0x1  }
0xa1: {  	s23 =	simm.s32 $0x1B8B  }
0xa2: {  	_ =	swait.ge [sflag:s23], $0x1  }
0xa3: {  	[sflag:s23] =	ssyncset.done $0x0  }
0xa4: {  	s25 =	simm.s32 $0x1B8E;
	s24 =	sld [smem:$0x3FFE];
	[sflag:s23] =	ssyncadd.s32 $0xFFFFFFFF  }
0xa5: {  	s26 =	simm.s32 $execute0_lowered;
	[smem:$0x3FD2] =	sst s25  }
0xa6: {  	s4 =	sshll.u32 s26, $0x1;
	_ =	strace $0x80000049;
	[dreg:$0x1] =	wrdreg $0xFFFFFFFF  }
0xa7: {  	s28 =	simm.s32 $_size_execute0_lowered;
	s2 =	sadd.s32 s2, s4;
	[dreg:$0x0] =	wrdreg $0x0  }
0xa8: {  	s4 =	sshll.u32 s28, $0x1;
	[dreg:$0x2] =	wrdreg s2  }
0xa9: {  	[dreg:$0x3] =	wrdreg s4  }
0xaa: {  	[dreg:$0x4] =	wrdreg $0xC0  }
0xab: {  	_ =	task [dreg:s6], $0x5FFFF  }
0xac: {  	[dreg:$0x1] =	wrdreg $0xFFFFFFFF  }
0xad: {  	[dreg:$0x0] =	wrdreg $0x60  }
0xae: {  	[dreg:$0x2] =	wrdreg s24  }
0xaf: {  	[dreg:$0x3] =	wrdreg $0x24000  }
0xb0: {  	[dreg:$0x4] =	wrdreg $0x15E000  }
0xb1: {  	[dreg:$0x5] =	wrdreg $0x9  }
0xb2: {  	_ =	task.clear_ibuf [dreg:s6], $0x6FFFF;
	_ =	strace $0x90000049  }
0xb3: {  	s29 =	simm.s32 $0x9;
	_ =	strace $0x8000004B  }
0xb4: {  	_ =	swait.ge [sflag:s29], $0x1  }
0xb5: {  	[sflag:s29] =	ssyncadd.s32 $0xFFFFFFFF  }
0xb6: {  	_ =	strace $0x9000004B  }
0xb7: {  	_ =	sfence  }
0xb8: {  	s30 =	sld [smem:$0x0];
	_ =	sdelay $0x2  }
0xb9: {  	s31 =	sshll.u32 s1, $0xD;
	s1 =	sshrl.u32 s1, $0x2  }
0xba: {  	s3 =	sand.u32 $0x4000, s31;
	s1 =	sadd.s32 s1, s30  }
0xbb: {  	s0 =	sor.u32 s3, s0;
	s1 =	sshll.u32 s1, $0x11  }
0xbc: {  	s0 =	sor.u32 s1, s0  }
0xbd: {  	s0 =	sadd.s32 $0x8F2B, s0  }
0xbe: {  	[sflag:s0] =	ssyncadd.remote.s32 $0x1  }
0xbf: {  	_ =	sfence.sel $0xFFFF  }
0xc0: {  	[dreg:$0x0] =	wrdreg $0xFFFFFFFF;
	(pc) =	sbr.abs _section_cstart, $3  }
0xc1: {  	[dreg:$0x1] =	wrdreg $0xFFFFFFFF  }
0xc2: {  	_ =	task.clear_ibuf [dreg:s6], $0x2FFFF;
	_ =	strace $0x9FFFFFFF  }
0xc3: {  	(tm) =	ssettm $0x7FFFFFFF  }
tec
execute0_lowered:
.L_overlay_start_1:
0x0: {  	(tag) =	ssettag $0x1  }
0x1: {  	s0 =	srdreg.scid;
	s10 =	rddreg [dreg:$0x0]  }
0x2: {  	s22 =	stileid.u32;
	s28 =	rddreg [dreg:$0x2]  }
0x3: {  	s31 =	simm.s32 $0x1;
	s11 =	sand.u32 $0x1, s0;
	s12 =	smul.u32 $0x140, s22  }
0x4: {  	s13 =	sadd.s32 $0x11AC00, s10;
	s14 =	smul.u32 $0xA000, s22;
	s19 =	sshll.u32 s22, $0xA  }
0x5: {  	s3 =	sor.u32 $0x10, s22;
	s5 =	sor.u32 $0x40, s22;
	s9 =	sor.u32 $0x70, s22  }
0x6: {  	s17 =	smul.u32 $0x1400, s22;
	s24 =	sadd.s32 $0x2C00, s10;
	s0 =	ssub.s32 $0x2, s11  }
0x7: {  	s15 =	smul.u32 $0xA0000, s11;
	s2 =	sshll.u32 s3, $0xA;
	s6 =	sshll.u32 s5, $0xA  }
0x8: {  	s8 =	sshll.u32 s9, $0xA;
	s5 =	sshll.u32 s5, $0xD;
	s9 =	sshll.u32 s9, $0xD  }
0x9: {  	s1 =	sshrl.u32 s0, $0x1;
	s2 =	sadd.s32 s13, s2;
	s6 =	sadd.s32 s13, s6  }
0xa: {  	s8 =	sadd.s32 s13, s8;
	s17 =	sadd.s32 s24, s17;
	s18 =	sadd.s32 $0xC0, s12  }
0xb: {  	s0 =	ssub.s32 s0, s1;
	s1 =	sadd.s32 s13, s19;
	[dreg:$0x5] =	wrdreg s2  }
0xc: {  	s2 =	sor.u32 $0x30, s22;
	[dreg:$0x4] =	wrdreg s1;
	s1 =	sor.u32 $0x20, s22  }
0xd: {  	[dreg:$0x8] =	wrdreg s6;
	s6 =	sor.u32 $0x60, s22;
	s4 =	sshll.u32 s1, $0xA  }
0xe: {  	[dreg:$0xb] =	wrdreg s8;
	s20 =	sshll.u32 s2, $0xA;
	s4 =	sadd.s32 s13, s4  }
0xf: {  	s8 =	sor.u32 $0x90, s22;
	[dreg:$0x6] =	wrdreg s4;
	s4 =	sadd.s32 s13, s20  }
0x10: {  	s14 =	sadd.s32 s15, s14;
	[dreg:$0x7] =	wrdreg s4;
	s4 =	sor.u32 $0x50, s22  }
0x11: {  	[dreg:$0xe] =	wrdreg s17;
	s19 =	sadd.s32 $0x100, s12;
	s7 =	sshll.u32 s4, $0xA  }
0x12: {  	s21 =	sshll.u32 s6, $0xA;
	s23 =	sshll.u32 s8, $0xA;
	s7 =	sadd.s32 s13, s7  }
0x13: {  	s0 =	smax.u32 s0, $0x1;
	[dreg:$0x9] =	wrdreg s7;
	s7 =	sadd.s32 s13, s21  }
0x14: {  	s2 =	sshll.u32 s2, $0xD;
	[dreg:$0xa] =	wrdreg s7;
	s7 =	sor.u32 $0x80, s22  }
0x15: {  	s6 =	sshll.u32 s6, $0xD;
	p0 =	sgt.u32 s8, $0x9C;
	s16 =	sshll.u32 s7, $0xA  }
0x16: {  	s8 =	sshll.u32 s8, $0xD;
	s20 =	sshll.u32 s18, $0x4;
	s16 =	sadd.s32 s13, s16  }
0x17: {  	s20 =	sadd.s32 s24, s20;
	[dreg:$0xc] =	wrdreg s16;
	s16 =	sadd.s32 $0x40, s12  }
0x18: {  	s1 =	sshll.u32 s1, $0xD;
	[dreg:$0x11] =	wrdreg s20;
	s25 =	sshll.u32 s16, $0x4  }
0x19: {  	s4 =	sshll.u32 s4, $0xD;
	s21 =	sshll.u32 s19, $0x4;
	s17 =	sadd.s32 s24, s25  }
0x1a: {  	s7 =	sshll.u32 s7, $0xD;
	[dreg:$0xf] =	wrdreg s17;
	s17 =	sadd.s32 $0x80, s12  }
0x1b: {  	s13 =	sadd.s32 s13, s23;
	s23 =	sshrl.u32 s14, $0x3;
	s26 =	sshll.u32 s17, $0x4  }
0x1c: {  	[dreg:$0xd] =	wrdreg s13;
	s13 =	sshll.u32 s18, $0x7;
	s12 =	sadd.s32 s24, s26  }
0x1d: {  	s14 =	sshll.u32 s19, $0x7;
	s18 =	sadd.s32 s15, s13;
	[dreg:$0x10] =	wrdreg s12  }
0x1e: {  	s12 =	sadd.s32 s24, s21;
	s24 =	sadd.s32 $0x142C00, s10;
	s21 =	smul.u32 $0x280000, s11  }
0x1f: {  	s11 =	sshll.u32 s16, $0x7;
	[dreg:$0x12] =	wrdreg s12;
	s25 =	sadd.s32 s24, s23  }
0x20: {  	s12 =	sshll.u32 s17, $0x7;
	s16 =	sadd.s32 s15, s11;
	[dreg:$0x13] =	wrdreg s25  }
0x21: {  	s16 =	sshrl.u32 s16, $0x3;
	s17 =	sadd.s32 s15, s12;
	s15 =	sadd.s32 s15, s14  }
0x22: {  	s16 =	sadd.s32 s24, s16;
	s26 =	sshrl.u32 s17, $0x3;
	s17 =	sshrl.u32 s18, $0x3  }
0x23: {  	s18 =	smul.u32 $0x28000, s22;
	[dreg:$0x14] =	wrdreg s16;
	s16 =	sadd.s32 s24, s26  }
0x24: {  	s15 =	sshrl.u32 s15, $0x3;
	s19 =	sadd.s32 s24, s17;
	[dreg:$0x15] =	wrdreg s16  }
0x25: {  	s10 =	sadd.s32 $0x7AC00, s10;
	s15 =	sadd.s32 s24, s15;
	[dreg:$0x16] =	wrdreg s19  }
0x26: {  	[dreg:$0x17] =	wrdreg s15;
	s20 =	sadd.s32 s18, s21;
	s21 =	simm.s32 $0x0  }
0x27: {  	[smem:$0x7FF] =	sst s21;
	s23 =	sor.u32 $0x700, s20;
	s24 =	sshrl.u32 s20, $0x3  }
0x28: {  	s25 =	sor.u32 $0x600, s20;
	s19 =	sor.u32 $0x500, s20;
	s15 =	sor.u32 $0x400, s20  }
0x29: {  	s20 =	sshll.u32 s3, $0xD;
	s16 =	sshrl.u32 s23, $0x3;
	s17 =	sadd.s32 s10, s24  }
0x2a: {  	s26 =	sshrl.u32 s25, $0x3;
	s25 =	rddreg [dreg:$0x1];
	s15 =	sshrl.u32 s15, $0x3  }
0x2b: {  	_ =	strace $0x8000004A;
	[dreg:$0x19] =	wrdreg s0;
	s23 =	sadd.s32 s16, s10  }
0x2c: {  	s24 =	sadd.s32 s26, s10;
	s16 =	sshrl.u32 s19, $0x3;
	s30 =	sadd.s32 s15, s10  }
0x2d: {  	s15 =	sshll.u32 s22, $0x6;
	s0 =	sadd.s32 s20, s25;
	s1 =	sadd.s32 s1, s25  }
0x2e: {  	s2 =	sadd.s32 s2, s25;
	s5 =	sadd.s32 s5, s25;
	s4 =	sadd.s32 s4, s25  }
0x2f: {  	s6 =	sadd.s32 s6, s25;
	s9 =	sadd.s32 s9, s25;
	s7 =	sadd.s32 s7, s25  }
0x30: {  	s8 =	sadd.s32 s8, s25;
	s19 =	sadd.s32 s12, s28;
	[dreg:$0x18] =	wrdreg s17  }
0x31: {  	s20 =	sadd.s32 s13, s28;
	s29 =	sadd.s32 s16, s10;
	[dreg:$0x1c] =	wrdreg s19  }
0x32: {  	s16 =	sshrl.u32 s18, $0x2;
	s18 =	sadd.s32 s11, s28;
	[dreg:$0x1d] =	wrdreg s20  }
0x33: {  	s10 =	sshll.u32 s22, $0xD;
	s22 =	sadd.s32 s14, s28;
	[dreg:$0x1b] =	wrdreg s18  }
0x34: {  	s26 =	sor.u32 $0x1C07, s15;
	s0 =	sshrl.u32 s0, $0x3;
	[dreg:$0x1e] =	wrdreg s22  }
0x35: {  	s11 =	sshrl.u32 s1, $0x3;
	s12 =	sshrl.u32 s2, $0x3;
	[smem:$0x7F2] =	sst s0  }
0x36: {  	s13 =	sshrl.u32 s5, $0x3;
	s14 =	sshrl.u32 s4, $0x3;
	[smem:$0x7F3] =	sst s11  }
0x37: {  	s15 =	sshrl.u32 s6, $0x3;
	s19 =	sadd.s32 $0x20, s17;
	[smem:$0x7F4] =	sst s12  }
0x38: {  	s20 =	sadd.s32 $0x40, s17;
	s1 =	simm.s32 $0x80;
	[smem:$0x7F5] =	sst s13  }
0x39: {  	s2 =	simm.s32 $0x300;
	s4 =	simm.s32 $0x1400;
	[smem:$0x7F6] =	sst s14  }
0x3a: {  	s5 =	simm.s32 $0x180;
	s6 =	simm.s32 $0x5;
	[smem:$0x7F7] =	sst s15  }
0x3b: {  	s3 =	sadd.s32 s10, s25;
	s10 =	sadd.s32 s16, s28;
	[smem:$0x7FB] =	sst s19  }
0x3c: {  	s16 =	sshrl.u32 s9, $0x3;
	s18 =	sshrl.u32 s7, $0x3;
	[smem:$0x7FC] =	sst s20  }
0x3d: {  	s0 =	sshrl.u32 @!p0 s8, $0x3;
	s22 =	sadd.s32 $0x60, s17;
	[dreg:$0x1a] =	wrdreg s10  }
0x3e: {  	s19 =	simm.s32 $0x100;
	s20 =	simm.s32 $0x200;
	[smem:$0x7F8] =	sst s16  }
0x3f: {  	s7 =	simm.s32 $0x3;
	s8 =	simm.s32 $0x280;
	[smem:$0x7F9] =	sst s18  }
0x40: {  	s9 =	simm.s32 $0x6;
	s11 =	simm.s32 $0x380;
	[smem:$0x7FA] =	sst s0  }
0x41: {  	s12 =	simm.s32 $0x0;
	s3 =	sshrl.u32 s3, $0x3;
	[smem:$0x7FD] =	sst s22  }
0x42: {  	s18 =	simm.s32 $0x7;
	s22 =	simm.s32 $0x20;
	s0 =	simm.s32 $0x400  }
0x43: {  	s10 =	simm.s32 $0x4;
	[dreg:$0x1f] =	wrdreg s3;
	s3 =	simm.s32 $0x2  }
.LBB2_1:
0x44: {  	s13 =	rddreg [dreg:$0x4]  }
0x45: {  	s14 =	rddreg [dreg:$0x1f]  }
0x46: {  	[spmem:s14], [sflag:s26] =	dma.local [hbm:s13], $0x400  }
0x47: {  	_ =	swait.ge [sflag:s18], $0x400  }
0x48: {  	s15 =	sld [smem:$0x7F2]  }
0x49: {  	[sflag:s18] =	ssyncset.done $0x0  }
0x4a: {  	s14 =	rddreg [dreg:$0x5];
	[sflag:s18] =	ssyncadd.s32 $0xFFFFFC00  }
0x4b: {  	[spmem:s15], [sflag:s26] =	dma.local [hbm:s14], $0x400  }
0x4c: {  	_ =	swait.ge [sflag:s18], $0x400  }
0x4d: {  	s17 =	sld [smem:$0x7F3]  }
0x4e: {  	[sflag:s18] =	ssyncset.done $0x0  }
0x4f: {  	s16 =	rddreg [dreg:$0x6];
	[sflag:s18] =	ssyncadd.s32 $0xFFFFFC00  }
0x50: {  	[spmem:s17], [sflag:s26] =	dma.local [hbm:s16], $0x400  }
0x51: {  	_ =	swait.ge [sflag:s18], $0x400  }
0x52: {  	s15 =	sld [smem:$0x7F4]  }
0x53: {  	[sflag:s18] =	ssyncset.done $0x0  }
0x54: {  	s14 =	rddreg [dreg:$0x7];
	[sflag:s18] =	ssyncadd.s32 $0xFFFFFC00  }
0x55: {  	[spmem:s15], [sflag:s26] =	dma.local [hbm:s14], $0x400  }
0x56: {  	_ =	swait.ge [sflag:s18], $0x400  }
0x57: {  	s17 =	sld [smem:$0x7F5]  }
0x58: {  	[sflag:s18] =	ssyncset.done $0x0  }
0x59: {  	s16 =	rddreg [dreg:$0x8];
	[sflag:s18] =	ssyncadd.s32 $0xFFFFFC00  }
0x5a: {  	[spmem:s17], [sflag:s26] =	dma.local [hbm:s16], $0x400  }
0x5b: {  	_ =	swait.ge [sflag:s18], $0x400  }
0x5c: {  	s15 =	sld [smem:$0x7F6]  }
0x5d: {  	[sflag:s18] =	ssyncset.done $0x0  }
0x5e: {  	s14 =	rddreg [dreg:$0x9];
	[sflag:s18] =	ssyncadd.s32 $0xFFFFFC00  }
0x5f: {  	[spmem:s15], [sflag:s26] =	dma.local [hbm:s14], $0x400  }
0x60: {  	_ =	swait.ge [sflag:s18], $0x400  }
0x61: {  	s17 =	sld [smem:$0x7F7]  }
0x62: {  	[sflag:s18] =	ssyncset.done $0x0  }
0x63: {  	s16 =	rddreg [dreg:$0xa];
	[sflag:s18] =	ssyncadd.s32 $0xFFFFFC00  }
0x64: {  	[spmem:s17], [sflag:s26] =	dma.local [hbm:s16], $0x400  }
0x65: {  	_ =	swait.ge [sflag:s18], $0x400  }
0x66: {  	s15 =	sld [smem:$0x7F8]  }
0x67: {  	[sflag:s18] =	ssyncset.done $0x0  }
0x68: {  	s14 =	rddreg [dreg:$0xb];
	[sflag:s18] =	ssyncadd.s32 $0xFFFFFC00  }
0x69: {  	[spmem:s15], [sflag:s26] =	dma.local [hbm:s14], $0x400  }
0x6a: {  	_ =	swait.ge [sflag:s18], $0x400  }
0x6b: {  	s17 =	sld [smem:$0x7F9]  }
0x6c: {  	[sflag:s18] =	ssyncset.done $0x0  }
0x6d: {  	s16 =	rddreg [dreg:$0xc];
	[sflag:s18] =	ssyncadd.s32 $0xFFFFFC00  }
0x6e: {  	[spmem:s17], [sflag:s26] =	dma.local [hbm:s16], $0x400  }
0x6f: {  	_ =	swait.ge [sflag:s18], $0x400  }
0x70: {  	s14 =	sld [smem:$0x7FA]  }
0x71: {  	[sflag:s18] =	ssyncset.done $0x0  }
0x72: {  	s13 =	rddreg [dreg:$0xd];
	[sflag:s18] =	ssyncadd.s32 $0xFFFFFC00  }
0x73: {  	[spmem:s14], [sflag:s26] =	dma.local @!p0 [hbm:s13], $0x400  }
0x74: {  	s13 =	simm.s32 @!p0 $0x7  }
0x75: {  	_ =	swait.ge @!p0 [sflag:s13], $0x400  }
0x76: {  	s15 =	rddreg [dreg:$0x1a]  }
0x77: {  	[sflag:s13] =	ssyncset.done @!p0 $0x0;
	s17 =	rddreg [dreg:$0xe];
	s16 =	sshrl.u32 s15, $0x3  }
0x78: {  	[sflag:s13] =	ssyncadd.s32 @!p0 $0xFFFFFC00;
	[smem:$0x7EF] =	sst s16  }
0x79: {  	[spmem:s16], [sflag:s26] =	dma.local [hbm:s17], $0x400  }
0x7a: {  	_ =	swait.ge [sflag:s18], $0x400  }
0x7b: {  	s14 =	rddreg [dreg:$0x1b]  }
0x7c: {  	[sflag:s18] =	ssyncset.done $0x0;
	s16 =	rddreg [dreg:$0xf];
	s15 =	sshrl.u32 s14, $0x3  }
0x7d: {  	[sflag:s18] =	ssyncadd.s32 $0xFFFFFC00;
	[smem:$0x7F0] =	sst s15  }
0x7e: {  	[spmem:s15], [sflag:s26] =	dma.local [hbm:s16], $0x400  }
0x7f: {  	_ =	swait.ge [sflag:s18], $0x400  }
0x80: {  	s17 =	rddreg [dreg:$0x1c]  }
0x81: {  	[sflag:s18] =	ssyncset.done $0x0;
	s15 =	rddreg [dreg:$0x10];
	s13 =	sshrl.u32 s17, $0x3  }
0x82: {  	[sflag:s18] =	ssyncadd.s32 $0xFFFFFC00;
	[smem:$0x7F1] =	sst s13  }
0x83: {  	[spmem:s13], [sflag:s26] =	dma.local [hbm:s15], $0x400  }
0x84: {  	_ =	swait.ge [sflag:s18], $0x400  }
0x85: {  	[sflag:s18] =	ssyncset.done $0x0;
	s16 =	rddreg [dreg:$0x1d]  }
0x86: {  	s17 =	rddreg [dreg:$0x11];
	[sflag:s18] =	ssyncadd.s32 $0xFFFFFC00;
	s16 =	sshrl.u32 s16, $0x3  }
0x87: {  	[spmem:s16], [sflag:s26] =	dma.local [hbm:s17], $0x400  }
0x88: {  	_ =	swait.ge [sflag:s18], $0x400  }
0x89: {  	[sflag:s18] =	ssyncset.done $0x0;
	s14 =	rddreg [dreg:$0x1e]  }
0x8a: {  	s15 =	rddreg [dreg:$0x12];
	[sflag:s18] =	ssyncadd.s32 $0xFFFFFC00;
	s17 =	sshrl.u32 s14, $0x3  }
0x8b: {  	[spmem:s17], [sflag:s26] =	dma.local [hbm:s15], $0x400  }
0x8c: {  	_ =	swait.ge [sflag:s18], $0x400  }
0x8d: {  	[sflag:s18] =	ssyncset.done $0x0  }
0x8e: {  	[sflag:s18] =	ssyncadd.s32 $0xFFFFFC00  }
0x8f: {  	[bflag:$0x0] =	sbarrier.arrive $0xFFFF  }
0x90: {  	s14 =	rddreg [dreg:$0x18]  }
0x91: {  	s15 =	sld [smem:$0x7FB]  }
0x92: {  	[tilespmem:s21], [sflag:$0x1] =	stream.linear.gather [hbm4b:s14+s21], $0x100, $0x38;
	[tilespmem:$0x1FE00] =	vst v63  }
0x93: {  	s14 =	sld [smem:$0x7FC]  }
0x94: {  	[tilespmem:s19], [sflag:$0x2] =	stream.linear.gather [hbm4b:s15+s21], $0x100, $0x38;
	[tilespmem:$0x1FE00] =	vst v63  }
0x95: {  	_ = 	snop  }
0x96: {  	[tilespmem:s20], [sflag:$0x3] =	stream.linear.gather [hbm4b:s14+s21], $0x100, $0x38;
	[tilespmem:$0x1FE00] =	vst v63  }
0x97: {  	_ =	swait.ge [sflag:s31], $0x100  }
0x98: {  	[sflag:s31] =	ssyncset.done $0x0  }
0x99: {  	[sflag:s31] =	ssyncadd.s32 $0xFFFFFF00  }
0x9a: {  	[tilespmem:s0], [sflag:$0x7] =	stream.indirect.gather [spmem:s25], $0x80, s21, s22, $0xb8;
	[tilespmem:$0x1FE00] =	vst v63  }
0x9b: {  	_ =	swait.ge [sflag:s18], $0x1000  }
0x9c: {  	[sflag:s18] =	ssyncset.done $0x0  }
0x9d: {  	s15 =	sld [smem:$0x7FD];
	[sflag:s18] =	ssyncadd.s32 $0xFFFFF000  }
0x9e: {  	[spmem:s28] =	stream.indirect.scatter.add.f32 [tilespmem:s0], [sflag:$0x5], $0x80, s1, s22, $0xb8;
	[tilespmem:$0x1FE00] =	vst v63  }
0x9f: {  	_ = 	snop  }
0xa0: {  	[tilespmem:s2], [sflag:$0x4] =	stream.linear.gather [hbm4b:s15+s21], $0x100, $0x38;
	[tilespmem:$0x1FE00] =	vst v63  }
0xa1: {  	_ =	swait.ge [sflag:s3], $0x100  }
0xa2: {  	[sflag:s3] =	ssyncset.done $0x0  }
0xa3: {  	[sflag:s3] =	ssyncadd.s32 $0xFFFFFF00  }
0xa4: {  	[tilespmem:s4], [sflag:$0x7] =	stream.indirect.gather [spmem:s25], $0x80, s19, s22, $0xb8;
	[tilespmem:$0x1FE00] =	vst v63  }
0xa5: {  	_ =	swait.ge [sflag:s18], $0x1000  }
0xa6: {  	[sflag:s18] =	ssyncset.done $0x0  }
0xa7: {  	[sflag:s18] =	ssyncadd.s32 $0xFFFFF000  }
0xa8: {  	[spmem:s28] =	stream.indirect.scatter.add.f32 [tilespmem:s4], [sflag:$0x6], $0x80, s5, s22, $0xb8;
	[tilespmem:$0x1FE00] =	vst v63  }
0xa9: {  	_ =	swait.ge [sflag:s6], $0x1000  }
0xaa: {  	[sflag:s6] =	ssyncset.done $0x0  }
0xab: {  	s14 =	sadd.s32 $0x0, s30;
	[sflag:s6] =	ssyncadd.s32 $0xFFFFF000  }
0xac: {  	[tilespmem:s21], [sflag:$0x1] =	stream.linear.gather [hbm4b:s14+s21], $0x100, $0x38;
	[tilespmem:$0x1FE00] =	vst v63  }
0xad: {  	_ =	swait.ge [sflag:s7], $0x100  }
0xae: {  	[sflag:s7] =	ssyncset.done $0x0  }
0xaf: {  	[sflag:s7] =	ssyncadd.s32 $0xFFFFFF00  }
0xb0: {  	[tilespmem:s0], [sflag:$0x7] =	stream.indirect.gather [spmem:s25], $0x80, s20, s22, $0xb8;
	[tilespmem:$0x1FE00] =	vst v63  }
0xb1: {  	_ =	swait.ge [sflag:s18], $0x1000  }
0xb2: {  	[sflag:s18] =	ssyncset.done $0x0  }
0xb3: {  	[sflag:s18] =	ssyncadd.s32 $0xFFFFF000  }
0xb4: {  	[spmem:s28] =	stream.indirect.scatter.add.f32 [tilespmem:s0], [sflag:$0x5], $0x80, s8, s22, $0xb8;
	[tilespmem:$0x1FE00] =	vst v63  }
0xb5: {  	_ =	swait.ge [sflag:s9], $0x1000  }
0xb6: {  	[sflag:s9] =	ssyncset.done $0x0  }
0xb7: {  	s15 =	sadd.s32 $0x0, s29;
	[sflag:s9] =	ssyncadd.s32 $0xFFFFF000  }
0xb8: {  	[tilespmem:s19], [sflag:$0x2] =	stream.linear.gather [hbm4b:s15+s21], $0x100, $0x38;
	[tilespmem:$0x1FE00] =	vst v63  }
0xb9: {  	_ =	swait.ge [sflag:s10], $0x100  }
0xba: {  	[sflag:s10] =	ssyncset.done $0x0  }
0xbb: {  	[sflag:s10] =	ssyncadd.s32 $0xFFFFFF00  }
0xbc: {  	[tilespmem:s4], [sflag:$0x7] =	stream.indirect.gather [spmem:s25], $0x80, s2, s22, $0xb8;
	[tilespmem:$0x1FE00] =	vst v63  }
0xbd: {  	_ =	swait.ge [sflag:s18], $0x1000  }
0xbe: {  	[sflag:s18] =	ssyncset.done $0x0  }
0xbf: {  	[sflag:s18] =	ssyncadd.s32 $0xFFFFF000  }
0xc0: {  	[spmem:s28] =	stream.indirect.scatter.add.f32 [tilespmem:s4], [sflag:$0x6], $0x80, s11, s22, $0xb8;
	[tilespmem:$0x1FE00] =	vst v63  }
0xc1: {  	_ =	swait.ge [sflag:s6], $0x1000  }
0xc2: {  	[sflag:s6] =	ssyncset.done $0x0  }
0xc3: {  	s14 =	sadd.s32 $0x0, s24;
	[sflag:s6] =	ssyncadd.s32 $0xFFFFF000  }
0xc4: {  	[tilespmem:s20], [sflag:$0x3] =	stream.linear.gather [hbm4b:s14+s21], $0x100, $0x38;
	[tilespmem:$0x1FE00] =	vst v63  }
0xc5: {  	_ =	swait.ge [sflag:s31], $0x100  }
0xc6: {  	[sflag:s31] =	ssyncset.done $0x0  }
0xc7: {  	[sflag:s31] =	ssyncadd.s32 $0xFFFFFF00  }
0xc8: {  	[tilespmem:s0], [sflag:$0x7] =	stream.indirect.gather [spmem:s25], $0x80, s21, s22, $0xb8;
	[tilespmem:$0x1FE00] =	vst v63  }
0xc9: {  	_ =	swait.ge [sflag:s18], $0x1000  }
0xca: {  	[sflag:s18] =	ssyncset.done $0x0  }
0xcb: {  	[sflag:s18] =	ssyncadd.s32 $0xFFFFF000  }
0xcc: {  	[spmem:s28] =	stream.indirect.scatter.add.f32 [tilespmem:s0], [sflag:$0x5], $0x80, s1, s22, $0xb8;
	[tilespmem:$0x1FE00] =	vst v63  }
0xcd: {  	_ =	swait.ge [sflag:s9], $0x1000  }
0xce: {  	[sflag:s9] =	ssyncset.done $0x0  }
0xcf: {  	s15 =	sadd.s32 $0x0, s23;
	[sflag:s9] =	ssyncadd.s32 $0xFFFFF000  }
0xd0: {  	[tilespmem:s2], [sflag:$0x4] =	stream.linear.gather [hbm4b:s15+s21], $0x100, $0x38;
	[tilespmem:$0x1FE00] =	vst v63  }
0xd1: {  	_ =	swait.ge [sflag:s3], $0x100  }
0xd2: {  	[sflag:s3] =	ssyncset.done $0x0  }
0xd3: {  	[sflag:s3] =	ssyncadd.s32 $0xFFFFFF00  }
0xd4: {  	[tilespmem:s4], [sflag:$0x7] =	stream.indirect.gather [spmem:s25], $0x80, s19, s22, $0xb8;
	[tilespmem:$0x1FE00] =	vst v63  }
0xd5: {  	_ =	swait.ge [sflag:s18], $0x1000  }
0xd6: {  	[sflag:s18] =	ssyncset.done $0x0  }
0xd7: {  	s13 =	simm.s32 $0x80;
	[sflag:s18] =	ssyncadd.s32 $0xFFFFF000  }
.LBB2_2:
0xd8: {  	[spmem:s28] =	stream.indirect.scatter.add.f32 [tilespmem:s4], [sflag:$0x6], $0x80, s5, s22, $0xb8;
	[tilespmem:$0x1FE00] =	vst v63  }
0xd9: {  	s14 =	smov.u32 s13  }
0xda: {  	p1 =	sne.s32 s13, $0x4F00;
	s13 =	sadd.s32 $0x80, s13;
	_ =	swait.ge [sflag:s6], $0x1000  }
0xdb: {  	[sflag:s6] =	ssyncset.done $0x0  }
0xdc: {  	s15 =	sadd.s32 s14, s30;
	[sflag:s6] =	ssyncadd.s32 $0xFFFFF000  }
0xdd: {  	[tilespmem:s21], [sflag:$0x1] =	stream.linear.gather [hbm4b:s15+s21], $0x100, $0x38;
	[tilespmem:$0x1FE00] =	vst v63  }
0xde: {  	_ =	swait.ge [sflag:s7], $0x100  }
0xdf: {  	[sflag:s7] =	ssyncset.done $0x0  }
0xe0: {  	[sflag:s7] =	ssyncadd.s32 $0xFFFFFF00  }
0xe1: {  	[tilespmem:s0], [sflag:$0x7] =	stream.indirect.gather [spmem:s25], $0x80, s20, s22, $0xb8;
	[tilespmem:$0x1FE00] =	vst v63  }
0xe2: {  	_ =	swait.ge [sflag:s18], $0x1000  }
0xe3: {  	[sflag:s18] =	ssyncset.done $0x0  }
0xe4: {  	[sflag:s18] =	ssyncadd.s32 $0xFFFFF000  }
0xe5: {  	[spmem:s28] =	stream.indirect.scatter.add.f32 [tilespmem:s0], [sflag:$0x5], $0x80, s8, s22, $0xb8;
	[tilespmem:$0x1FE00] =	vst v63  }
0xe6: {  	_ =	swait.ge [sflag:s9], $0x1000  }
0xe7: {  	[sflag:s9] =	ssyncset.done $0x0  }
0xe8: {  	s15 =	sadd.s32 s14, s29;
	[sflag:s9] =	ssyncadd.s32 $0xFFFFF000  }
0xe9: {  	[tilespmem:s19], [sflag:$0x2] =	stream.linear.gather [hbm4b:s15+s21], $0x100, $0x38;
	[tilespmem:$0x1FE00] =	vst v63  }
0xea: {  	_ =	swait.ge [sflag:s10], $0x100  }
0xeb: {  	[sflag:s10] =	ssyncset.done $0x0  }
0xec: {  	[sflag:s10] =	ssyncadd.s32 $0xFFFFFF00  }
0xed: {  	[tilespmem:s4], [sflag:$0x7] =	stream.indirect.gather [spmem:s25], $0x80, s2, s22, $0xb8;
	[tilespmem:$0x1FE00] =	vst v63  }
0xee: {  	_ =	swait.ge [sflag:s18], $0x1000  }
0xef: {  	[sflag:s18] =	ssyncset.done $0x0  }
0xf0: {  	[sflag:s18] =	ssyncadd.s32 $0xFFFFF000  }
0xf1: {  	[spmem:s28] =	stream.indirect.scatter.add.f32 [tilespmem:s4], [sflag:$0x6], $0x80, s11, s22, $0xb8;
	[tilespmem:$0x1FE00] =	vst v63  }
0xf2: {  	_ =	swait.ge [sflag:s6], $0x1000  }
0xf3: {  	[sflag:s6] =	ssyncset.done $0x0  }
0xf4: {  	s15 =	sadd.s32 s14, s24;
	[sflag:s6] =	ssyncadd.s32 $0xFFFFF000  }
0xf5: {  	[tilespmem:s20], [sflag:$0x3] =	stream.linear.gather [hbm4b:s15+s21], $0x100, $0x38;
	[tilespmem:$0x1FE00] =	vst v63  }
0xf6: {  	_ =	swait.ge [sflag:s31], $0x100  }
0xf7: {  	[sflag:s31] =	ssyncset.done $0x0  }
0xf8: {  	[sflag:s31] =	ssyncadd.s32 $0xFFFFFF00  }
0xf9: {  	[tilespmem:s0], [sflag:$0x7] =	stream.indirect.gather [spmem:s25], $0x80, s21, s22, $0xb8;
	[tilespmem:$0x1FE00] =	vst v63  }
0xfa: {  	_ =	swait.ge [sflag:s18], $0x1000  }
0xfb: {  	[sflag:s18] =	ssyncset.done $0x0  }
0xfc: {  	[sflag:s18] =	ssyncadd.s32 $0xFFFFF000  }
0xfd: {  	[spmem:s28] =	stream.indirect.scatter.add.f32 [tilespmem:s0], [sflag:$0x5], $0x80, s1, s22, $0xb8;
	[tilespmem:$0x1FE00] =	vst v63  }
0xfe: {  	_ =	swait.ge [sflag:s9], $0x1000  }
0xff: {  	[sflag:s9] =	ssyncset.done $0x0  }
0x100: {  	s14 =	sadd.s32 s14, s23;
	[sflag:s9] =	ssyncadd.s32 $0xFFFFF000  }
0x101: {  	[tilespmem:s2], [sflag:$0x4] =	stream.linear.gather [hbm4b:s14+s21], $0x100, $0x38;
	[tilespmem:$0x1FE00] =	vst v63  }
0x102: {  	_ =	swait.ge [sflag:s3], $0x100  }
0x103: {  	[sflag:s3] =	ssyncset.done $0x0  }
.Ltmp0:
0x104: {  	[sflag:s3] =	ssyncadd.s32 $0xFFFFFF00;
	(pc) =	sbr.rel @p1 .LBB2_2-.Ltmp0, $4  }
0x105: {  	[tilespmem:s4], [sflag:$0x7] =	stream.indirect.gather [spmem:s25], $0x80, s19, s22, $0xb8;
	[tilespmem:$0x1FE00] =	vst v63  }
0x106: {  	_ =	swait.ge [sflag:s18], $0x1000  }
0x107: {  	[sflag:s18] =	ssyncset.done $0x0  }
0x108: {  	[sflag:s18] =	ssyncadd.s32 $0xFFFFF000  }
0x109: {  	[spmem:s28] =	stream.indirect.scatter.add.f32 [tilespmem:s4], [sflag:$0x6], $0x80, s5, s22, $0xb8;
	[tilespmem:$0x1FE00] =	vst v63  }
0x10a: {  	_ =	swait.ge [sflag:s6], $0x1000  }
0x10b: {  	[sflag:s6] =	ssyncset.done $0x0  }
0x10c: {  	[sflag:s6] =	ssyncadd.s32 $0xFFFFF000  }
0x10d: {  	_ =	swait.ge [sflag:s7], $0x100  }
0x10e: {  	[sflag:s7] =	ssyncset.done $0x0  }
0x10f: {  	[sflag:s7] =	ssyncadd.s32 $0xFFFFFF00  }
0x110: {  	[tilespmem:s0], [sflag:$0x7] =	stream.indirect.gather [spmem:s25], $0x80, s20, s22, $0xb8;
	[tilespmem:$0x1FE00] =	vst v63  }
0x111: {  	_ =	swait.ge [sflag:s18], $0x1000  }
0x112: {  	[sflag:s18] =	ssyncset.done $0x0  }
0x113: {  	[sflag:s18] =	ssyncadd.s32 $0xFFFFF000  }
0x114: {  	[spmem:s28] =	stream.indirect.scatter.add.f32 [tilespmem:s0], [sflag:$0x5], $0x80, s8, s22, $0xb8;
	[tilespmem:$0x1FE00] =	vst v63  }
0x115: {  	_ =	swait.ge [sflag:s9], $0x1000  }
0x116: {  	[sflag:s9] =	ssyncset.done $0x0  }
0x117: {  	[sflag:s9] =	ssyncadd.s32 $0xFFFFF000  }
0x118: {  	_ =	swait.ge [sflag:s10], $0x100  }
0x119: {  	[sflag:s10] =	ssyncset.done $0x0  }
0x11a: {  	[sflag:s10] =	ssyncadd.s32 $0xFFFFFF00  }
0x11b: {  	[tilespmem:s4], [sflag:$0x7] =	stream.indirect.gather [spmem:s25], $0x80, s2, s22, $0xb8;
	[tilespmem:$0x1FE00] =	vst v63  }
0x11c: {  	_ =	swait.ge [sflag:s18], $0x1000  }
0x11d: {  	[sflag:s18] =	ssyncset.done $0x0  }
0x11e: {  	[sflag:s18] =	ssyncadd.s32 $0xFFFFF000  }
0x11f: {  	[spmem:s28] =	stream.indirect.scatter.add.f32 [tilespmem:s4], [sflag:$0x6], $0x80, s11, s22, $0xb8;
	[tilespmem:$0x1FE00] =	vst v63  }
0x120: {  	_ =	swait.ge [sflag:s6], $0x1000  }
0x121: {  	[sflag:s6] =	ssyncset.done $0x0  }
0x122: {  	[sflag:s6] =	ssyncadd.s32 $0xFFFFF000  }
0x123: {  	_ =	swait.ge [sflag:s9], $0x1000  }
0x124: {  	[sflag:s9] =	ssyncset.done $0x0  }
0x125: {  	[sflag:s9] =	ssyncadd.s32 $0xFFFFF000  }
0x126: {  	[bflag:$0x0] =	sbarrier.arrive $0xFFFF  }
0x127: {  	s14 =	sld [smem:$0x7EF];
	_ =	sdelay $0x1  }
0x128: {  	s13 =	rddreg [dreg:$0x13]  }
0x129: {  	[hbm:s13], [sflag:s26] =	dma.local [spmem:s14], $0x400  }
0x12a: {  	_ =	swait.ge [sflag:s18], $0x400  }
0x12b: {  	s15 =	sld [smem:$0x7F0]  }
0x12c: {  	[sflag:s18] =	ssyncset.done $0x0  }
0x12d: {  	s14 =	rddreg [dreg:$0x14];
	[sflag:s18] =	ssyncadd.s32 $0xFFFFFC00  }
0x12e: {  	[hbm:s14], [sflag:s26] =	dma.local [spmem:s15], $0x400  }
0x12f: {  	_ =	swait.ge [sflag:s18], $0x400  }
0x130: {  	s15 =	sld [smem:$0x7F1]  }
0x131: {  	[sflag:s18] =	ssyncset.done $0x0  }
0x132: {  	s14 =	rddreg [dreg:$0x15];
	[sflag:s18] =	ssyncadd.s32 $0xFFFFFC00  }
0x133: {  	[hbm:s14], [sflag:s26] =	dma.local [spmem:s15], $0x400  }
0x134: {  	_ =	swait.ge [sflag:s18], $0x400  }
0x135: {  	[sflag:s18] =	ssyncset.done $0x0  }
0x136: {  	s15 =	rddreg [dreg:$0x16];
	[sflag:s18] =	ssyncadd.s32 $0xFFFFFC00  }
0x137: {  	[hbm:s15], [sflag:s26] =	dma.local [spmem:s16], $0x400  }
0x138: {  	_ =	swait.ge [sflag:s18], $0x400  }
0x139: {  	[sflag:s18] =	ssyncset.done $0x0  }
0x13a: {  	s16 =	rddreg [dreg:$0x17];
	[sflag:s18] =	ssyncadd.s32 $0xFFFFFC00  }
0x13b: {  	[hbm:s16], [sflag:s26] =	dma.local [spmem:s17], $0x400  }
0x13c: {  	_ =	swait.ge [sflag:s18], $0x400  }
0x13d: {  	s12 =	sadd.s32 $0x1, s12;
	s17 =	rddreg [dreg:$0x19]  }
0x13e: {  	p1 =	sne.s32 s12, s17  }
.Ltmp1:
0x13f: {  	_ = 	snop;
	(pc) =	sbr.rel @p1 .LBB2_1-.Ltmp1, $3  }
0x140: {  	_ =	sdelay $0x1  }
0x141: {  	[sflag:s18] =	ssyncset.done $0x0  }
0x142: {  	[sflag:s18] =	ssyncadd.s32 $0xFFFFFC00  }
0x143: {  	_ =	sfence.sel $0x180000  }
0x144: {  	[bflag:$0x0] =	sbarrier.arrive $0xFFFF  }
0x145: {  	_ =	strace $0x9000004A  }
0x146: {  	s0 =	stileid.u32;
	[bflag:$0x2] =	sbarrier.arrive $0xFFFF  }
0x147: {  	p0 =	sne.s32 s0, $0x0;
	s0 =	rddreg [dreg:$0x3]  }
0x148: {  	s0 =	sadd.s32 @!p0 $0x100000, s0  }
0x149: {  	[sflag:s0] =	ssyncadd.tile.s32 @!p0 $0x1;
	_ =	shalt  }
.Lfunc_end2:
_tile_overlayer_lowered:
.L_overlay_start_2:
0x14a: {  	(tag) =	ssettag $0x2  }
0x14b: {  	s0 =	rddreg [dreg:$0x0];
	s2 =	stileid.u32  }
0x14c: {  	s1 =	rddreg [dreg:$0x1];
	p0 =	sne.s32 s2, $0x0  }
0x14d: {  	s3 =	rddreg [dreg:$0x2];
	[bflag:$0x3] =	sbarrier.arrive $0xFFFF;
	s2 =	simm.s32 @!p0 $0x1C07  }
0x14e: {  	[timem:s3], [sflag:s2] =	dma.local @!p0 [hbm:s0], s1  }
0x14f: {  	s0 =	simm.s32 @!p0 $0x7  }
0x150: {  	_ =	swait.ge @!p0 [sflag:s0], s1  }
0x151: {  	s1 =	ssub.s32 @!p0 $0x0, s1;
	[sflag:s0] =	ssyncset.done @!p0 $0x0  }
0x152: {  	[sflag:s0] =	ssyncadd.s32 @!p0 s1  }
0x153: {  	[bflag:$0x3] =	sbarrier.arrive $0xFFFF  }
0x154: {  	_ =	shalt  }

// kernel: kernel.14.cloned.1.call-start
scs
__scs_entry_jumppad:
0x0: {  	(pc) =	sbr.rel $0x88, $3  }
0x1: {  	(tag) =	ssettag $0x0;
	lr =	simm.s32 $0x1  }
0x2: {  	[smem:$0x3F99] =	sst lr;
	_ =	strace $0xD0000000  }
0x3: {  	_ = 	snop  }
0x4: {  	_ = 	snop  }
0x5: {  	_ = 	snop  }
0x6: {  	_ = 	snop  }
0x7: {  	_ = 	snop  }
__scs_overlays_trampoline_lowered:
0x8: {  	[smem:$0x3FA8] =	sst s0  }
0x9: {  	[smem:$0x3FA9] =	sst s1  }
0xa: {  	[smem:$0x3FAA] =	sst s2  }
0xb: {  	[smem:$0x3FAB] =	sst s3  }
0xc: {  	[smem:$0x3FAC] =	sst s4  }
0xd: {  	[smem:$0x3FAD] =	sst s5  }
0xe: {  	[smem:$0x3FAE] =	sst s6  }
0xf: {  	[smem:$0x3FAF] =	sst s7  }
0x10: {  	[smem:$0x3FB0] =	sst s8  }
0x11: {  	[smem:$0x3FB1] =	sst s9;
	s0 =	simm.s32 @!p0 $0x0  }
0x12: {  	s1 =	sld [smem:$0x3F97];
	s0 =	simm.s32 @p0 $0x1  }
0x13: {  	[smem:$0x3FB2] =	sst s0;
	s0 =	simm.s32 @!p1 $0x0  }
0x14: {  	s2 =	sld [smem:$0x3F96];
	s0 =	simm.s32 @p1 $0x1  }
0x15: {  	[smem:$0x3FB3] =	sst s0;
	s0 =	simm.s32 @!p2 $0x0  }
0x16: {  	s3 =	sld [smem:$0x3FDB];
	s0 =	simm.s32 @p2 $0x1  }
0x17: {  	s4 =	simm.s32 $0x1BF5;
	[smem:$0x3FB5] =	sst s0  }
0x18: {  	s0 =	sld [smem:$0x3F98];
	_ =	swait.ge [sflag:s4], $0x0  }
0x19: {  	s7 =	sld [smem:$0x3F99]  }
0x1a: {  	s8 =	sadd.s32 $0xFFFFE003, lr  }
0x1b: {  	s9 =	sadd.s32 $0xFFFFFEF7, lr;
	s5 =	simm.s32 $0xFFFFFFFF;
	p2 =	slt.u32 s8, $0xFFFFF086  }
0x1c: {  	p1 =	slt.u32 s9, $0xF7A;
	s5 =	simm.s32 @!p2 $0x0  }
0x1d: {  	s5 =	simm.s32 @p1 $0x1;
	p0 =	seq.s32 s7, s2  }
0x1e: {  	s7 =	smul.u32 @!p0 $0xF7A, s2;
	p2 =	seq.s32 @!p0 s5, $0x0  }
0x1f: {  	s9 =	smul.u32 $0xF7A, s1;
	s8 =	simm.s32 @!p0 $0x1BF5;
	p2 =	por !p2, p0  }
0x20: {  	[sflag:s8] =	ssyncset.s32 @!p0 $0xFFFFF086;
	s6 =	sadd.s32 @!p0 s3, s7;
	s7 =	simm.s32 @!p0 $0x108  }
0x21: {  	s3 =	sadd.s32 s3, s9;
	s6 =	sadd.s32 @!p0 $0x88, s6;
	s7 =	simm.s32 @p2 $0x1082  }
0x22: {  	[simem:s7], [sflag:s8] =	dma.local @!p0 [hbm:s6], $0xF7A  }
0x23: {  	s9 =	sor.u32 $0xD0000000, s2;
	s6 =	simm.s32 $0x108;
	_ =	swait.ge @!p0 [sflag:s8], $0x0  }
0x24: {  	s3 =	sadd.s32 $0x88, s3;
	s6 =	simm.s32 @!p1 $0x1082;
	[sflag:s4] =	ssyncset.s32 $0xFFFFF086  }
0x25: {  	[simem:s6], [sflag:s4] =	dma.local [hbm:s3], $0xF7A  }
0x26: {  	[smem:$0x3F99] =	sst s1;
	(tag) =	ssettag s2;
	_ =	strace s9  }
0x27: {  	s1 =	sld [smem:$0x3FA9]  }
0x28: {  	s2 =	sld [smem:$0x3FAA]  }
0x29: {  	s4 =	sld [smem:$0x3FAC]  }
0x2a: {  	p0 =	seq.s32 s5, $0x0;
	s5 =	sld [smem:$0x3FAD]  }
0x2b: {  	s6 =	sld [smem:$0x3FAE]  }
0x2c: {  	s7 =	sld [smem:$0x3FAF]  }
0x2d: {  	s3 =	simm.s32 $0x108;
	s8 =	sld [smem:$0x3FB0]  }
0x2e: {  	s3 =	simm.s32 @!p0 $0x1082;
	s9 =	sld [smem:$0x3FB1]  }
0x2f: {  	lr =	sadd.s32 s0, s3;
	s0 =	sld [smem:$0x3FA8]  }
0x30: {  	s3 =	sld [smem:$0x3FAB]  }
0x31: {  	[smem:$0x3FB4] =	sst s10  }
0x32: {  	s10 =	sld [smem:$0x3FB2];
	_ =	sdelay $0x3  }
0x33: {  	p0 =	seq.s32 s10, $0x1;
	s10 =	sld [smem:$0x3FB4];
	_ =	sdelay $0x3  }
0x34: {  	[smem:$0x3FB4] =	sst s10  }
0x35: {  	s10 =	sld [smem:$0x3FB3];
	_ =	sdelay $0x3  }
0x36: {  	p1 =	seq.s32 s10, $0x1;
	s10 =	sld [smem:$0x3FB4];
	_ =	sdelay $0x3  }
0x37: {  	[smem:$0x3FB4] =	sst s10  }
0x38: {  	s10 =	sld [smem:$0x3FB5]  }
0x39: {  	_ = 	snop;
	(pc) =	sbr.ind lr, $3  }
0x3a: {  	_ = 	snop  }
0x3b: {  	_ = 	snop  }
0x3c: {  	p2 =	seq.s32 s10, $0x1;
	s10 =	sld [smem:$0x3FB4]  }
0x3d: {  	_ =	shalt  }
0x3e: {  	_ =	shalt  }
0x3f: {  	_ =	shalt  }
0x40: {  	_ =	shalt  }
0x41: {  	_ =	shalt  }
0x42: {  	_ =	shalt  }
0x43: {  	_ =	shalt  }
0x44: {  	_ =	shalt  }
0x45: {  	_ =	shalt  }
0x46: {  	_ =	shalt  }
0x47: {  	_ =	shalt  }
0x48: {  	_ =	shalt  }
0x49: {  	_ =	shalt  }
0x4a: {  	_ =	shalt  }
0x4b: {  	_ =	shalt  }
0x4c: {  	_ =	shalt  }
0x4d: {  	_ =	shalt  }
0x4e: {  	_ =	shalt  }
0x4f: {  	_ =	shalt  }
0x50: {  	_ =	shalt  }
0x51: {  	_ =	shalt  }
0x52: {  	_ =	shalt  }
0x53: {  	_ =	shalt  }
0x54: {  	_ =	shalt  }
0x55: {  	_ =	shalt  }
0x56: {  	_ =	shalt  }
0x57: {  	_ =	shalt  }
0x58: {  	_ =	shalt  }
0x59: {  	_ =	shalt  }
0x5a: {  	_ =	shalt  }
0x5b: {  	_ =	shalt  }
0x5c: {  	_ =	shalt  }
0x5d: {  	_ =	shalt  }
0x5e: {  	_ =	shalt  }
0x5f: {  	_ =	shalt  }
0x60: {  	_ =	shalt  }
0x61: {  	_ =	shalt  }
0x62: {  	_ =	shalt  }
0x63: {  	_ =	shalt  }
0x64: {  	_ =	shalt  }
0x65: {  	_ =	shalt  }
0x66: {  	_ =	shalt  }
0x67: {  	_ =	shalt  }
0x68: {  	_ =	shalt  }
0x69: {  	_ =	shalt  }
0x6a: {  	_ =	shalt  }
0x6b: {  	_ =	shalt  }
0x6c: {  	_ =	shalt  }
0x6d: {  	_ =	shalt  }
0x6e: {  	_ =	shalt  }
0x6f: {  	_ =	shalt  }
0x70: {  	_ =	shalt  }
0x71: {  	_ =	shalt  }
0x72: {  	_ =	shalt  }
0x73: {  	_ =	shalt  }
0x74: {  	_ =	shalt  }
0x75: {  	_ =	shalt  }
0x76: {  	_ =	shalt  }
0x77: {  	_ =	shalt  }
0x78: {  	_ =	shalt  }
0x79: {  	_ =	shalt  }
0x7a: {  	_ =	shalt  }
0x7b: {  	_ =	shalt  }
0x7c: {  	_ =	shalt  }
0x7d: {  	_ =	shalt  }
0x7e: {  	_ =	shalt  }
0x7f: {  	_ =	shalt  }
0x80: {  	_ =	shalt  }
0x81: {  	_ =	shalt  }
0x82: {  	_ =	shalt  }
0x83: {  	_ =	shalt  }
0x84: {  	_ =	shalt  }
0x85: {  	_ =	shalt  }
0x86: {  	_ =	shalt  }
0x87: {  	_ =	shalt  }
.Lfunc_end0:
.L_simem_size_0:
called_computation.2_lowered:
.L_overlay_start_0:
0x88: {  	s2 =	sld [smem:$0x3FD9]  }
0x89: {  	s3 =	sld [smem:$0x3FFE];
	_ =	sdelay $0x1  }
0x8a: {  	s1 =	srdreg.scid  }
0x8b: {  	s0 =	sand.u32 $0x1, s1  }
0x8c: {  	s16 =	sshll.u32 s0, $0xA;
	s2 =	sadd.s32 s3, s2  }
0x8d: {  	s2 =	sadd.s32 s2, s16  }
0x8e: {  	[smem:$0x3FC0] =	sst s2  }
0x8f: {  	_ = 	snop  }
0x90: {  	(tm) =	ssettm $0x1  }
0x91: {  	s17 =	sld [smem:$0x3FFB];
	_ =	sdelay $0x3  }
0x92: {  	_ =	strace s17  }
0x93: {  	s2 =	sld [smem:$0x3FFC];
	_ =	sdelay $0x3  }
0x94: {  	_ =	strace s2  }
0x95: {  	s2 =	sld [smem:$0x3FFD];
	_ =	sdelay $0x3  }
0x96: {  	_ =	strace s2  }
0x97: {  	_ =	strace $0x8FFFFFFF  }
0x98: {  	s18 =	sld [smem:$0x3FDB];
	_ =	sdelay $0x1  }
0x99: {  	s19 =	simm.s32 $_scs_section_size  }
0x9a: {  	s4 =	simm.s32 $_size__tile_overlayer_lowered;
	s5 =	simm.s32 $_tile_overlayer_lowered  }
0x9b: {  	s22 =	simm.s32 $0x1BFF;
	s21 =	sshll.u32 s5, $0x1;
	s2 =	sadd.s32 s19, s18  }
0x9c: {  	s6 =	simm.s32 $0x0;
	s20 =	sshll.u32 s4, $0x1;
	s4 =	sadd.s32 s21, s2  }
0x9d: {  	[timem:s6], [sflag:s22] =	dma.local [hbm:s4], s20  }
0x9e: {  	_ =	swait.ge [sflag:s22], s20  }
0x9f: {  	s3 =	ssub.s32 $0x0, s20;
	[sflag:s22] =	ssyncset.done $0x0  }
0xa0: {  	[sflag:s22] =	ssyncadd.s32 s3;
	_ =	sdelay $0x1  }
0xa1: {  	s23 =	simm.s32 $0x1B8B  }
0xa2: {  	_ =	swait.ge [sflag:s23], $0x1  }
0xa3: {  	[sflag:s23] =	ssyncset.done $0x0  }
0xa4: {  	s25 =	simm.s32 $0x1B8E;
	s24 =	sld [smem:$0x3FFE];
	[sflag:s23] =	ssyncadd.s32 $0xFFFFFFFF  }
0xa5: {  	s26 =	simm.s32 $execute0_lowered;
	[smem:$0x3FD2] =	sst s25  }
0xa6: {  	s4 =	sshll.u32 s26, $0x1;
	_ =	strace $0x8000004C;
	[dreg:$0x1] =	wrdreg $0xFFFFFFFF  }
0xa7: {  	s28 =	simm.s32 $_size_execute0_lowered;
	s2 =	sadd.s32 s2, s4;
	[dreg:$0x0] =	wrdreg $0x0  }
0xa8: {  	s4 =	sshll.u32 s28, $0x1;
	[dreg:$0x2] =	wrdreg s2  }
0xa9: {  	[dreg:$0x3] =	wrdreg s4  }
0xaa: {  	[dreg:$0x4] =	wrdreg $0xC0  }
0xab: {  	_ =	task [dreg:s6], $0x5FFFF  }
0xac: {  	[dreg:$0x1] =	wrdreg $0xFFFFFFFF  }
0xad: {  	[dreg:$0x0] =	wrdreg $0x60  }
0xae: {  	[dreg:$0x2] =	wrdreg s24  }
0xaf: {  	[dreg:$0x3] =	wrdreg $0x24000  }
0xb0: {  	[dreg:$0x4] =	wrdreg $0x15E000  }
0xb1: {  	[dreg:$0x5] =	wrdreg $0x9  }
0xb2: {  	_ =	task.clear_ibuf [dreg:s6], $0x6FFFF;
	_ =	strace $0x9000004C  }
0xb3: {  	s29 =	simm.s32 $0x9;
	_ =	strace $0x8000004E  }
0xb4: {  	_ =	swait.ge [sflag:s29], $0x1  }
0xb5: {  	[sflag:s29] =	ssyncadd.s32 $0xFFFFFFFF  }
0xb6: {  	_ =	strace $0x9000004E  }
0xb7: {  	_ =	sfence  }
0xb8: {  	s30 =	sld [smem:$0x0];
	_ =	sdelay $0x2  }
0xb9: {  	s31 =	sshll.u32 s1, $0xD;
	s1 =	sshrl.u32 s1, $0x2  }
0xba: {  	s3 =	sand.u32 $0x4000, s31;
	s1 =	sadd.s32 s1, s30  }
0xbb: {  	s0 =	sor.u32 s3, s0;
	s1 =	sshll.u32 s1, $0x11  }
0xbc: {  	s0 =	sor.u32 s1, s0  }
0xbd: {  	s0 =	sadd.s32 $0x8F2B, s0  }
0xbe: {  	[sflag:s0] =	ssyncadd.remote.s32 $0x1  }
0xbf: {  	_ =	sfence.sel $0xFFFF  }
0xc0: {  	[dreg:$0x0] =	wrdreg $0xFFFFFFFF;
	(pc) =	sbr.abs _section_cstart, $3  }
0xc1: {  	[dreg:$0x1] =	wrdreg $0xFFFFFFFF  }
0xc2: {  	_ =	task.clear_ibuf [dreg:s6], $0x2FFFF;
	_ =	strace $0x9FFFFFFF  }
0xc3: {  	(tm) =	ssettm $0x7FFFFFFF  }
tec
execute0_lowered:
.L_overlay_start_1:
0x0: {  	(tag) =	ssettag $0x1  }
0x1: {  	s0 =	srdreg.scid;
	s10 =	rddreg [dreg:$0x0]  }
0x2: {  	s22 =	stileid.u32;
	s28 =	rddreg [dreg:$0x2]  }
0x3: {  	s31 =	simm.s32 $0x1;
	s11 =	sand.u32 $0x1, s0;
	s12 =	smul.u32 $0x140, s22  }
0x4: {  	s13 =	sadd.s32 $0x11AC00, s10;
	s14 =	smul.u32 $0xA000, s22;
	s19 =	sshll.u32 s22, $0xA  }
0x5: {  	s3 =	sor.u32 $0x10, s22;
	s5 =	sor.u32 $0x40, s22;
	s9 =	sor.u32 $0x70, s22  }
0x6: {  	s17 =	smul.u32 $0x1400, s22;
	s24 =	sadd.s32 $0x2C00, s10;
	s0 =	ssub.s32 $0x2, s11  }
0x7: {  	s15 =	smul.u32 $0xA0000, s11;
	s2 =	sshll.u32 s3, $0xA;
	s6 =	sshll.u32 s5, $0xA  }
0x8: {  	s8 =	sshll.u32 s9, $0xA;
	s5 =	sshll.u32 s5, $0xD;
	s9 =	sshll.u32 s9, $0xD  }
0x9: {  	s1 =	sshrl.u32 s0, $0x1;
	s2 =	sadd.s32 s13, s2;
	s6 =	sadd.s32 s13, s6  }
0xa: {  	s8 =	sadd.s32 s13, s8;
	s17 =	sadd.s32 s24, s17;
	s18 =	sadd.s32 $0xC0, s12  }
0xb: {  	s0 =	ssub.s32 s0, s1;
	s1 =	sadd.s32 s13, s19;
	[dreg:$0x5] =	wrdreg s2  }
0xc: {  	s2 =	sor.u32 $0x30, s22;
	[dreg:$0x4] =	wrdreg s1;
	s1 =	sor.u32 $0x20, s22  }
0xd: {  	[dreg:$0x8] =	wrdreg s6;
	s6 =	sor.u32 $0x60, s22;
	s4 =	sshll.u32 s1, $0xA  }
0xe: {  	[dreg:$0xb] =	wrdreg s8;
	s20 =	sshll.u32 s2, $0xA;
	s4 =	sadd.s32 s13, s4  }
0xf: {  	s8 =	sor.u32 $0x90, s22;
	[dreg:$0x6] =	wrdreg s4;
	s4 =	sadd.s32 s13, s20  }
0x10: {  	s14 =	sadd.s32 s15, s14;
	[dreg:$0x7] =	wrdreg s4;
	s4 =	sor.u32 $0x50, s22  }
0x11: {  	[dreg:$0xe] =	wrdreg s17;
	s19 =	sadd.s32 $0x100, s12;
	s7 =	sshll.u32 s4, $0xA  }
0x12: {  	s21 =	sshll.u32 s6, $0xA;
	s23 =	sshll.u32 s8, $0xA;
	s7 =	sadd.s32 s13, s7  }
0x13: {  	s0 =	smax.u32 s0, $0x1;
	[dreg:$0x9] =	wrdreg s7;
	s7 =	sadd.s32 s13, s21  }
0x14: {  	s2 =	sshll.u32 s2, $0xD;
	[dreg:$0xa] =	wrdreg s7;
	s7 =	sor.u32 $0x80, s22  }
0x15: {  	s6 =	sshll.u32 s6, $0xD;
	p0 =	sgt.u32 s8, $0x9C;
	s16 =	sshll.u32 s7, $0xA  }
0x16: {  	s8 =	sshll.u32 s8, $0xD;
	s20 =	sshll.u32 s18, $0x4;
	s16 =	sadd.s32 s13, s16  }
0x17: {  	s20 =	sadd.s32 s24, s20;
	[dreg:$0xc] =	wrdreg s16;
	s16 =	sadd.s32 $0x40, s12  }
0x18: {  	s1 =	sshll.u32 s1, $0xD;
	[dreg:$0x11] =	wrdreg s20;
	s25 =	sshll.u32 s16, $0x4  }
0x19: {  	s4 =	sshll.u32 s4, $0xD;
	s21 =	sshll.u32 s19, $0x4;
	s17 =	sadd.s32 s24, s25  }
0x1a: {  	s7 =	sshll.u32 s7, $0xD;
	[dreg:$0xf] =	wrdreg s17;
	s17 =	sadd.s32 $0x80, s12  }
0x1b: {  	s13 =	sadd.s32 s13, s23;
	s23 =	sshrl.u32 s14, $0x3;
	s26 =	sshll.u32 s17, $0x4  }
0x1c: {  	[dreg:$0xd] =	wrdreg s13;
	s13 =	sshll.u32 s18, $0x7;
	s12 =	sadd.s32 s24, s26  }
0x1d: {  	s14 =	sshll.u32 s19, $0x7;
	s18 =	sadd.s32 s15, s13;
	[dreg:$0x10] =	wrdreg s12  }
0x1e: {  	s12 =	sadd.s32 s24, s21;
	s24 =	sadd.s32 $0x142C00, s10;
	s21 =	smul.u32 $0x280000, s11  }
0x1f: {  	s11 =	sshll.u32 s16, $0x7;
	[dreg:$0x12] =	wrdreg s12;
	s25 =	sadd.s32 s24, s23  }
0x20: {  	s12 =	sshll.u32 s17, $0x7;
	s16 =	sadd.s32 s15, s11;
	[dreg:$0x13] =	wrdreg s25  }
0x21: {  	s16 =	sshrl.u32 s16, $0x3;
	s17 =	sadd.s32 s15, s12;
	s15 =	sadd.s32 s15, s14  }
0x22: {  	s16 =	sadd.s32 s24, s16;
	s26 =	sshrl.u32 s17, $0x3;
	s17 =	sshrl.u32 s18, $0x3  }
0x23: {  	s18 =	smul.u32 $0x28000, s22;
	[dreg:$0x14] =	wrdreg s16;
	s16 =	sadd.s32 s24, s26  }
0x24: {  	s15 =	sshrl.u32 s15, $0x3;
	s19 =	sadd.s32 s24, s17;
	[dreg:$0x15] =	wrdreg s16  }
0x25: {  	s10 =	sadd.s32 $0x7AC00, s10;
	s15 =	sadd.s32 s24, s15;
	[dreg:$0x16] =	wrdreg s19  }
0x26: {  	[dreg:$0x17] =	wrdreg s15;
	s20 =	sadd.s32 s18, s21;
	s21 =	simm.s32 $0x0  }
0x27: {  	[smem:$0x7FF] =	sst s21;
	s23 =	sor.u32 $0x700, s20;
	s24 =	sshrl.u32 s20, $0x3  }
0x28: {  	s25 =	sor.u32 $0x600, s20;
	s19 =	sor.u32 $0x500, s20;
	s15 =	sor.u32 $0x400, s20  }
0x29: {  	s20 =	sshll.u32 s3, $0xD;
	s16 =	sshrl.u32 s23, $0x3;
	s17 =	sadd.s32 s10, s24  }
0x2a: {  	s26 =	sshrl.u32 s25, $0x3;
	s25 =	rddreg [dreg:$0x1];
	s15 =	sshrl.u32 s15, $0x3  }
0x2b: {  	_ =	strace $0x8000004D;
	[dreg:$0x19] =	wrdreg s0;
	s23 =	sadd.s32 s16, s10  }
0x2c: {  	s24 =	sadd.s32 s26, s10;
	s16 =	sshrl.u32 s19, $0x3;
	s30 =	sadd.s32 s15, s10  }
0x2d: {  	s15 =	sshll.u32 s22, $0x6;
	s0 =	sadd.s32 s20, s25;
	s1 =	sadd.s32 s1, s25  }
0x2e: {  	s2 =	sadd.s32 s2, s25;
	s5 =	sadd.s32 s5, s25;
	s4 =	sadd.s32 s4, s25  }
0x2f: {  	s6 =	sadd.s32 s6, s25;
	s9 =	sadd.s32 s9, s25;
	s7 =	sadd.s32 s7, s25  }
0x30: {  	s8 =	sadd.s32 s8, s25;
	s19 =	sadd.s32 s12, s28;
	[dreg:$0x18] =	wrdreg s17  }
0x31: {  	s20 =	sadd.s32 s13, s28;
	s29 =	sadd.s32 s16, s10;
	[dreg:$0x1c] =	wrdreg s19  }
0x32: {  	s16 =	sshrl.u32 s18, $0x2;
	s18 =	sadd.s32 s11, s28;
	[dreg:$0x1d] =	wrdreg s20  }
0x33: {  	s10 =	sshll.u32 s22, $0xD;
	s22 =	sadd.s32 s14, s28;
	[dreg:$0x1b] =	wrdreg s18  }
0x34: {  	s26 =	sor.u32 $0x1C07, s15;
	s0 =	sshrl.u32 s0, $0x3;
	[dreg:$0x1e] =	wrdreg s22  }
0x35: {  	s11 =	sshrl.u32 s1, $0x3;
	s12 =	sshrl.u32 s2, $0x3;
	[smem:$0x7F2] =	sst s0  }
0x36: {  	s13 =	sshrl.u32 s5, $0x3;
	s14 =	sshrl.u32 s4, $0x3;
	[smem:$0x7F3] =	sst s11  }
0x37: {  	s15 =	sshrl.u32 s6, $0x3;
	s19 =	sadd.s32 $0x20, s17;
	[smem:$0x7F4] =	sst s12  }
0x38: {  	s20 =	sadd.s32 $0x40, s17;
	s1 =	simm.s32 $0x80;
	[smem:$0x7F5] =	sst s13  }
0x39: {  	s2 =	simm.s32 $0x300;
	s4 =	simm.s32 $0x1400;
	[smem:$0x7F6] =	sst s14  }
0x3a: {  	s5 =	simm.s32 $0x180;
	s6 =	simm.s32 $0x5;
	[smem:$0x7F7] =	sst s15  }
0x3b: {  	s3 =	sadd.s32 s10, s25;
	s10 =	sadd.s32 s16, s28;
	[smem:$0x7FB] =	sst s19  }
0x3c: {  	s16 =	sshrl.u32 s9, $0x3;
	s18 =	sshrl.u32 s7, $0x3;
	[smem:$0x7FC] =	sst s20  }
0x3d: {  	s0 =	sshrl.u32 @!p0 s8, $0x3;
	s22 =	sadd.s32 $0x60, s17;
	[dreg:$0x1a] =	wrdreg s10  }
0x3e: {  	s19 =	simm.s32 $0x100;
	s20 =	simm.s32 $0x200;
	[smem:$0x7F8] =	sst s16  }
0x3f: {  	s7 =	simm.s32 $0x3;
	s8 =	simm.s32 $0x280;
	[smem:$0x7F9] =	sst s18  }
0x40: {  	s9 =	simm.s32 $0x6;
	s11 =	simm.s32 $0x380;
	[smem:$0x7FA] =	sst s0  }
0x41: {  	s12 =	simm.s32 $0x0;
	s3 =	sshrl.u32 s3, $0x3;
	[smem:$0x7FD] =	sst s22  }
0x42: {  	s18 =	simm.s32 $0x7;
	s22 =	simm.s32 $0x20;
	s0 =	simm.s32 $0x400  }
0x43: {  	s10 =	simm.s32 $0x4;
	[dreg:$0x1f] =	wrdreg s3;
	s3 =	simm.s32 $0x2  }
.LBB2_1:
0x44: {  	s13 =	rddreg [dreg:$0x4]  }
0x45: {  	s14 =	rddreg [dreg:$0x1f]  }
0x46: {  	[spmem:s14], [sflag:s26] =	dma.local [hbm:s13], $0x400  }
0x47: {  	_ =	swait.ge [sflag:s18], $0x400  }
0x48: {  	s15 =	sld [smem:$0x7F2]  }
0x49: {  	[sflag:s18] =	ssyncset.done $0x0  }
0x4a: {  	s14 =	rddreg [dreg:$0x5];
	[sflag:s18] =	ssyncadd.s32 $0xFFFFFC00  }
0x4b: {  	[spmem:s15], [sflag:s26] =	dma.local [hbm:s14], $0x400  }
0x4c: {  	_ =	swait.ge [sflag:s18], $0x400  }
0x4d: {  	s17 =	sld [smem:$0x7F3]  }
0x4e: {  	[sflag:s18] =	ssyncset.done $0x0  }
0x4f: {  	s16 =	rddreg [dreg:$0x6];
	[sflag:s18] =	ssyncadd.s32 $0xFFFFFC00  }
0x50: {  	[spmem:s17], [sflag:s26] =	dma.local [hbm:s16], $0x400  }
0x51: {  	_ =	swait.ge [sflag:s18], $0x400  }
0x52: {  	s15 =	sld [smem:$0x7F4]  }
0x53: {  	[sflag:s18] =	ssyncset.done $0x0  }
0x54: {  	s14 =	rddreg [dreg:$0x7];
	[sflag:s18] =	ssyncadd.s32 $0xFFFFFC00  }
0x55: {  	[spmem:s15], [sflag:s26] =	dma.local [hbm:s14], $0x400  }
0x56: {  	_ =	swait.ge [sflag:s18], $0x400  }
0x57: {  	s17 =	sld [smem:$0x7F5]  }
0x58: {  	[sflag:s18] =	ssyncset.done $0x0  }
0x59: {  	s16 =	rddreg [dreg:$0x8];
	[sflag:s18] =	ssyncadd.s32 $0xFFFFFC00  }
0x5a: {  	[spmem:s17], [sflag:s26] =	dma.local [hbm:s16], $0x400  }
0x5b: {  	_ =	swait.ge [sflag:s18], $0x400  }
0x5c: {  	s15 =	sld [smem:$0x7F6]  }
0x5d: {  	[sflag:s18] =	ssyncset.done $0x0  }
0x5e: {  	s14 =	rddreg [dreg:$0x9];
	[sflag:s18] =	ssyncadd.s32 $0xFFFFFC00  }
0x5f: {  	[spmem:s15], [sflag:s26] =	dma.local [hbm:s14], $0x400  }
0x60: {  	_ =	swait.ge [sflag:s18], $0x400  }
0x61: {  	s17 =	sld [smem:$0x7F7]  }
0x62: {  	[sflag:s18] =	ssyncset.done $0x0  }
0x63: {  	s16 =	rddreg [dreg:$0xa];
	[sflag:s18] =	ssyncadd.s32 $0xFFFFFC00  }
0x64: {  	[spmem:s17], [sflag:s26] =	dma.local [hbm:s16], $0x400  }
0x65: {  	_ =	swait.ge [sflag:s18], $0x400  }
0x66: {  	s15 =	sld [smem:$0x7F8]  }
0x67: {  	[sflag:s18] =	ssyncset.done $0x0  }
0x68: {  	s14 =	rddreg [dreg:$0xb];
	[sflag:s18] =	ssyncadd.s32 $0xFFFFFC00  }
0x69: {  	[spmem:s15], [sflag:s26] =	dma.local [hbm:s14], $0x400  }
0x6a: {  	_ =	swait.ge [sflag:s18], $0x400  }
0x6b: {  	s17 =	sld [smem:$0x7F9]  }
0x6c: {  	[sflag:s18] =	ssyncset.done $0x0  }
0x6d: {  	s16 =	rddreg [dreg:$0xc];
	[sflag:s18] =	ssyncadd.s32 $0xFFFFFC00  }
0x6e: {  	[spmem:s17], [sflag:s26] =	dma.local [hbm:s16], $0x400  }
0x6f: {  	_ =	swait.ge [sflag:s18], $0x400  }
0x70: {  	s14 =	sld [smem:$0x7FA]  }
0x71: {  	[sflag:s18] =	ssyncset.done $0x0  }
0x72: {  	s13 =	rddreg [dreg:$0xd];
	[sflag:s18] =	ssyncadd.s32 $0xFFFFFC00  }
0x73: {  	[spmem:s14], [sflag:s26] =	dma.local @!p0 [hbm:s13], $0x400  }
0x74: {  	s13 =	simm.s32 @!p0 $0x7  }
0x75: {  	_ =	swait.ge @!p0 [sflag:s13], $0x400  }
0x76: {  	s15 =	rddreg [dreg:$0x1a]  }
0x77: {  	[sflag:s13] =	ssyncset.done @!p0 $0x0;
	s17 =	rddreg [dreg:$0xe];
	s16 =	sshrl.u32 s15, $0x3  }
0x78: {  	[sflag:s13] =	ssyncadd.s32 @!p0 $0xFFFFFC00;
	[smem:$0x7EF] =	sst s16  }
0x79: {  	[spmem:s16], [sflag:s26] =	dma.local [hbm:s17], $0x400  }
0x7a: {  	_ =	swait.ge [sflag:s18], $0x400  }
0x7b: {  	s14 =	rddreg [dreg:$0x1b]  }
0x7c: {  	[sflag:s18] =	ssyncset.done $0x0;
	s16 =	rddreg [dreg:$0xf];
	s15 =	sshrl.u32 s14, $0x3  }
0x7d: {  	[sflag:s18] =	ssyncadd.s32 $0xFFFFFC00;
	[smem:$0x7F0] =	sst s15  }
0x7e: {  	[spmem:s15], [sflag:s26] =	dma.local [hbm:s16], $0x400  }
0x7f: {  	_ =	swait.ge [sflag:s18], $0x400  }
0x80: {  	s17 =	rddreg [dreg:$0x1c]  }
0x81: {  	[sflag:s18] =	ssyncset.done $0x0;
	s15 =	rddreg [dreg:$0x10];
	s13 =	sshrl.u32 s17, $0x3  }
0x82: {  	[sflag:s18] =	ssyncadd.s32 $0xFFFFFC00;
	[smem:$0x7F1] =	sst s13  }
0x83: {  	[spmem:s13], [sflag:s26] =	dma.local [hbm:s15], $0x400  }
0x84: {  	_ =	swait.ge [sflag:s18], $0x400  }
0x85: {  	[sflag:s18] =	ssyncset.done $0x0;
	s16 =	rddreg [dreg:$0x1d]  }
0x86: {  	s17 =	rddreg [dreg:$0x11];
	[sflag:s18] =	ssyncadd.s32 $0xFFFFFC00;
	s16 =	sshrl.u32 s16, $0x3  }
0x87: {  	[spmem:s16], [sflag:s26] =	dma.local [hbm:s17], $0x400  }
0x88: {  	_ =	swait.ge [sflag:s18], $0x400  }
0x89: {  	[sflag:s18] =	ssyncset.done $0x0;
	s14 =	rddreg [dreg:$0x1e]  }
0x8a: {  	s15 =	rddreg [dreg:$0x12];
	[sflag:s18] =	ssyncadd.s32 $0xFFFFFC00;
	s17 =	sshrl.u32 s14, $0x3  }
0x8b: {  	[spmem:s17], [sflag:s26] =	dma.local [hbm:s15], $0x400  }
0x8c: {  	_ =	swait.ge [sflag:s18], $0x400  }
0x8d: {  	[sflag:s18] =	ssyncset.done $0x0  }
0x8e: {  	[sflag:s18] =	ssyncadd.s32 $0xFFFFFC00  }
0x8f: {  	[bflag:$0x0] =	sbarrier.arrive $0xFFFF  }
0x90: {  	s14 =	rddreg [dreg:$0x18]  }
0x91: {  	s15 =	sld [smem:$0x7FB]  }
0x92: {  	[tilespmem:s21], [sflag:$0x1] =	stream.linear.gather [hbm4b:s14+s21], $0x100, $0x38;
	[tilespmem:$0x1FE00] =	vst v63  }
0x93: {  	s14 =	sld [smem:$0x7FC]  }
0x94: {  	[tilespmem:s19], [sflag:$0x2] =	stream.linear.gather [hbm4b:s15+s21], $0x100, $0x38;
	[tilespmem:$0x1FE00] =	vst v63  }
0x95: {  	_ = 	snop  }
0x96: {  	[tilespmem:s20], [sflag:$0x3] =	stream.linear.gather [hbm4b:s14+s21], $0x100, $0x38;
	[tilespmem:$0x1FE00] =	vst v63  }
0x97: {  	_ =	swait.ge [sflag:s31], $0x100  }
0x98: {  	[sflag:s31] =	ssyncset.done $0x0  }
0x99: {  	[sflag:s31] =	ssyncadd.s32 $0xFFFFFF00  }
0x9a: {  	[tilespmem:s0], [sflag:$0x7] =	stream.indirect.gather [spmem:s25], $0x80, s21, s22, $0xb8;
	[tilespmem:$0x1FE00] =	vst v63  }
0x9b: {  	_ =	swait.ge [sflag:s18], $0x1000  }
0x9c: {  	[sflag:s18] =	ssyncset.done $0x0  }
0x9d: {  	s15 =	sld [smem:$0x7FD];
	[sflag:s18] =	ssyncadd.s32 $0xFFFFF000  }
0x9e: {  	[spmem:s28] =	stream.indirect.scatter.add.f32 [tilespmem:s0], [sflag:$0x5], $0x80, s1, s22, $0xb8;
	[tilespmem:$0x1FE00] =	vst v63  }
0x9f: {  	_ = 	snop  }
0xa0: {  	[tilespmem:s2], [sflag:$0x4] =	stream.linear.gather [hbm4b:s15+s21], $0x100, $0x38;
	[tilespmem:$0x1FE00] =	vst v63  }
0xa1: {  	_ =	swait.ge [sflag:s3], $0x100  }
0xa2: {  	[sflag:s3] =	ssyncset.done $0x0  }
0xa3: {  	[sflag:s3] =	ssyncadd.s32 $0xFFFFFF00  }
0xa4: {  	[tilespmem:s4], [sflag:$0x7] =	stream.indirect.gather [spmem:s25], $0x80, s19, s22, $0xb8;
	[tilespmem:$0x1FE00] =	vst v63  }
0xa5: {  	_ =	swait.ge [sflag:s18], $0x1000  }
0xa6: {  	[sflag:s18] =	ssyncset.done $0x0  }
0xa7: {  	[sflag:s18] =	ssyncadd.s32 $0xFFFFF000  }
0xa8: {  	[spmem:s28] =	stream.indirect.scatter.add.f32 [tilespmem:s4], [sflag:$0x6], $0x80, s5, s22, $0xb8;
	[tilespmem:$0x1FE00] =	vst v63  }
0xa9: {  	_ =	swait.ge [sflag:s6], $0x1000  }
0xaa: {  	[sflag:s6] =	ssyncset.done $0x0  }
0xab: {  	s14 =	sadd.s32 $0x0, s30;
	[sflag:s6] =	ssyncadd.s32 $0xFFFFF000  }
0xac: {  	[tilespmem:s21], [sflag:$0x1] =	stream.linear.gather [hbm4b:s14+s21], $0x100, $0x38;
	[tilespmem:$0x1FE00] =	vst v63  }
0xad: {  	_ =	swait.ge [sflag:s7], $0x100  }
0xae: {  	[sflag:s7] =	ssyncset.done $0x0  }
0xaf: {  	[sflag:s7] =	ssyncadd.s32 $0xFFFFFF00  }
0xb0: {  	[tilespmem:s0], [sflag:$0x7] =	stream.indirect.gather [spmem:s25], $0x80, s20, s22, $0xb8;
	[tilespmem:$0x1FE00] =	vst v63  }
0xb1: {  	_ =	swait.ge [sflag:s18], $0x1000  }
0xb2: {  	[sflag:s18] =	ssyncset.done $0x0  }
0xb3: {  	[sflag:s18] =	ssyncadd.s32 $0xFFFFF000  }
0xb4: {  	[spmem:s28] =	stream.indirect.scatter.add.f32 [tilespmem:s0], [sflag:$0x5], $0x80, s8, s22, $0xb8;
	[tilespmem:$0x1FE00] =	vst v63  }
0xb5: {  	_ =	swait.ge [sflag:s9], $0x1000  }
0xb6: {  	[sflag:s9] =	ssyncset.done $0x0  }
0xb7: {  	s15 =	sadd.s32 $0x0, s29;
	[sflag:s9] =	ssyncadd.s32 $0xFFFFF000  }
0xb8: {  	[tilespmem:s19], [sflag:$0x2] =	stream.linear.gather [hbm4b:s15+s21], $0x100, $0x38;
	[tilespmem:$0x1FE00] =	vst v63  }
0xb9: {  	_ =	swait.ge [sflag:s10], $0x100  }
0xba: {  	[sflag:s10] =	ssyncset.done $0x0  }
0xbb: {  	[sflag:s10] =	ssyncadd.s32 $0xFFFFFF00  }
0xbc: {  	[tilespmem:s4], [sflag:$0x7] =	stream.indirect.gather [spmem:s25], $0x80, s2, s22, $0xb8;
	[tilespmem:$0x1FE00] =	vst v63  }
0xbd: {  	_ =	swait.ge [sflag:s18], $0x1000  }
0xbe: {  	[sflag:s18] =	ssyncset.done $0x0  }
0xbf: {  	[sflag:s18] =	ssyncadd.s32 $0xFFFFF000  }
0xc0: {  	[spmem:s28] =	stream.indirect.scatter.add.f32 [tilespmem:s4], [sflag:$0x6], $0x80, s11, s22, $0xb8;
	[tilespmem:$0x1FE00] =	vst v63  }
0xc1: {  	_ =	swait.ge [sflag:s6], $0x1000  }
0xc2: {  	[sflag:s6] =	ssyncset.done $0x0  }
0xc3: {  	s14 =	sadd.s32 $0x0, s24;
	[sflag:s6] =	ssyncadd.s32 $0xFFFFF000  }
0xc4: {  	[tilespmem:s20], [sflag:$0x3] =	stream.linear.gather [hbm4b:s14+s21], $0x100, $0x38;
	[tilespmem:$0x1FE00] =	vst v63  }
0xc5: {  	_ =	swait.ge [sflag:s31], $0x100  }
0xc6: {  	[sflag:s31] =	ssyncset.done $0x0  }
0xc7: {  	[sflag:s31] =	ssyncadd.s32 $0xFFFFFF00  }
0xc8: {  	[tilespmem:s0], [sflag:$0x7] =	stream.indirect.gather [spmem:s25], $0x80, s21, s22, $0xb8;
	[tilespmem:$0x1FE00] =	vst v63  }
0xc9: {  	_ =	swait.ge [sflag:s18], $0x1000  }
0xca: {  	[sflag:s18] =	ssyncset.done $0x0  }
0xcb: {  	[sflag:s18] =	ssyncadd.s32 $0xFFFFF000  }
0xcc: {  	[spmem:s28] =	stream.indirect.scatter.add.f32 [tilespmem:s0], [sflag:$0x5], $0x80, s1, s22, $0xb8;
	[tilespmem:$0x1FE00] =	vst v63  }
0xcd: {  	_ =	swait.ge [sflag:s9], $0x1000  }
0xce: {  	[sflag:s9] =	ssyncset.done $0x0  }
0xcf: {  	s15 =	sadd.s32 $0x0, s23;
	[sflag:s9] =	ssyncadd.s32 $0xFFFFF000  }
0xd0: {  	[tilespmem:s2], [sflag:$0x4] =	stream.linear.gather [hbm4b:s15+s21], $0x100, $0x38;
	[tilespmem:$0x1FE00] =	vst v63  }
0xd1: {  	_ =	swait.ge [sflag:s3], $0x100  }
0xd2: {  	[sflag:s3] =	ssyncset.done $0x0  }
0xd3: {  	[sflag:s3] =	ssyncadd.s32 $0xFFFFFF00  }
0xd4: {  	[tilespmem:s4], [sflag:$0x7] =	stream.indirect.gather [spmem:s25], $0x80, s19, s22, $0xb8;
	[tilespmem:$0x1FE00] =	vst v63  }
0xd5: {  	_ =	swait.ge [sflag:s18], $0x1000  }
0xd6: {  	[sflag:s18] =	ssyncset.done $0x0  }
0xd7: {  	s13 =	simm.s32 $0x80;
	[sflag:s18] =	ssyncadd.s32 $0xFFFFF000  }
.LBB2_2:
0xd8: {  	[spmem:s28] =	stream.indirect.scatter.add.f32 [tilespmem:s4], [sflag:$0x6], $0x80, s5, s22, $0xb8;
	[tilespmem:$0x1FE00] =	vst v63  }
0xd9: {  	s14 =	smov.u32 s13  }
0xda: {  	p1 =	sne.s32 s13, $0x4F00;
	s13 =	sadd.s32 $0x80, s13;
	_ =	swait.ge [sflag:s6], $0x1000  }
0xdb: {  	[sflag:s6] =	ssyncset.done $0x0  }
0xdc: {  	s15 =	sadd.s32 s14, s30;
	[sflag:s6] =	ssyncadd.s32 $0xFFFFF000  }
0xdd: {  	[tilespmem:s21], [sflag:$0x1] =	stream.linear.gather [hbm4b:s15+s21], $0x100, $0x38;
	[tilespmem:$0x1FE00] =	vst v63  }
0xde: {  	_ =	swait.ge [sflag:s7], $0x100  }
0xdf: {  	[sflag:s7] =	ssyncset.done $0x0  }
0xe0: {  	[sflag:s7] =	ssyncadd.s32 $0xFFFFFF00  }
0xe1: {  	[tilespmem:s0], [sflag:$0x7] =	stream.indirect.gather [spmem:s25], $0x80, s20, s22, $0xb8;
	[tilespmem:$0x1FE00] =	vst v63  }
0xe2: {  	_ =	swait.ge [sflag:s18], $0x1000  }
0xe3: {  	[sflag:s18] =	ssyncset.done $0x0  }
0xe4: {  	[sflag:s18] =	ssyncadd.s32 $0xFFFFF000  }
0xe5: {  	[spmem:s28] =	stream.indirect.scatter.add.f32 [tilespmem:s0], [sflag:$0x5], $0x80, s8, s22, $0xb8;
	[tilespmem:$0x1FE00] =	vst v63  }
0xe6: {  	_ =	swait.ge [sflag:s9], $0x1000  }
0xe7: {  	[sflag:s9] =	ssyncset.done $0x0  }
0xe8: {  	s15 =	sadd.s32 s14, s29;
	[sflag:s9] =	ssyncadd.s32 $0xFFFFF000  }
0xe9: {  	[tilespmem:s19], [sflag:$0x2] =	stream.linear.gather [hbm4b:s15+s21], $0x100, $0x38;
	[tilespmem:$0x1FE00] =	vst v63  }
0xea: {  	_ =	swait.ge [sflag:s10], $0x100  }
0xeb: {  	[sflag:s10] =	ssyncset.done $0x0  }
0xec: {  	[sflag:s10] =	ssyncadd.s32 $0xFFFFFF00  }
0xed: {  	[tilespmem:s4], [sflag:$0x7] =	stream.indirect.gather [spmem:s25], $0x80, s2, s22, $0xb8;
	[tilespmem:$0x1FE00] =	vst v63  }
0xee: {  	_ =	swait.ge [sflag:s18], $0x1000  }
0xef: {  	[sflag:s18] =	ssyncset.done $0x0  }
0xf0: {  	[sflag:s18] =	ssyncadd.s32 $0xFFFFF000  }
0xf1: {  	[spmem:s28] =	stream.indirect.scatter.add.f32 [tilespmem:s4], [sflag:$0x6], $0x80, s11, s22, $0xb8;
	[tilespmem:$0x1FE00] =	vst v63  }
0xf2: {  	_ =	swait.ge [sflag:s6], $0x1000  }
0xf3: {  	[sflag:s6] =	ssyncset.done $0x0  }
0xf4: {  	s15 =	sadd.s32 s14, s24;
	[sflag:s6] =	ssyncadd.s32 $0xFFFFF000  }
0xf5: {  	[tilespmem:s20], [sflag:$0x3] =	stream.linear.gather [hbm4b:s15+s21], $0x100, $0x38;
	[tilespmem:$0x1FE00] =	vst v63  }
0xf6: {  	_ =	swait.ge [sflag:s31], $0x100  }
0xf7: {  	[sflag:s31] =	ssyncset.done $0x0  }
0xf8: {  	[sflag:s31] =	ssyncadd.s32 $0xFFFFFF00  }
0xf9: {  	[tilespmem:s0], [sflag:$0x7] =	stream.indirect.gather [spmem:s25], $0x80, s21, s22, $0xb8;
	[tilespmem:$0x1FE00] =	vst v63  }
0xfa: {  	_ =	swait.ge [sflag:s18], $0x1000  }
0xfb: {  	[sflag:s18] =	ssyncset.done $0x0  }
0xfc: {  	[sflag:s18] =	ssyncadd.s32 $0xFFFFF000  }
0xfd: {  	[spmem:s28] =	stream.indirect.scatter.add.f32 [tilespmem:s0], [sflag:$0x5], $0x80, s1, s22, $0xb8;
	[tilespmem:$0x1FE00] =	vst v63  }
0xfe: {  	_ =	swait.ge [sflag:s9], $0x1000  }
0xff: {  	[sflag:s9] =	ssyncset.done $0x0  }
0x100: {  	s14 =	sadd.s32 s14, s23;
	[sflag:s9] =	ssyncadd.s32 $0xFFFFF000  }
0x101: {  	[tilespmem:s2], [sflag:$0x4] =	stream.linear.gather [hbm4b:s14+s21], $0x100, $0x38;
	[tilespmem:$0x1FE00] =	vst v63  }
0x102: {  	_ =	swait.ge [sflag:s3], $0x100  }
0x103: {  	[sflag:s3] =	ssyncset.done $0x0  }
.Ltmp0:
0x104: {  	[sflag:s3] =	ssyncadd.s32 $0xFFFFFF00;
	(pc) =	sbr.rel @p1 .LBB2_2-.Ltmp0, $4  }
0x105: {  	[tilespmem:s4], [sflag:$0x7] =	stream.indirect.gather [spmem:s25], $0x80, s19, s22, $0xb8;
	[tilespmem:$0x1FE00] =	vst v63  }
0x106: {  	_ =	swait.ge [sflag:s18], $0x1000  }
0x107: {  	[sflag:s18] =	ssyncset.done $0x0  }
0x108: {  	[sflag:s18] =	ssyncadd.s32 $0xFFFFF000  }
0x109: {  	[spmem:s28] =	stream.indirect.scatter.add.f32 [tilespmem:s4], [sflag:$0x6], $0x80, s5, s22, $0xb8;
	[tilespmem:$0x1FE00] =	vst v63  }
0x10a: {  	_ =	swait.ge [sflag:s6], $0x1000  }
0x10b: {  	[sflag:s6] =	ssyncset.done $0x0  }
0x10c: {  	[sflag:s6] =	ssyncadd.s32 $0xFFFFF000  }
0x10d: {  	_ =	swait.ge [sflag:s7], $0x100  }
0x10e: {  	[sflag:s7] =	ssyncset.done $0x0  }
0x10f: {  	[sflag:s7] =	ssyncadd.s32 $0xFFFFFF00  }
0x110: {  	[tilespmem:s0], [sflag:$0x7] =	stream.indirect.gather [spmem:s25], $0x80, s20, s22, $0xb8;
	[tilespmem:$0x1FE00] =	vst v63  }
0x111: {  	_ =	swait.ge [sflag:s18], $0x1000  }
0x112: {  	[sflag:s18] =	ssyncset.done $0x0  }
0x113: {  	[sflag:s18] =	ssyncadd.s32 $0xFFFFF000  }
0x114: {  	[spmem:s28] =	stream.indirect.scatter.add.f32 [tilespmem:s0], [sflag:$0x5], $0x80, s8, s22, $0xb8;
	[tilespmem:$0x1FE00] =	vst v63  }
0x115: {  	_ =	swait.ge [sflag:s9], $0x1000  }
0x116: {  	[sflag:s9] =	ssyncset.done $0x0  }
0x117: {  	[sflag:s9] =	ssyncadd.s32 $0xFFFFF000  }
0x118: {  	_ =	swait.ge [sflag:s10], $0x100  }
0x119: {  	[sflag:s10] =	ssyncset.done $0x0  }
0x11a: {  	[sflag:s10] =	ssyncadd.s32 $0xFFFFFF00  }
0x11b: {  	[tilespmem:s4], [sflag:$0x7] =	stream.indirect.gather [spmem:s25], $0x80, s2, s22, $0xb8;
	[tilespmem:$0x1FE00] =	vst v63  }
0x11c: {  	_ =	swait.ge [sflag:s18], $0x1000  }
0x11d: {  	[sflag:s18] =	ssyncset.done $0x0  }
0x11e: {  	[sflag:s18] =	ssyncadd.s32 $0xFFFFF000  }
0x11f: {  	[spmem:s28] =	stream.indirect.scatter.add.f32 [tilespmem:s4], [sflag:$0x6], $0x80, s11, s22, $0xb8;
	[tilespmem:$0x1FE00] =	vst v63  }
0x120: {  	_ =	swait.ge [sflag:s6], $0x1000  }
0x121: {  	[sflag:s6] =	ssyncset.done $0x0  }
0x122: {  	[sflag:s6] =	ssyncadd.s32 $0xFFFFF000  }
0x123: {  	_ =	swait.ge [sflag:s9], $0x1000  }
0x124: {  	[sflag:s9] =	ssyncset.done $0x0  }
0x125: {  	[sflag:s9] =	ssyncadd.s32 $0xFFFFF000  }
0x126: {  	[bflag:$0x0] =	sbarrier.arrive $0xFFFF  }
0x127: {  	s14 =	sld [smem:$0x7EF];
	_ =	sdelay $0x1  }
0x128: {  	s13 =	rddreg [dreg:$0x13]  }
0x129: {  	[hbm:s13], [sflag:s26] =	dma.local [spmem:s14], $0x400  }
0x12a: {  	_ =	swait.ge [sflag:s18], $0x400  }
0x12b: {  	s15 =	sld [smem:$0x7F0]  }
0x12c: {  	[sflag:s18] =	ssyncset.done $0x0  }
0x12d: {  	s14 =	rddreg [dreg:$0x14];
	[sflag:s18] =	ssyncadd.s32 $0xFFFFFC00  }
0x12e: {  	[hbm:s14], [sflag:s26] =	dma.local [spmem:s15], $0x400  }
0x12f: {  	_ =	swait.ge [sflag:s18], $0x400  }
0x130: {  	s15 =	sld [smem:$0x7F1]  }
0x131: {  	[sflag:s18] =	ssyncset.done $0x0  }
0x132: {  	s14 =	rddreg [dreg:$0x15];
	[sflag:s18] =	ssyncadd.s32 $0xFFFFFC00  }
0x133: {  	[hbm:s14], [sflag:s26] =	dma.local [spmem:s15], $0x400  }
0x134: {  	_ =	swait.ge [sflag:s18], $0x400  }
0x135: {  	[sflag:s18] =	ssyncset.done $0x0  }
0x136: {  	s15 =	rddreg [dreg:$0x16];
	[sflag:s18] =	ssyncadd.s32 $0xFFFFFC00  }
0x137: {  	[hbm:s15], [sflag:s26] =	dma.local [spmem:s16], $0x400  }
0x138: {  	_ =	swait.ge [sflag:s18], $0x400  }
0x139: {  	[sflag:s18] =	ssyncset.done $0x0  }
0x13a: {  	s16 =	rddreg [dreg:$0x17];
	[sflag:s18] =	ssyncadd.s32 $0xFFFFFC00  }
0x13b: {  	[hbm:s16], [sflag:s26] =	dma.local [spmem:s17], $0x400  }
0x13c: {  	_ =	swait.ge [sflag:s18], $0x400  }
0x13d: {  	s12 =	sadd.s32 $0x1, s12;
	s17 =	rddreg [dreg:$0x19]  }
0x13e: {  	p1 =	sne.s32 s12, s17  }
.Ltmp1:
0x13f: {  	_ = 	snop;
	(pc) =	sbr.rel @p1 .LBB2_1-.Ltmp1, $3  }
0x140: {  	_ =	sdelay $0x1  }
0x141: {  	[sflag:s18] =	ssyncset.done $0x0  }
0x142: {  	[sflag:s18] =	ssyncadd.s32 $0xFFFFFC00  }
0x143: {  	_ =	sfence.sel $0x180000  }
0x144: {  	[bflag:$0x0] =	sbarrier.arrive $0xFFFF  }
0x145: {  	_ =	strace $0x9000004D  }
0x146: {  	s0 =	stileid.u32;
	[bflag:$0x2] =	sbarrier.arrive $0xFFFF  }
0x147: {  	p0 =	sne.s32 s0, $0x0;
	s0 =	rddreg [dreg:$0x3]  }
0x148: {  	s0 =	sadd.s32 @!p0 $0x100000, s0  }
0x149: {  	[sflag:s0] =	ssyncadd.tile.s32 @!p0 $0x1;
	_ =	shalt  }
.Lfunc_end2:
_tile_overlayer_lowered:
.L_overlay_start_2:
0x14a: {  	(tag) =	ssettag $0x2  }
0x14b: {  	s0 =	rddreg [dreg:$0x0];
	s2 =	stileid.u32  }
0x14c: {  	s1 =	rddreg [dreg:$0x1];
	p0 =	sne.s32 s2, $0x0  }
0x14d: {  	s3 =	rddreg [dreg:$0x2];
	[bflag:$0x3] =	sbarrier.arrive $0xFFFF;
	s2 =	simm.s32 @!p0 $0x1C07  }
0x14e: {  	[timem:s3], [sflag:s2] =	dma.local @!p0 [hbm:s0], s1  }
0x14f: {  	s0 =	simm.s32 @!p0 $0x7  }
0x150: {  	_ =	swait.ge @!p0 [sflag:s0], s1  }
0x151: {  	s1 =	ssub.s32 @!p0 $0x0, s1;
	[sflag:s0] =	ssyncset.done @!p0 $0x0  }
0x152: {  	[sflag:s0] =	ssyncadd.s32 @!p0 s1  }
0x153: {  	[bflag:$0x3] =	sbarrier.arrive $0xFFFF  }
0x154: {  	_ =	shalt  }

// kernel: kernel.8.cloned.1.call-start
scs
__scs_entry_jumppad:
0x0: {  	(pc) =	sbr.rel $0x88, $3  }
0x1: {  	(tag) =	ssettag $0x0;
	lr =	simm.s32 $0x1  }
0x2: {  	[smem:$0x3F99] =	sst lr;
	_ =	strace $0xD0000000  }
0x3: {  	_ = 	snop  }
0x4: {  	_ = 	snop  }
0x5: {  	_ = 	snop  }
0x6: {  	_ = 	snop  }
0x7: {  	_ = 	snop  }
__scs_overlays_trampoline_lowered:
0x8: {  	[smem:$0x3FA8] =	sst s0  }
0x9: {  	[smem:$0x3FA9] =	sst s1  }
0xa: {  	[smem:$0x3FAA] =	sst s2  }
0xb: {  	[smem:$0x3FAB] =	sst s3  }
0xc: {  	[smem:$0x3FAC] =	sst s4  }
0xd: {  	[smem:$0x3FAD] =	sst s5  }
0xe: {  	[smem:$0x3FAE] =	sst s6  }
0xf: {  	[smem:$0x3FAF] =	sst s7  }
0x10: {  	[smem:$0x3FB0] =	sst s8  }
0x11: {  	[smem:$0x3FB1] =	sst s9;
	s0 =	simm.s32 @!p0 $0x0  }
0x12: {  	s1 =	sld [smem:$0x3F97];
	s0 =	simm.s32 @p0 $0x1  }
0x13: {  	[smem:$0x3FB2] =	sst s0;
	s0 =	simm.s32 @!p1 $0x0  }
0x14: {  	s2 =	sld [smem:$0x3F96];
	s0 =	simm.s32 @p1 $0x1  }
0x15: {  	[smem:$0x3FB3] =	sst s0;
	s0 =	simm.s32 @!p2 $0x0  }
0x16: {  	s3 =	sld [smem:$0x3FDB];
	s0 =	simm.s32 @p2 $0x1  }
0x17: {  	s4 =	simm.s32 $0x1BF5;
	[smem:$0x3FB5] =	sst s0  }
0x18: {  	s0 =	sld [smem:$0x3F98];
	_ =	swait.ge [sflag:s4], $0x0  }
0x19: {  	s7 =	sld [smem:$0x3F99]  }
0x1a: {  	s8 =	sadd.s32 $0xFFFFE003, lr  }
0x1b: {  	s9 =	sadd.s32 $0xFFFFFEF7, lr;
	s5 =	simm.s32 $0xFFFFFFFF;
	p2 =	slt.u32 s8, $0xFFFFF086  }
0x1c: {  	p1 =	slt.u32 s9, $0xF7A;
	s5 =	simm.s32 @!p2 $0x0  }
0x1d: {  	s5 =	simm.s32 @p1 $0x1;
	p0 =	seq.s32 s7, s2  }
0x1e: {  	s7 =	smul.u32 @!p0 $0xF7A, s2;
	p2 =	seq.s32 @!p0 s5, $0x0  }
0x1f: {  	s9 =	smul.u32 $0xF7A, s1;
	s8 =	simm.s32 @!p0 $0x1BF5;
	p2 =	por !p2, p0  }
0x20: {  	[sflag:s8] =	ssyncset.s32 @!p0 $0xFFFFF086;
	s6 =	sadd.s32 @!p0 s3, s7;
	s7 =	simm.s32 @!p0 $0x108  }
0x21: {  	s3 =	sadd.s32 s3, s9;
	s6 =	sadd.s32 @!p0 $0x88, s6;
	s7 =	simm.s32 @p2 $0x1082  }
0x22: {  	[simem:s7], [sflag:s8] =	dma.local @!p0 [hbm:s6], $0xF7A  }
0x23: {  	s9 =	sor.u32 $0xD0000000, s2;
	s6 =	simm.s32 $0x108;
	_ =	swait.ge @!p0 [sflag:s8], $0x0  }
0x24: {  	s3 =	sadd.s32 $0x88, s3;
	s6 =	simm.s32 @!p1 $0x1082;
	[sflag:s4] =	ssyncset.s32 $0xFFFFF086  }
0x25: {  	[simem:s6], [sflag:s4] =	dma.local [hbm:s3], $0xF7A  }
0x26: {  	[smem:$0x3F99] =	sst s1;
	(tag) =	ssettag s2;
	_ =	strace s9  }
0x27: {  	s1 =	sld [smem:$0x3FA9]  }
0x28: {  	s2 =	sld [smem:$0x3FAA]  }
0x29: {  	s4 =	sld [smem:$0x3FAC]  }
0x2a: {  	p0 =	seq.s32 s5, $0x0;
	s5 =	sld [smem:$0x3FAD]  }
0x2b: {  	s6 =	sld [smem:$0x3FAE]  }
0x2c: {  	s7 =	sld [smem:$0x3FAF]  }
0x2d: {  	s3 =	simm.s32 $0x108;
	s8 =	sld [smem:$0x3FB0]  }
0x2e: {  	s3 =	simm.s32 @!p0 $0x1082;
	s9 =	sld [smem:$0x3FB1]  }
0x2f: {  	lr =	sadd.s32 s0, s3;
	s0 =	sld [smem:$0x3FA8]  }
0x30: {  	s3 =	sld [smem:$0x3FAB]  }
0x31: {  	[smem:$0x3FB4] =	sst s10  }
0x32: {  	s10 =	sld [smem:$0x3FB2];
	_ =	sdelay $0x3  }
0x33: {  	p0 =	seq.s32 s10, $0x1;
	s10 =	sld [smem:$0x3FB4];
	_ =	sdelay $0x3  }
0x34: {  	[smem:$0x3FB4] =	sst s10  }
0x35: {  	s10 =	sld [smem:$0x3FB3];
	_ =	sdelay $0x3  }
0x36: {  	p1 =	seq.s32 s10, $0x1;
	s10 =	sld [smem:$0x3FB4];
	_ =	sdelay $0x3  }
0x37: {  	[smem:$0x3FB4] =	sst s10  }
0x38: {  	s10 =	sld [smem:$0x3FB5]  }
0x39: {  	_ = 	snop;
	(pc) =	sbr.ind lr, $3  }
0x3a: {  	_ = 	snop  }
0x3b: {  	_ = 	snop  }
0x3c: {  	p2 =	seq.s32 s10, $0x1;
	s10 =	sld [smem:$0x3FB4]  }
0x3d: {  	_ =	shalt  }
0x3e: {  	_ =	shalt  }
0x3f: {  	_ =	shalt  }
0x40: {  	_ =	shalt  }
0x41: {  	_ =	shalt  }
0x42: {  	_ =	shalt  }
0x43: {  	_ =	shalt  }
0x44: {  	_ =	shalt  }
0x45: {  	_ =	shalt  }
0x46: {  	_ =	shalt  }
0x47: {  	_ =	shalt  }
0x48: {  	_ =	shalt  }
0x49: {  	_ =	shalt  }
0x4a: {  	_ =	shalt  }
0x4b: {  	_ =	shalt  }
0x4c: {  	_ =	shalt  }
0x4d: {  	_ =	shalt  }
0x4e: {  	_ =	shalt  }
0x4f: {  	_ =	shalt  }
0x50: {  	_ =	shalt  }
0x51: {  	_ =	shalt  }
0x52: {  	_ =	shalt  }
0x53: {  	_ =	shalt  }
0x54: {  	_ =	shalt  }
0x55: {  	_ =	shalt  }
0x56: {  	_ =	shalt  }
0x57: {  	_ =	shalt  }
0x58: {  	_ =	shalt  }
0x59: {  	_ =	shalt  }
0x5a: {  	_ =	shalt  }
0x5b: {  	_ =	shalt  }
0x5c: {  	_ =	shalt  }
0x5d: {  	_ =	shalt  }
0x5e: {  	_ =	shalt  }
0x5f: {  	_ =	shalt  }
0x60: {  	_ =	shalt  }
0x61: {  	_ =	shalt  }
0x62: {  	_ =	shalt  }
0x63: {  	_ =	shalt  }
0x64: {  	_ =	shalt  }
0x65: {  	_ =	shalt  }
0x66: {  	_ =	shalt  }
0x67: {  	_ =	shalt  }
0x68: {  	_ =	shalt  }
0x69: {  	_ =	shalt  }
0x6a: {  	_ =	shalt  }
0x6b: {  	_ =	shalt  }
0x6c: {  	_ =	shalt  }
0x6d: {  	_ =	shalt  }
0x6e: {  	_ =	shalt  }
0x6f: {  	_ =	shalt  }
0x70: {  	_ =	shalt  }
0x71: {  	_ =	shalt  }
0x72: {  	_ =	shalt  }
0x73: {  	_ =	shalt  }
0x74: {  	_ =	shalt  }
0x75: {  	_ =	shalt  }
0x76: {  	_ =	shalt  }
0x77: {  	_ =	shalt  }
0x78: {  	_ =	shalt  }
0x79: {  	_ =	shalt  }
0x7a: {  	_ =	shalt  }
0x7b: {  	_ =	shalt  }
0x7c: {  	_ =	shalt  }
0x7d: {  	_ =	shalt  }
0x7e: {  	_ =	shalt  }
0x7f: {  	_ =	shalt  }
0x80: {  	_ =	shalt  }
0x81: {  	_ =	shalt  }
0x82: {  	_ =	shalt  }
0x83: {  	_ =	shalt  }
0x84: {  	_ =	shalt  }
0x85: {  	_ =	shalt  }
0x86: {  	_ =	shalt  }
0x87: {  	_ =	shalt  }
.Lfunc_end0:
.L_simem_size_0:
called_computation_lowered:
.L_overlay_start_0:
0x88: {  	s2 =	sld [smem:$0x3FD9]  }
0x89: {  	s3 =	sld [smem:$0x3FFE];
	_ =	sdelay $0x1  }
0x8a: {  	s1 =	srdreg.scid  }
0x8b: {  	s0 =	sand.u32 $0x1, s1  }
0x8c: {  	s14 =	sshll.u32 s0, $0xA;
	s2 =	sadd.s32 s3, s2  }
0x8d: {  	s2 =	sadd.s32 s2, s14  }
0x8e: {  	[smem:$0x3FC0] =	sst s2  }
0x8f: {  	_ = 	snop  }
0x90: {  	s2 =	sld [smem:$0x3FD0];
	_ =	sdelay $0x2  }
0x91: {  	s15 =	simm.s32 $0xA;
	s4 =	simm.s32 $0x10  }
0x92: {  	[smem:s4], [sflag:s15] =	dma.local [hbm:s2], $0x1  }
0x93: {  	_ =	swait.eq [sflag:s15], $0x1  }
0x94: {  	[sflag:s15] =	ssyncset.done $0x0  }
0x95: {  	s16 =	sld [smem:$0x10];
	[sflag:s15] =	ssyncadd.s32 $0xFFFFFFFF  }
0x96: {  	s17 =	sld [smem:$0x11];
	(tm) =	ssettm $0x1  }
0x97: {  	s18 =	sld [smem:$0x3FFB];
	_ =	sdelay $0x3  }
0x98: {  	_ =	strace s18  }
0x99: {  	s4 =	sld [smem:$0x3FFC];
	_ =	sdelay $0x3  }
0x9a: {  	_ =	strace s4  }
0x9b: {  	s4 =	sld [smem:$0x3FFD];
	_ =	sdelay $0x3  }
0x9c: {  	_ =	strace s4  }
0x9d: {  	_ =	strace $0x8FFFFFFF  }
0x9e: {  	s19 =	sld [smem:$0x3FDB];
	_ =	sdelay $0x1  }
0x9f: {  	s5 =	simm.s32 $_scs_section_size  }
0xa0: {  	s6 =	simm.s32 $_size__tile_overlayer_lowered;
	s7 =	simm.s32 $_tile_overlayer_lowered  }
0xa1: {  	s22 =	simm.s32 $0x1BFF;
	s21 =	sshll.u32 s7, $0x1;
	s4 =	sadd.s32 s5, s19  }
0xa2: {  	s8 =	simm.s32 $0x0;
	s20 =	sshll.u32 s6, $0x1;
	s6 =	sadd.s32 s21, s4  }
0xa3: {  	[timem:s8], [sflag:s22] =	dma.local [hbm:s6], s20  }
0xa4: {  	_ =	swait.ge [sflag:s22], s20  }
0xa5: {  	s5 =	ssub.s32 $0x0, s20;
	[sflag:s22] =	ssyncset.done $0x0  }
0xa6: {  	[sflag:s22] =	ssyncadd.s32 s5;
	_ =	sdelay $0x1  }
0xa7: {  	s23 =	simm.s32 $0x1B8B  }
0xa8: {  	_ =	swait.ge [sflag:s23], $0x1  }
0xa9: {  	[sflag:s23] =	ssyncset.done $0x0  }
0xaa: {  	s25 =	simm.s32 $0x1B8E;
	s24 =	sld [smem:$0x3FFE];
	[sflag:s23] =	ssyncadd.s32 $0xFFFFFFFF  }
0xab: {  	s26 =	simm.s32 $execute0_lowered;
	[smem:$0x3FD2] =	sst s25  }
0xac: {  	s6 =	sshll.u32 s26, $0x1;
	_ =	strace $0x80000046;
	[dreg:$0x1] =	wrdreg $0xFFFFFFFF  }
0xad: {  	s28 =	simm.s32 $_size_execute0_lowered;
	s4 =	sadd.s32 s4, s6;
	[dreg:$0x0] =	wrdreg $0x0  }
0xae: {  	s6 =	sshll.u32 s28, $0x1;
	[dreg:$0x2] =	wrdreg s4  }
0xaf: {  	[dreg:$0x3] =	wrdreg s6  }
0xb0: {  	[dreg:$0x4] =	wrdreg $0xC0  }
0xb1: {  	_ =	task [dreg:s8], $0x5FFFF  }
0xb2: {  	[dreg:$0x1] =	wrdreg $0xFFFFFFFF  }
0xb3: {  	[dreg:$0x0] =	wrdreg $0x60  }
0xb4: {  	[dreg:$0x2] =	wrdreg s16  }
0xb5: {  	[dreg:$0x3] =	wrdreg s17  }
0xb6: {  	[dreg:$0x4] =	wrdreg s24  }
0xb7: {  	[dreg:$0x5] =	wrdreg $0x68000  }
0xb8: {  	[dreg:$0x6] =	wrdreg $0x9  }
0xb9: {  	_ =	task.clear_ibuf [dreg:s8], $0x7FFFF;
	_ =	strace $0x90000046  }
0xba: {  	s29 =	simm.s32 $0x9;
	_ =	strace $0x80000048  }
0xbb: {  	_ =	swait.ge [sflag:s29], $0x1  }
0xbc: {  	[sflag:s29] =	ssyncadd.s32 $0xFFFFFFFF  }
0xbd: {  	_ =	strace $0x90000048  }
0xbe: {  	_ =	sfence  }
0xbf: {  	s30 =	sld [smem:$0x0];
	_ =	sdelay $0x2  }
0xc0: {  	s31 =	sshll.u32 s1, $0xD;
	s1 =	sshrl.u32 s1, $0x2  }
0xc1: {  	s3 =	sand.u32 $0x4000, s31;
	s1 =	sadd.s32 s1, s30  }
0xc2: {  	s0 =	sor.u32 s3, s0;
	s1 =	sshll.u32 s1, $0x11  }
0xc3: {  	s0 =	sor.u32 s1, s0  }
0xc4: {  	s0 =	sadd.s32 $0x8F2B, s0  }
0xc5: {  	[sflag:s0] =	ssyncadd.remote.s32 $0x1  }
0xc6: {  	_ =	sfence.sel $0xFFFF  }
0xc7: {  	[dreg:$0x0] =	wrdreg $0xFFFFFFFF;
	(pc) =	sbr.abs _section_cstart, $3  }
0xc8: {  	[dreg:$0x1] =	wrdreg $0xFFFFFFFF  }
0xc9: {  	_ =	task.clear_ibuf [dreg:s8], $0x2FFFF;
	_ =	strace $0x9FFFFFFF  }
0xca: {  	(tm) =	ssettm $0x7FFFFFFF  }
0xcb: {  	_ =	shalt  }
tec
execute0_lowered:
.L_overlay_start_1:
0x0: {  	(tag) =	ssettag $0x1  }
0x1: {  	s1 =	rddreg [dreg:$0x0]  }
0x2: {  	s6 =	rddreg [dreg:$0x1]  }
0x3: {  	s5 =	rddreg [dreg:$0x2]  }
0x4: {  	s3 =	rddreg [dreg:$0x3]  }
0x5: {  	s0 =	stileid.u32;
	s8 =	srdreg.scid  }
0x6: {  	s2 =	rddreg [dreg:$0x4];
	s4 =	simm.s32 $0x0;
	s13 =	simm.s32 $0x80  }
0x7: {  	s14 =	simm.s32 $0x1;
	s15 =	simm.s32 $0x0;
	s7 =	smul.u32 $0x14000, s0  }
0x8: {  	s8 =	sand.u32 $0x1, s8;
	[smem:$0x7FF] =	sst s4;
	s28 =	smul.u32 $0x50000, s0  }
0x9: {  	s11 =	sshll.u32 s0, $0x1;
	s31 =	sshll.u32 s0, $0x6;
	s10 =	smul.u32 $0x140000, s8  }
0xa: {  	_ =	strace $0x80000047;
	s12 =	ssub.s32 $0x2, s8;
	s8 =	sor.u32 s8, s11  }
0xb: {  	s9 =	sshrl.u32 s7, $0x3;
	s29 =	sshrl.u32 s12, $0x1;
	s8 =	smul.u32 $0x500, s8  }
0xc: {  	s9 =	sadd.s32 s9, s5;
	s7 =	sadd.s32 s7, s10;
	s10 =	sshrl.u32 s28, $0x2  }
0xd: {  	s11 =	ssub.s32 s12, s29;
	s7 =	sshrl.u32 s7, $0x3;
	s30 =	sadd.s32 s10, s3  }
0xe: {  	s6 =	sadd.s32 s6, s8;
	s8 =	smax.u32 s11, $0x1;
	s10 =	simm.s32 $0x2  }
0xf: {  	s11 =	sor.u32 $0x1C02, s31;
	s7 =	sadd.s32 s7, s5;
	s5 =	sadd.s32 $0x2C00, s9  }
0x10: {  	s9 =	simm.s32 $0x2800;
	s12 =	sshrl.u32 s30, $0x3;
	s7 =	sadd.s32 $0x2AC00, s7  }
.LBB2_1:
0x11: {  	[tilespmem:s9], [sflag:$0x2] =	stream.linear.gather [hbm4b:s1+s4], $0x4000, $0x38;
	[tilespmem:$0x1A800] =	vst v63  }
0x12: {  	_ =	swait.ge [sflag:s10], $0x4000  }
0x13: {  	[sflag:s10] =	ssyncset.done $0x0  }
0x14: {  	[sflag:s10] =	ssyncadd.s32 $0xFFFFC000  }
0x15: {  	[spmem:s12], [sflag:s11] =	dma.local [hbm:s5], $0x2800  }
0x16: {  	_ =	swait.ge [sflag:s10], $0x2800  }
0x17: {  	[sflag:s10] =	ssyncset.done $0x0  }
0x18: {  	[sflag:s10] =	ssyncadd.s32 $0xFFFFD800  }
0x19: {  	[bflag:$0x0] =	sbarrier.arrive $0xFFFF  }
0x1a: {  	[tilespmem:s4], [sflag:$0x2] =	stream.linear.gather [hbm4b:s6+s4], $0x2800, $0x38;
	[tilespmem:$0x1A800] =	vst v63  }
0x1b: {  	_ =	swait.ge [sflag:s10], $0x2800  }
0x1c: {  	[sflag:s10] =	ssyncset.done $0x0  }
0x1d: {  	s16 =	simm.s32 $0x0;
	[sflag:s10] =	ssyncadd.s32 $0xFFFFD800  }
0x1e: {  	[spmem:s3] =	stream.indirect.scatter.add.f32 [tilespmem:s9], [sflag:$0x1], $0x80, s16, s13, $0xb8;
	[tilespmem:$0x1A800] =	vst v63  }
0x1f: {  	s29 =	simm.s32 $0x80  }
0x20: {  	[spmem:s3] =	stream.indirect.scatter.add.f32 [tilespmem:s9], [sflag:$0x1], $0x80, s29, s13, $0xb8;
	[tilespmem:$0x1A800] =	vst v63  }
0x21: {  	s30 =	simm.s32 $0x100  }
0x22: {  	[spmem:s3] =	stream.indirect.scatter.add.f32 [tilespmem:s9], [sflag:$0x1], $0x80, s30, s13, $0xb8;
	[tilespmem:$0x1A800] =	vst v63  }
0x23: {  	s31 =	simm.s32 $0x180  }
0x24: {  	[spmem:s3] =	stream.indirect.scatter.add.f32 [tilespmem:s9], [sflag:$0x1], $0x80, s31, s13, $0xb8;
	[tilespmem:$0x1A800] =	vst v63  }
0x25: {  	_ =	swait.ge [sflag:s14], $0x4000  }
0x26: {  	[sflag:s14] =	ssyncset.done $0x0  }
0x27: {  	[sflag:s14] =	ssyncadd.s32 $0xFFFFC000  }
0x28: {  	_ =	swait.ge [sflag:s14], $0x4000  }
0x29: {  	[sflag:s14] =	ssyncset.done $0x0  }
0x2a: {  	[sflag:s14] =	ssyncadd.s32 $0xFFFFC000  }
0x2b: {  	_ =	swait.ge [sflag:s14], $0x4000  }
0x2c: {  	[sflag:s14] =	ssyncset.done $0x0  }
0x2d: {  	[sflag:s14] =	ssyncadd.s32 $0xFFFFC000  }
0x2e: {  	_ =	swait.ge [sflag:s14], $0x4000  }
0x2f: {  	s17 =	simm.s32 $0x1000;
	s16 =	simm.s32 $0x800;
	[sflag:s14] =	ssyncset.done $0x0  }
.LBB2_2:
0x30: {  	s18 =	sshra.s32 s16, $0x2  }
0x31: {  	[sflag:s14] =	ssyncadd.s32 $0xFFFFC000;
	s16 =	smov.u32 s17;
	s19 =	sadd.s32 $0x800, s17  }
0x32: {  	[spmem:s3] =	stream.indirect.scatter.add.f32 [tilespmem:s9], [sflag:$0x1], $0x80, s18, s13, $0xb8;
	[tilespmem:$0x1A800] =	vst v63  }
0x33: {  	p0 =	sne.s32 s17, $0x9800;
	s17 =	sadd.s32 $0x80, s18  }
0x34: {  	[spmem:s3] =	stream.indirect.scatter.add.f32 [tilespmem:s9], [sflag:$0x1], $0x80, s17, s13, $0xb8;
	[tilespmem:$0x1A800] =	vst v63  }
0x35: {  	s17 =	sadd.s32 $0x100, s18  }
0x36: {  	[spmem:s3] =	stream.indirect.scatter.add.f32 [tilespmem:s9], [sflag:$0x1], $0x80, s17, s13, $0xb8;
	[tilespmem:$0x1A800] =	vst v63  }
0x37: {  	s17 =	sadd.s32 $0x180, s18  }
0x38: {  	[spmem:s3] =	stream.indirect.scatter.add.f32 [tilespmem:s9], [sflag:$0x1], $0x80, s17, s13, $0xb8;
	[tilespmem:$0x1A800] =	vst v63  }
0x39: {  	_ =	swait.ge [sflag:s14], $0x4000  }
0x3a: {  	[sflag:s14] =	ssyncset.done $0x0  }
0x3b: {  	[sflag:s14] =	ssyncadd.s32 $0xFFFFC000  }
0x3c: {  	_ =	swait.ge [sflag:s14], $0x4000  }
0x3d: {  	[sflag:s14] =	ssyncset.done $0x0  }
0x3e: {  	[sflag:s14] =	ssyncadd.s32 $0xFFFFC000  }
.Ltmp0:
0x3f: {  	_ =	swait.ge [sflag:s14], $0x4000;
	(pc) =	sbr.rel @p0 .LBB2_2-.Ltmp0, $4  }
0x40: {  	[sflag:s14] =	ssyncset.done $0x0  }
0x41: {  	[sflag:s14] =	ssyncadd.s32 $0xFFFFC000  }
0x42: {  	_ =	swait.ge [sflag:s14], $0x4000  }
0x43: {  	s17 =	smov.u32 s19;
	[sflag:s14] =	ssyncset.done $0x0  }
0x44: {  	s16 =	sshra.s32 s16, $0x2;
	[sflag:s14] =	ssyncadd.s32 $0xFFFFC000  }
0x45: {  	[spmem:s3] =	stream.indirect.scatter.add.f32 [tilespmem:s9], [sflag:$0x1], $0x80, s16, s13, $0xb8;
	[tilespmem:$0x1A800] =	vst v63  }
0x46: {  	s17 =	sadd.s32 $0x80, s16  }
0x47: {  	[spmem:s3] =	stream.indirect.scatter.add.f32 [tilespmem:s9], [sflag:$0x1], $0x80, s17, s13, $0xb8;
	[tilespmem:$0x1A800] =	vst v63  }
0x48: {  	s31 =	sadd.s32 $0x100, s16  }
0x49: {  	[spmem:s3] =	stream.indirect.scatter.add.f32 [tilespmem:s9], [sflag:$0x1], $0x80, s31, s13, $0xb8;
	[tilespmem:$0x1A800] =	vst v63  }
0x4a: {  	s16 =	sadd.s32 $0x180, s16  }
0x4b: {  	[spmem:s3] =	stream.indirect.scatter.add.f32 [tilespmem:s9], [sflag:$0x1], $0x80, s16, s13, $0xb8;
	[tilespmem:$0x1A800] =	vst v63  }
0x4c: {  	_ =	swait.ge [sflag:s14], $0x4000  }
0x4d: {  	[sflag:s14] =	ssyncset.done $0x0  }
0x4e: {  	[sflag:s14] =	ssyncadd.s32 $0xFFFFC000  }
0x4f: {  	_ =	swait.ge [sflag:s14], $0x4000  }
0x50: {  	[sflag:s14] =	ssyncset.done $0x0  }
0x51: {  	[sflag:s14] =	ssyncadd.s32 $0xFFFFC000  }
0x52: {  	_ =	swait.ge [sflag:s14], $0x4000  }
0x53: {  	[sflag:s14] =	ssyncset.done $0x0  }
0x54: {  	[sflag:s14] =	ssyncadd.s32 $0xFFFFC000  }
0x55: {  	_ =	swait.ge [sflag:s14], $0x4000  }
0x56: {  	s15 =	sadd.s32 $0x1, s15;
	[sflag:s14] =	ssyncset.done $0x0  }
0x57: {  	p0 =	sne.s32 s15, s8;
	[sflag:s14] =	ssyncadd.s32 $0xFFFFC000  }
.Ltmp1:
0x58: {  	[bflag:$0x0] =	sbarrier.arrive $0xFFFF;
	(pc) =	sbr.rel @p0 .LBB2_1-.Ltmp1, $4  }
0x59: {  	[hbm:s7], [sflag:s11] =	dma.local [spmem:s12], $0x2800  }
0x5a: {  	_ =	swait.ge [sflag:s10], $0x2800  }
0x5b: {  	[sflag:s10] =	ssyncset.done $0x0  }
0x5c: {  	[sflag:s10] =	ssyncadd.s32 $0xFFFFD800  }
0x5d: {  	_ =	sfence.sel $0x180000  }
0x5e: {  	[bflag:$0x0] =	sbarrier.arrive $0xFFFF  }
0x5f: {  	p0 =	sne.s32 s0, $0x0;
	_ =	strace $0x90000047  }
0x60: {  	s0 =	sadd.s32 @!p0 $0x100000, s2;
	[bflag:$0x2] =	sbarrier.arrive $0xFFFF  }
0x61: {  	[sflag:s0] =	ssyncadd.tile.s32 @!p0 $0x1;
	_ =	shalt  }
.Lfunc_end2:
_tile_overlayer_lowered:
.L_overlay_start_2:
0x62: {  	(tag) =	ssettag $0x2  }
0x63: {  	s0 =	rddreg [dreg:$0x0];
	s2 =	stileid.u32  }
0x64: {  	s1 =	rddreg [dreg:$0x1];
	p0 =	sne.s32 s2, $0x0  }
0x65: {  	s3 =	rddreg [dreg:$0x2];
	[bflag:$0x3] =	sbarrier.arrive $0xFFFF;
	s2 =	simm.s32 @!p0 $0x1C02  }
0x66: {  	[timem:s3], [sflag:s2] =	dma.local @!p0 [hbm:s0], s1  }
0x67: {  	s0 =	simm.s32 @!p0 $0x2  }
0x68: {  	_ =	swait.ge @!p0 [sflag:s0], s1  }
0x69: {  	s1 =	ssub.s32 @!p0 $0x0, s1;
	[sflag:s0] =	ssyncset.done @!p0 $0x0  }
0x6a: {  	[sflag:s0] =	ssyncadd.s32 @!p0 s1  }
0x6b: {  	[bflag:$0x3] =	sbarrier.arrive $0xFFFF  }
0x6c: {  	_ =	shalt  }

</sc_bundles>
